<compile_context>
chip_gen: v7x
topology: tpu7x:2x2x1
jax: 0.10.2.dev20260603
libtpu: 0.0.44.dev20260713+nightly
codegen_flags: <defaults>
</compile_context>

<pallas_src>
import functools

import jax
import jax.numpy as jnp
from jax import lax
from jax.experimental import pallas as pl
from jax.experimental.pallas import tpu as pltpu
import jax.experimental.pallas.tpu_sc as plsc

N = 10000
E = 320000
D = 128
H = 128
C = 64

NC = 2
NS = 16
NW = NC * NS
NP = 10240
RPT = NP // NS
EPW = E // NW
K = 128
ITERS = EPW // K
KT = EPW - ITERS * K
NBUF = 2
LOOPN = ITERS // NBUF
DR = 8

_MESH = plsc.VectorSubcoreMesh(core_axis_name="c", subcore_axis_name="s",
                               num_cores=NC, num_subcores=NS)


def _sc_agg_body(h_hbm, src_hbm, dst_hbm, z2d_hbm, agg_out,
                 src_v, dst_v, sd_v, rows_v, srct_v, dstt_v, rowst_v,
                 shared_agg, isem, gsem):
    cid = lax.axis_index("c")
    sid = lax.axis_index("s")
    wid = cid * NS + sid
    ebase = wid * EPW
    sd_hbm = src_hbm.at[pl.ds(0, 2 * K)]

    pltpu.sync_copy(z2d_hbm, shared_agg.at[pl.ds(sid * RPT, RPT)])
    plsc.subcore_barrier()

    def idx_off(i):
        return pl.multiple_of(ebase + lax.rem(i, ITERS) * K, 8)

    for c in range(NBUF):
        pltpu.sync_copy(src_hbm.at[pl.ds(idx_off(c), K)], src_v[c])
        pltpu.sync_copy(dst_hbm.at[pl.ds(idx_off(c), K)], dst_v[c])
        pltpu.async_copy(h_hbm.at[src_v[c]], rows_v[c], gsem[c])

    def body(t, carry):
        i = NBUF * t
        for c in range(NBUF):
            pltpu.make_async_copy(h_hbm.at[src_v[c]], rows_v[c],
                                  gsem[c]).wait()
            pltpu.sync_copy(rows_v[c], shared_agg.at[dst_v[c]], add=True)
            pltpu.async_copy(src_hbm.at[pl.ds(idx_off(i + NBUF + c), K)],
                             src_v[c], isem[c])
            pltpu.async_copy(dst_hbm.at[pl.ds(idx_off(i + NBUF + c), K)],
                             dst_v[c], isem[c])
        for c in range(NBUF):
            pltpu.make_async_copy(sd_hbm, sd_v, isem[c]).wait()
            pltpu.async_copy(h_hbm.at[src_v[c]], rows_v[c], gsem[c])
        return carry

    lax.fori_loop(0, LOOPN, body, 0)
    for c in range(NBUF):
        pltpu.make_async_copy(h_hbm.at[src_v[c]], rows_v[c], gsem[c]).wait()
    toff = pl.multiple_of(ebase + ITERS * K, 8)
    pltpu.sync_copy(src_hbm.at[pl.ds(toff, KT)], srct_v)
    pltpu.sync_copy(dst_hbm.at[pl.ds(toff, KT)], dstt_v)
    pltpu.async_copy(h_hbm.at[srct_v], rowst_v, gsem[0]).wait()
    pltpu.sync_copy(rowst_v, shared_agg.at[dstt_v], add=True)
    plsc.subcore_barrier()

    pltpu.sync_copy(shared_agg.at[pl.ds(sid * RPT, RPT)],
                    agg_out.at[cid, pl.ds(sid * RPT, RPT)])


_sc_agg = pl.kernel(
    _sc_agg_body,
    out_type=[jax.ShapeDtypeStruct((NC, NP, H), jnp.float32)],
    mesh=_MESH,
    scratch_types=[
        [pltpu.VMEM((K,), jnp.int32)] * NBUF,
        [pltpu.VMEM((K,), jnp.int32)] * NBUF,
        pltpu.VMEM((2 * K,), jnp.int32),
        [pltpu.VMEM((K, H), jnp.float32)] * NBUF,
        pltpu.VMEM((KT,), jnp.int32),
        pltpu.VMEM((KT,), jnp.int32),
        pltpu.VMEM((KT, H), jnp.float32),
        pltpu.VMEM_SHARED((NP, H), jnp.float32),
        [pltpu.SemaphoreType.DMA] * NBUF,
        [pltpu.SemaphoreType.DMA] * NBUF,
    ],
    name="sc_sage_agg",
)


def _sc_deg_body(dst_hbm, zdeg_hbm, deg_out, dst_v, deg8_v):
    cid = lax.axis_index("c")
    sid = lax.axis_index("s")
    wid = cid * NS + sid

    pltpu.sync_copy(zdeg_hbm, deg8_v.at[pl.ds(0, DR * NP)])
    pltpu.sync_copy(dst_hbm.at[wid], dst_v)
    lanes = jax.lax.iota(jnp.int32, 16)
    row_base = jnp.bitwise_and(lanes, DR - 1) * NP
    mask_lo = lanes < 8
    mask_hi = lanes >= 8
    dump = DR * NP + lanes
    ones16 = jnp.ones((16,), jnp.float32)

    def body(g, carry):
        a16 = row_base + dst_v[pl.ds(g * 16, 16)]
        plsc.addupdate_scatter(deg8_v, [jnp.where(mask_lo, a16, dump)],
                               ones16)
        plsc.addupdate_scatter(deg8_v, [jnp.where(mask_hi, a16, dump)],
                               ones16)
        return carry

    lax.fori_loop(0, EPW // 16, body, 0)

    def dbody(g, carry):
        acc = deg8_v[pl.ds(g * 16, 16)]
        for r in range(1, DR):
            acc = acc + deg8_v[pl.ds(r * NP + g * 16, 16)]
        deg8_v[pl.ds(g * 16, 16)] = acc
        return carry

    lax.fori_loop(0, NP // 16, dbody, 0)
    pltpu.sync_copy(deg8_v.at[pl.ds(0, NP)], deg_out.at[wid])


_sc_deg = pl.kernel(
    _sc_deg_body,
    out_type=[jax.ShapeDtypeStruct((NW, NP), jnp.float32)],
    mesh=_MESH,
    scratch_types=[
        pltpu.VMEM((EPW,), jnp.int32),
        pltpu.VMEM((DR * NP + 16,), jnp.float32),
    ],
    compiler_params=pltpu.CompilerParams(needs_layout_passes=False),
    name="sc_sage_deg",
)


def _layer0_kernel(h_ref, agg_ref, parts_ref, ws_ref, wn_ref, b_ref,
                   out_ref, rdeg_ref):
    rdeg = (1.0 / jnp.maximum(jnp.sum(parts_ref[...], axis=0), 1.0))[:, None]
    rdeg_ref[...] = rdeg
    hn = (agg_ref[0] + agg_ref[1]) * rdeg
    z = (jnp.dot(h_ref[...], ws_ref[...], preferred_element_type=jnp.float32)
         + jnp.dot(hn, wn_ref[...], preferred_element_type=jnp.float32)
         + b_ref[...])
    out_ref[...] = jnp.maximum(z, 0.0)


def _layer_kernel(mode, h_ref, agg_ref, rdeg_ref, ws_ref, wn_ref, b_ref,
                  out_ref):
    hn = (agg_ref[0] + agg_ref[1]) * rdeg_ref[...]
    z = (jnp.dot(h_ref[...], ws_ref[...], preferred_element_type=jnp.float32)
         + jnp.dot(hn, wn_ref[...], preferred_element_type=jnp.float32)
         + b_ref[...])
    if mode == "relu":
        z = jnp.maximum(z, 0.0)
    elif mode == "logsoftmax":
        m = jnp.max(z, axis=-1, keepdims=True)
        e = z - m
        z = e - jnp.log(jnp.sum(jnp.exp(e), axis=-1, keepdims=True))
    out_ref[...] = z


RB = 1280
_GRID = NP // RB


def _tc_layer(h, agg, rdeg, ws, wn, b, mode):
    din, dout = ws.shape
    return pl.pallas_call(
        functools.partial(_layer_kernel, mode),
        grid=(_GRID,),
        in_specs=[
            pl.BlockSpec((RB, din), lambda i: (i, 0)),
            pl.BlockSpec((NC, RB, H), lambda i: (0, i, 0)),
            pl.BlockSpec((RB, 1), lambda i: (i, 0)),
            pl.BlockSpec((din, dout), lambda i: (0, 0)),
            pl.BlockSpec((H, dout), lambda i: (0, 0)),
            pl.BlockSpec((1, dout), lambda i: (0, 0)),
        ],
        out_specs=pl.BlockSpec((RB, dout), lambda i: (i, 0)),
        out_shape=jax.ShapeDtypeStruct((NP, dout), jnp.float32),
        name=f"tc_sage_layer_{mode}",
    )(h, agg, rdeg, ws, wn, b)


def _tc_layer0(h, agg, deg_parts, ws, wn, b):
    din, dout = ws.shape
    return pl.pallas_call(
        _layer0_kernel,
        grid=(_GRID,),
        in_specs=[
            pl.BlockSpec((RB, din), lambda i: (i, 0)),
            pl.BlockSpec((NC, RB, H), lambda i: (0, i, 0)),
            pl.BlockSpec((NW, RB), lambda i: (0, i)),
            pl.BlockSpec((din, dout), lambda i: (0, 0)),
            pl.BlockSpec((H, dout), lambda i: (0, 0)),
            pl.BlockSpec((1, dout), lambda i: (0, 0)),
        ],
        out_specs=[
            pl.BlockSpec((RB, dout), lambda i: (i, 0)),
            pl.BlockSpec((RB, 1), lambda i: (i, 0)),
        ],
        out_shape=[
            jax.ShapeDtypeStruct((NP, dout), jnp.float32),
            jax.ShapeDtypeStruct((NP, 1), jnp.float32),
        ],
        name="tc_sage_layer0",
    )(h, agg, deg_parts, ws, wn, b)


def kernel(x, edge_index, W_self0, W_neigh0, b0, W_self1, W_neigh1, b1,
           W_self2, W_neigh2, b2):
    src = edge_index[0]
    dst = edge_index[1]
    dst2 = dst.reshape(NW, EPW)
    x_pad = jnp.zeros((NP, D), jnp.float32).at[:N].set(x)
    z_h = jnp.zeros((RPT, H), jnp.float32)
    z_deg = jnp.zeros((DR * NP,), jnp.float32)

    (deg_parts,) = _sc_deg(dst2, z_deg)
    (agg0,) = _sc_agg(x_pad, src, dst, z_h)
    h1, rdeg = _tc_layer0(x_pad, agg0, deg_parts, W_self0, W_neigh0,
                          b0[None, :])
    (agg1,) = _sc_agg(h1, src, dst, z_h)
    h2 = _tc_layer(h1, agg1, rdeg, W_self1, W_neigh1, b1[None, :], "relu")
    (agg2,) = _sc_agg(h2, src, dst, z_h)
    out = _tc_layer(h2, agg2, rdeg, W_self2, W_neigh2, b2[None, :],
                    "logsoftmax")
    return out[:N]

# --- scband reference (transcript-rebuilt; emitter-appended) ---
"""Pipeline reference for scband-sage-6055903887402 (READ-ONLY COPY).

The authoritative reference and input builder live on the scoring server;
editing this copy changes nothing except your own understanding.
"""

import jax, jax.numpy as jnp
import numpy as np

N = 10000
E = 320000
D = 128
H = 128
C = 64


def setup_inputs(seed: int = 0) -> dict:
    key = jax.random.key(seed)
    ks = jax.random.split(key, 12)
    x = jax.random.normal(ks[0], (N, D), dtype=jnp.float32)
    edge_index = jax.random.randint(ks[1], (2, E), 0, N, dtype=jnp.int32)
    # DGL SAGEConv('mean') params per layer: fc_self (no bias), fc_neigh (bias)
    W_self0 = jax.random.normal(ks[2], (D, H), dtype=jnp.float32) * (1.0 / np.sqrt(D))
    W_neigh0 = jax.random.normal(ks[3], (D, H), dtype=jnp.float32) * (1.0 / np.sqrt(D))
    b0 = jnp.zeros((H,), dtype=jnp.float32)
    W_self1 = jax.random.normal(ks[4], (H, H), dtype=jnp.float32) * (1.0 / np.sqrt(H))
    W_neigh1 = jax.random.normal(ks[5], (H, H), dtype=jnp.float32) * (1.0 / np.sqrt(H))
    b1 = jnp.zeros((H,), dtype=jnp.float32)
    W_self2 = jax.random.normal(ks[6], (H, C), dtype=jnp.float32) * (1.0 / np.sqrt(H))
    W_neigh2 = jax.random.normal(ks[7], (H, C), dtype=jnp.float32) * (1.0 / np.sqrt(H))
    b2 = jnp.zeros((C,), dtype=jnp.float32)
    return {"x": x, "edge_index": edge_index,
            "W_self0": W_self0, "W_neigh0": W_neigh0, "b0": b0,
            "W_self1": W_self1, "W_neigh1": W_neigh1, "b1": b1,
            "W_self2": W_self2, "W_neigh2": W_neigh2, "b2": b2}


def _sage_layer(h, src, dst, w, W_self, W_neigh, b):
    # weighted mean aggregation over incoming edges (w = ones, as in forward)
    msg = h[src] * w[:, None]
    agg = jax.ops.segment_sum(msg, dst, num_segments=N)
    deg = jax.ops.segment_sum(w, dst, num_segments=N)
    h_neigh = agg / jnp.maximum(deg, 1.0)[:, None]
    return h @ W_self + h_neigh @ W_neigh + b


def reference(x, edge_index, W_self0, W_neigh0, b0, W_self1, W_neigh1, b1, W_self2, W_neigh2, b2):
    src = edge_index[0]
    dst = edge_index[1]
    w = jnp.ones((E,), dtype=jnp.float32)  # block.edata['w'] = ones
    h = _sage_layer(x, src, dst, w, W_self0, W_neigh0, b0)
    h = jax.nn.relu(h)  # activation; dropout is identity in eval
    h = _sage_layer(h, src, dst, w, W_self1, W_neigh1, b1)
    h = jax.nn.relu(h)
    h = _sage_layer(h, src, dst, w, W_self2, W_neigh2, b2)
    return jax.nn.log_softmax(h, axis=-1)

if __name__ == "__main__":
    import jax
    _d = setup_inputs()
    print(jax.jit(kernel)(*tuple(_d.values())))

</pallas_src>

<mosaic_0001>
#map = affine_map<(d0, d1) -> (0, 0)>
#map1 = affine_map<(d0, d1) -> (0)>
#map2 = affine_map<(d0, d1) -> (0, 0, 0)>
module attributes {stable_mosaic.version = 14 : i64} {
  func.func @sc_sage_agg(%arg0: i32, %arg1: i32, %arg2: memref<10240x128xf32, #tpu.memory_space<hbm>>, %arg3: memref<320000xi32, #tpu.memory_space<hbm>>, %arg4: memref<320000xi32, #tpu.memory_space<hbm>>, %arg5: memref<640x128xf32, #tpu.memory_space<hbm>>, %arg6: memref<2x10240x128xf32, #tpu.memory_space<hbm>>, %arg7: memref<128xi32, #tpu.memory_space<vmem>>, %arg8: memref<128xi32, #tpu.memory_space<vmem>>, %arg9: memref<128xi32, #tpu.memory_space<vmem>>, %arg10: memref<128xi32, #tpu.memory_space<vmem>>, %arg11: memref<256xi32, #tpu.memory_space<vmem>>, %arg12: memref<128x128xf32, #tpu.memory_space<vmem>>, %arg13: memref<128x128xf32, #tpu.memory_space<vmem>>, %arg14: memref<16xi32, #tpu.memory_space<vmem>>, %arg15: memref<16xi32, #tpu.memory_space<vmem>>, %arg16: memref<16x128xf32, #tpu.memory_space<vmem>>, %arg17: memref<10240x128xf32, #tpu.memory_space<vmem_shared>>, %arg18: memref<!tpu.dma_semaphore, #tpu.memory_space<semaphore_mem>>, %arg19: memref<!tpu.dma_semaphore, #tpu.memory_space<semaphore_mem>>, %arg20: memref<!tpu.dma_semaphore, #tpu.memory_space<semaphore_mem>>, %arg21: memref<!tpu.dma_semaphore, #tpu.memory_space<semaphore_mem>>) attributes {dimension_semantics = [#tpu.dimension_semantics<core_parallel>, #tpu.dimension_semantics<subcore_parallel>], iteration_bounds = array<i64: 2, 16>, scalar_prefetch = 0 : i64, scratch_operands = 15 : i64, tpu.core_type = #tpu.core_type<sc_vector_subcore>, window_params = [{transform_indices = #map}, {transform_indices = #map1}, {transform_indices = #map1}, {transform_indices = #map}, {transform_indices = #map2}]} {
    %mul3A = arith.constant 16 : i32
    %mul3A_0 = arith.muli %arg0, %mul3A : i32
    %add3A = arith.addi %mul3A_0, %arg1 : i32
    %mul3A_1 = arith.constant 10000 : i32
    %mul3A_2 = arith.muli %add3A, %mul3A_1 : i32
    %mul3A_3 = arith.constant 640 : i32
    %mul3A_4 = arith.muli %arg1, %mul3A_3 : i32
    "tpu.region"() ({
      %run_scoped3A = tpu.sem_alloc : memref<!tpu.dma_semaphore, #tpu.memory_space<semaphore_mem>>
      %dma_start3A_60 = arith.constant 0 : i32
      %dma_start3A_61 = tpu.memref_slice %arg17[%mul3A_4, %dma_start3A_60] : memref<10240x128xf32, #tpu.memory_space<vmem_shared>> -> memref<640x128xf32, #tpu.memory_space<vmem_shared>>
      tpu.enqueue_dma source(%arg5 : memref<640x128xf32, #tpu.memory_space<hbm>>) target(%dma_start3A_61 : memref<640x128xf32, #tpu.memory_space<vmem_shared>>) target_semaphore(%run_scoped3A : memref<!tpu.dma_semaphore, #tpu.memory_space<semaphore_mem>>)
      %dma_wait3A_62 = arith.constant 0 : i32
      %dma_wait3A_63 = tpu.memref_slice %arg17[%mul3A_4, %dma_wait3A_62] : memref<10240x128xf32, #tpu.memory_space<vmem_shared>> -> memref<640x128xf32, #tpu.memory_space<vmem_shared>>
      tpu.wait_dma2 semaphore(%run_scoped3A : memref<!tpu.dma_semaphore, #tpu.memory_space<semaphore_mem>>) src(%arg5 : memref<640x128xf32, #tpu.memory_space<hbm>>) dst(%dma_wait3A_63 : memref<640x128xf32, #tpu.memory_space<vmem_shared>>)
      tpu.yield
    }) : () -> ()
    %barrier3A = arith.constant 0 : index
    tpu.barrier barrier_id(%barrier3A)
    %rem3A = arith.constant 0 : i32
    %rem3A_5 = arith.constant 78 : i32
    %rem3A_6 = arith.remsi %rem3A, %rem3A_5 : i32
    %mul3A_7 = arith.constant 128 : i32
    %mul3A_8 = arith.muli %rem3A_6, %mul3A_7 : i32
    %add3A_9 = arith.addi %mul3A_2, %mul3A_8 : i32
    %multiple_of3A = tpu.assume_multiple %add3A_9, 8 : i32
    "tpu.region"() ({
      %run_scoped3A = tpu.sem_alloc : memref<!tpu.dma_semaphore, #tpu.memory_space<semaphore_mem>>
      %dma_start3A_60 = tpu.memref_slice %arg3[%multiple_of3A] : memref<320000xi32, #tpu.memory_space<hbm>> -> memref<128xi32, #tpu.memory_space<hbm>>
      %dma_start3A_61 = tpu.memref_slice %arg3[%multiple_of3A] : memref<320000xi32, #tpu.memory_space<hbm>> -> memref<128xi32, #tpu.memory_space<hbm>>
      tpu.enqueue_dma source(%dma_start3A_61 : memref<128xi32, #tpu.memory_space<hbm>>) target(%arg7 : memref<128xi32, #tpu.memory_space<vmem>>) target_semaphore(%run_scoped3A : memref<!tpu.dma_semaphore, #tpu.memory_space<semaphore_mem>>)
      %dma_wait3A_62 = tpu.memref_slice %arg3[%multiple_of3A] : memref<320000xi32, #tpu.memory_space<hbm>> -> memref<128xi32, #tpu.memory_space<hbm>>
      %dma_wait3A_63 = tpu.memref_slice %arg3[%multiple_of3A] : memref<320000xi32, #tpu.memory_space<hbm>> -> memref<128xi32, #tpu.memory_space<hbm>>
      tpu.wait_dma2 semaphore(%run_scoped3A : memref<!tpu.dma_semaphore, #tpu.memory_space<semaphore_mem>>) src(%dma_wait3A_63 : memref<128xi32, #tpu.memory_space<hbm>>) dst(%arg7 : memref<128xi32, #tpu.memory_space<vmem>>)
      tpu.yield
    }) : () -> ()
    %rem3A_10 = arith.constant 0 : i32
    %rem3A_11 = arith.constant 78 : i32
    %rem3A_12 = arith.remsi %rem3A_10, %rem3A_11 : i32
    %mul3A_13 = arith.constant 128 : i32
    %mul3A_14 = arith.muli %rem3A_12, %mul3A_13 : i32
    %add3A_15 = arith.addi %mul3A_2, %mul3A_14 : i32
    %multiple_of3A_16 = tpu.assume_multiple %add3A_15, 8 : i32
    "tpu.region"() ({
      %run_scoped3A = tpu.sem_alloc : memref<!tpu.dma_semaphore, #tpu.memory_space<semaphore_mem>>
      %dma_start3A_60 = tpu.memref_slice %arg4[%multiple_of3A_16] : memref<320000xi32, #tpu.memory_space<hbm>> -> memref<128xi32, #tpu.memory_space<hbm>>
      %dma_start3A_61 = tpu.memref_slice %arg4[%multiple_of3A_16] : memref<320000xi32, #tpu.memory_space<hbm>> -> memref<128xi32, #tpu.memory_space<hbm>>
      tpu.enqueue_dma source(%dma_start3A_61 : memref<128xi32, #tpu.memory_space<hbm>>) target(%arg9 : memref<128xi32, #tpu.memory_space<vmem>>) target_semaphore(%run_scoped3A : memref<!tpu.dma_semaphore, #tpu.memory_space<semaphore_mem>>)
      %dma_wait3A_62 = tpu.memref_slice %arg4[%multiple_of3A_16] : memref<320000xi32, #tpu.memory_space<hbm>> -> memref<128xi32, #tpu.memory_space<hbm>>
      %dma_wait3A_63 = tpu.memref_slice %arg4[%multiple_of3A_16] : memref<320000xi32, #tpu.memory_space<hbm>> -> memref<128xi32, #tpu.memory_space<hbm>>
      tpu.wait_dma2 semaphore(%run_scoped3A : memref<!tpu.dma_semaphore, #tpu.memory_space<semaphore_mem>>) src(%dma_wait3A_63 : memref<128xi32, #tpu.memory_space<hbm>>) dst(%arg9 : memref<128xi32, #tpu.memory_space<vmem>>)
      tpu.yield
    }) : () -> ()
    %dma_start3A = arith.constant 0 : i32
    %dma_start3A_17 = arith.constant 0 : i32
    %dma_start3A_18 = tpu.memref_slice %arg2[%dma_start3A, %dma_start3A_17] : memref<10240x128xf32, #tpu.memory_space<hbm>> -> memref<10240x128xf32, #tpu.memory_space<hbm>>
    tpu.enqueue_indirect_dma source(%dma_start3A_18 : memref<10240x128xf32, #tpu.memory_space<hbm>>) target(%arg12 : memref<128x128xf32, #tpu.memory_space<vmem>>) offsets(%arg7 : memref<128xi32, #tpu.memory_space<vmem>>) semaphore(%arg20 : memref<!tpu.dma_semaphore, #tpu.memory_space<semaphore_mem>>)
    %rem3A_19 = arith.constant 1 : i32
    %rem3A_20 = arith.constant 78 : i32
    %rem3A_21 = arith.remsi %rem3A_19, %rem3A_20 : i32
    %mul3A_22 = arith.constant 128 : i32
    %mul3A_23 = arith.muli %rem3A_21, %mul3A_22 : i32
    %add3A_24 = arith.addi %mul3A_2, %mul3A_23 : i32
    %multiple_of3A_25 = tpu.assume_multiple %add3A_24, 8 : i32
    "tpu.region"() ({
      %run_scoped3A = tpu.sem_alloc : memref<!tpu.dma_semaphore, #tpu.memory_space<semaphore_mem>>
      %dma_start3A_60 = tpu.memref_slice %arg3[%multiple_of3A_25] : memref<320000xi32, #tpu.memory_space<hbm>> -> memref<128xi32, #tpu.memory_space<hbm>>
      %dma_start3A_61 = tpu.memref_slice %arg3[%multiple_of3A_25] : memref<320000xi32, #tpu.memory_space<hbm>> -> memref<128xi32, #tpu.memory_space<hbm>>
      tpu.enqueue_dma source(%dma_start3A_61 : memref<128xi32, #tpu.memory_space<hbm>>) target(%arg8 : memref<128xi32, #tpu.memory_space<vmem>>) target_semaphore(%run_scoped3A : memref<!tpu.dma_semaphore, #tpu.memory_space<semaphore_mem>>)
      %dma_wait3A_62 = tpu.memref_slice %arg3[%multiple_of3A_25] : memref<320000xi32, #tpu.memory_space<hbm>> -> memref<128xi32, #tpu.memory_space<hbm>>
      %dma_wait3A_63 = tpu.memref_slice %arg3[%multiple_of3A_25] : memref<320000xi32, #tpu.memory_space<hbm>> -> memref<128xi32, #tpu.memory_space<hbm>>
      tpu.wait_dma2 semaphore(%run_scoped3A : memref<!tpu.dma_semaphore, #tpu.memory_space<semaphore_mem>>) src(%dma_wait3A_63 : memref<128xi32, #tpu.memory_space<hbm>>) dst(%arg8 : memref<128xi32, #tpu.memory_space<vmem>>)
      tpu.yield
    }) : () -> ()
    %rem3A_26 = arith.constant 1 : i32
    %rem3A_27 = arith.constant 78 : i32
    %rem3A_28 = arith.remsi %rem3A_26, %rem3A_27 : i32
    %mul3A_29 = arith.constant 128 : i32
    %mul3A_30 = arith.muli %rem3A_28, %mul3A_29 : i32
    %add3A_31 = arith.addi %mul3A_2, %mul3A_30 : i32
    %multiple_of3A_32 = tpu.assume_multiple %add3A_31, 8 : i32
    "tpu.region"() ({
      %run_scoped3A = tpu.sem_alloc : memref<!tpu.dma_semaphore, #tpu.memory_space<semaphore_mem>>
      %dma_start3A_60 = tpu.memref_slice %arg4[%multiple_of3A_32] : memref<320000xi32, #tpu.memory_space<hbm>> -> memref<128xi32, #tpu.memory_space<hbm>>
      %dma_start3A_61 = tpu.memref_slice %arg4[%multiple_of3A_32] : memref<320000xi32, #tpu.memory_space<hbm>> -> memref<128xi32, #tpu.memory_space<hbm>>
      tpu.enqueue_dma source(%dma_start3A_61 : memref<128xi32, #tpu.memory_space<hbm>>) target(%arg10 : memref<128xi32, #tpu.memory_space<vmem>>) target_semaphore(%run_scoped3A : memref<!tpu.dma_semaphore, #tpu.memory_space<semaphore_mem>>)
      %dma_wait3A_62 = tpu.memref_slice %arg4[%multiple_of3A_32] : memref<320000xi32, #tpu.memory_space<hbm>> -> memref<128xi32, #tpu.memory_space<hbm>>
      %dma_wait3A_63 = tpu.memref_slice %arg4[%multiple_of3A_32] : memref<320000xi32, #tpu.memory_space<hbm>> -> memref<128xi32, #tpu.memory_space<hbm>>
      tpu.wait_dma2 semaphore(%run_scoped3A : memref<!tpu.dma_semaphore, #tpu.memory_space<semaphore_mem>>) src(%dma_wait3A_63 : memref<128xi32, #tpu.memory_space<hbm>>) dst(%arg10 : memref<128xi32, #tpu.memory_space<vmem>>)
      tpu.yield
    }) : () -> ()
    %dma_start3A_33 = arith.constant 0 : i32
    %dma_start3A_34 = arith.constant 0 : i32
    %dma_start3A_35 = tpu.memref_slice %arg2[%dma_start3A_33, %dma_start3A_34] : memref<10240x128xf32, #tpu.memory_space<hbm>> -> memref<10240x128xf32, #tpu.memory_space<hbm>>
    tpu.enqueue_indirect_dma source(%dma_start3A_35 : memref<10240x128xf32, #tpu.memory_space<hbm>>) target(%arg13 : memref<128x128xf32, #tpu.memory_space<vmem>>) offsets(%arg8 : memref<128xi32, #tpu.memory_space<vmem>>) semaphore(%arg21 : memref<!tpu.dma_semaphore, #tpu.memory_space<semaphore_mem>>)
    %scan3A = arith.constant 0 : i32
    %scan3A_36 = arith.constant 0 : i32
    %scan3A_37 = arith.constant 39 : i32
    %scan3A_38 = arith.addi %scan3A_36, %scan3A_37 : i32
    %scan3A_39 = arith.constant 1 : i32
    scf.for %scan3A_60 = %scan3A_36 to %scan3A_38 step %scan3A_39  : i32 {
      %mul3A_61 = arith.constant 2 : i32
      %mul3A_62 = arith.muli %mul3A_61, %scan3A_60 : i32
      %dma_wait3A_63 = arith.constant 0 : i32
      %dma_wait3A_64 = arith.constant 0 : i32
      %dma_wait3A_65 = tpu.memref_slice %arg2[%dma_wait3A_63, %dma_wait3A_64] : memref<10240x128xf32, #tpu.memory_space<hbm>> -> memref<10240x128xf32, #tpu.memory_space<hbm>>
      tpu.wait_indirect_dma semaphore(%arg20 : memref<!tpu.dma_semaphore, #tpu.memory_space<semaphore_mem>>) src(%dma_wait3A_65 : memref<10240x128xf32, #tpu.memory_space<hbm>>) dst(%arg12 : memref<128x128xf32, #tpu.memory_space<vmem>>)
      "tpu.region"() ({
        %run_scoped3A = tpu.sem_alloc : memref<!tpu.dma_semaphore, #tpu.memory_space<semaphore_mem>>
        %dma_start3A_131 = arith.constant 0 : i32
        %dma_start3A_132 = arith.constant 0 : i32
        %dma_start3A_133 = tpu.memref_slice %arg17[%dma_start3A_131, %dma_start3A_132] : memref<10240x128xf32, #tpu.memory_space<vmem_shared>> -> memref<10240x128xf32, #tpu.memory_space<vmem_shared>>
        tpu.enqueue_indirect_dma source(%arg12 : memref<128x128xf32, #tpu.memory_space<vmem>>) target(%dma_start3A_133 : memref<10240x128xf32, #tpu.memory_space<vmem_shared>>) offsets(%arg9 : memref<128xi32, #tpu.memory_space<vmem>>) semaphore(%run_scoped3A : memref<!tpu.dma_semaphore, #tpu.memory_space<semaphore_mem>>) {add = true}
        %dma_wait3A_134 = arith.constant 0 : i32
        %dma_wait3A_135 = arith.constant 0 : i32
        %dma_wait3A_136 = tpu.memref_slice %arg17[%dma_wait3A_134, %dma_wait3A_135] : memref<10240x128xf32, #tpu.memory_space<vmem_shared>> -> memref<10240x128xf32, #tpu.memory_space<vmem_shared>>
        tpu.wait_indirect_dma semaphore(%run_scoped3A : memref<!tpu.dma_semaphore, #tpu.memory_space<semaphore_mem>>) src(%arg12 : memref<128x128xf32, #tpu.memory_space<vmem>>) dst(%dma_wait3A_136 : memref<10240x128xf32, #tpu.memory_space<vmem_shared>>)
        tpu.yield
      }) : () -> ()
      %add3A_66 = arith.constant 2 : i32
      %add3A_67 = arith.addi %mul3A_62, %add3A_66 : i32
      %add3A_68 = arith.constant 0 : i32
      %add3A_69 = arith.addi %add3A_67, %add3A_68 : i32
      %rem3A_70 = arith.constant 78 : i32
      %rem3A_71 = arith.remsi %add3A_69, %rem3A_70 : i32
      %mul3A_72 = arith.constant 128 : i32
      %mul3A_73 = arith.muli %rem3A_71, %mul3A_72 : i32
      %add3A_74 = arith.addi %mul3A_2, %mul3A_73 : i32
      %multiple_of3A_75 = tpu.assume_multiple %add3A_74, 8 : i32
      %dma_start3A_76 = tpu.memref_slice %arg3[%multiple_of3A_75] : memref<320000xi32, #tpu.memory_space<hbm>> -> memref<128xi32, #tpu.memory_space<hbm>>
      %dma_start3A_77 = tpu.memref_slice %arg3[%multiple_of3A_75] : memref<320000xi32, #tpu.memory_space<hbm>> -> memref<128xi32, #tpu.memory_space<hbm>>
      tpu.enqueue_dma source(%dma_start3A_77 : memref<128xi32, #tpu.memory_space<hbm>>) target(%arg7 : memref<128xi32, #tpu.memory_space<vmem>>) target_semaphore(%arg18 : memref<!tpu.dma_semaphore, #tpu.memory_space<semaphore_mem>>)
      %add3A_78 = arith.constant 2 : i32
      %add3A_79 = arith.addi %mul3A_62, %add3A_78 : i32
      %add3A_80 = arith.constant 0 : i32
      %add3A_81 = arith.addi %add3A_79, %add3A_80 : i32
      %rem3A_82 = arith.constant 78 : i32
      %rem3A_83 = arith.remsi %add3A_81, %rem3A_82 : i32
      %mul3A_84 = arith.constant 128 : i32
      %mul3A_85 = arith.muli %rem3A_83, %mul3A_84 : i32
      %add3A_86 = arith.addi %mul3A_2, %mul3A_85 : i32
      %multiple_of3A_87 = tpu.assume_multiple %add3A_86, 8 : i32
      %dma_start3A_88 = tpu.memref_slice %arg4[%multiple_of3A_87] : memref<320000xi32, #tpu.memory_space<hbm>> -> memref<128xi32, #tpu.memory_space<hbm>>
      %dma_start3A_89 = tpu.memref_slice %arg4[%multiple_of3A_87] : memref<320000xi32, #tpu.memory_space<hbm>> -> memref<128xi32, #tpu.memory_space<hbm>>
      tpu.enqueue_dma source(%dma_start3A_89 : memref<128xi32, #tpu.memory_space<hbm>>) target(%arg9 : memref<128xi32, #tpu.memory_space<vmem>>) target_semaphore(%arg18 : memref<!tpu.dma_semaphore, #tpu.memory_space<semaphore_mem>>)
      %dma_wait3A_90 = arith.constant 0 : i32
      %dma_wait3A_91 = arith.constant 0 : i32
      %dma_wait3A_92 = tpu.memref_slice %arg2[%dma_wait3A_90, %dma_wait3A_91] : memref<10240x128xf32, #tpu.memory_space<hbm>> -> memref<10240x128xf32, #tpu.memory_space<hbm>>
      tpu.wait_indirect_dma semaphore(%arg21 : memref<!tpu.dma_semaphore, #tpu.memory_space<semaphore_mem>>) src(%dma_wait3A_92 : memref<10240x128xf32, #tpu.memory_space<hbm>>) dst(%arg13 : memref<128x128xf32, #tpu.memory_space<vmem>>)
      "tpu.region"() ({
        %run_scoped3A = tpu.sem_alloc : memref<!tpu.dma_semaphore, #tpu.memory_space<semaphore_mem>>
        %dma_start3A_131 = arith.constant 0 : i32
        %dma_start3A_132 = arith.constant 0 : i32
        %dma_start3A_133 = tpu.memref_slice %arg17[%dma_start3A_131, %dma_start3A_132] : memref<10240x128xf32, #tpu.memory_space<vmem_shared>> -> memref<10240x128xf32, #tpu.memory_space<vmem_shared>>
        tpu.enqueue_indirect_dma source(%arg13 : memref<128x128xf32, #tpu.memory_space<vmem>>) target(%dma_start3A_133 : memref<10240x128xf32, #tpu.memory_space<vmem_shared>>) offsets(%arg10 : memref<128xi32, #tpu.memory_space<vmem>>) semaphore(%run_scoped3A : memref<!tpu.dma_semaphore, #tpu.memory_space<semaphore_mem>>) {add = true}
        %dma_wait3A_134 = arith.constant 0 : i32
        %dma_wait3A_135 = arith.constant 0 : i32
        %dma_wait3A_136 = tpu.memref_slice %arg17[%dma_wait3A_134, %dma_wait3A_135] : memref<10240x128xf32, #tpu.memory_space<vmem_shared>> -> memref<10240x128xf32, #tpu.memory_space<vmem_shared>>
        tpu.wait_indirect_dma semaphore(%run_scoped3A : memref<!tpu.dma_semaphore, #tpu.memory_space<semaphore_mem>>) src(%arg13 : memref<128x128xf32, #tpu.memory_space<vmem>>) dst(%dma_wait3A_136 : memref<10240x128xf32, #tpu.memory_space<vmem_shared>>)
        tpu.yield
      }) : () -> ()
      %add3A_93 = arith.constant 2 : i32
      %add3A_94 = arith.addi %mul3A_62, %add3A_93 : i32
      %add3A_95 = arith.constant 1 : i32
      %add3A_96 = arith.addi %add3A_94, %add3A_95 : i32
      %rem3A_97 = arith.constant 78 : i32
      %rem3A_98 = arith.remsi %add3A_96, %rem3A_97 : i32
      %mul3A_99 = arith.constant 128 : i32
      %mul3A_100 = arith.muli %rem3A_98, %mul3A_99 : i32
      %add3A_101 = arith.addi %mul3A_2, %mul3A_100 : i32
      %multiple_of3A_102 = tpu.assume_multiple %add3A_101, 8 : i32
      %dma_start3A_103 = tpu.memref_slice %arg3[%multiple_of3A_102] : memref<320000xi32, #tpu.memory_space<hbm>> -> memref<128xi32, #tpu.memory_space<hbm>>
      %dma_start3A_104 = tpu.memref_slice %arg3[%multiple_of3A_102] : memref<320000xi32, #tpu.memory_space<hbm>> -> memref<128xi32, #tpu.memory_space<hbm>>
      tpu.enqueue_dma source(%dma_start3A_104 : memref<128xi32, #tpu.memory_space<hbm>>) target(%arg8 : memref<128xi32, #tpu.memory_space<vmem>>) target_semaphore(%arg19 : memref<!tpu.dma_semaphore, #tpu.memory_space<semaphore_mem>>)
      %add3A_105 = arith.constant 2 : i32
      %add3A_106 = arith.addi %mul3A_62, %add3A_105 : i32
      %add3A_107 = arith.constant 1 : i32
      %add3A_108 = arith.addi %add3A_106, %add3A_107 : i32
      %rem3A_109 = arith.constant 78 : i32
      %rem3A_110 = arith.remsi %add3A_108, %rem3A_109 : i32
      %mul3A_111 = arith.constant 128 : i32
      %mul3A_112 = arith.muli %rem3A_110, %mul3A_111 : i32
      %add3A_113 = arith.addi %mul3A_2, %mul3A_112 : i32
      %multiple_of3A_114 = tpu.assume_multiple %add3A_113, 8 : i32
      %dma_start3A_115 = tpu.memref_slice %arg4[%multiple_of3A_114] : memref<320000xi32, #tpu.memory_space<hbm>> -> memref<128xi32, #tpu.memory_space<hbm>>
      %dma_start3A_116 = tpu.memref_slice %arg4[%multiple_of3A_114] : memref<320000xi32, #tpu.memory_space<hbm>> -> memref<128xi32, #tpu.memory_space<hbm>>
      tpu.enqueue_dma source(%dma_start3A_116 : memref<128xi32, #tpu.memory_space<hbm>>) target(%arg10 : memref<128xi32, #tpu.memory_space<vmem>>) target_semaphore(%arg19 : memref<!tpu.dma_semaphore, #tpu.memory_space<semaphore_mem>>)
      %dma_wait3A_117 = arith.constant 0 : i32
      %dma_wait3A_118 = tpu.memref_slice %arg3[%dma_wait3A_117] : memref<320000xi32, #tpu.memory_space<hbm>> -> memref<256xi32, #tpu.memory_space<hbm>>
      %dma_wait3A_119 = arith.constant 0 : i32
      %dma_wait3A_120 = tpu.memref_slice %arg3[%dma_wait3A_119] : memref<320000xi32, #tpu.memory_space<hbm>> -> memref<256xi32, #tpu.memory_space<hbm>>
      tpu.wait_dma2 semaphore(%arg18 : memref<!tpu.dma_semaphore, #tpu.memory_space<semaphore_mem>>) src(%dma_wait3A_120 : memref<256xi32, #tpu.memory_space<hbm>>) dst(%arg11 : memref<256xi32, #tpu.memory_space<vmem>>)
      %dma_start3A_121 = arith.constant 0 : i32
      %dma_start3A_122 = arith.constant 0 : i32
      %dma_start3A_123 = tpu.memref_slice %arg2[%dma_start3A_121, %dma_start3A_122] : memref<10240x128xf32, #tpu.memory_space<hbm>> -> memref<10240x128xf32, #tpu.memory_space<hbm>>
      tpu.enqueue_indirect_dma source(%dma_start3A_123 : memref<10240x128xf32, #tpu.memory_space<hbm>>) target(%arg12 : memref<128x128xf32, #tpu.memory_space<vmem>>) offsets(%arg7 : memref<128xi32, #tpu.memory_space<vmem>>) semaphore(%arg20 : memref<!tpu.dma_semaphore, #tpu.memory_space<semaphore_mem>>)
      %dma_wait3A_124 = arith.constant 0 : i32
      %dma_wait3A_125 = tpu.memref_slice %arg3[%dma_wait3A_124] : memref<320000xi32, #tpu.memory_space<hbm>> -> memref<256xi32, #tpu.memory_space<hbm>>
      %dma_wait3A_126 = arith.constant 0 : i32
      %dma_wait3A_127 = tpu.memref_slice %arg3[%dma_wait3A_126] : memref<320000xi32, #tpu.memory_space<hbm>> -> memref<256xi32, #tpu.memory_space<hbm>>
      tpu.wait_dma2 semaphore(%arg19 : memref<!tpu.dma_semaphore, #tpu.memory_space<semaphore_mem>>) src(%dma_wait3A_127 : memref<256xi32, #tpu.memory_space<hbm>>) dst(%arg11 : memref<256xi32, #tpu.memory_space<vmem>>)
      %dma_start3A_128 = arith.constant 0 : i32
      %dma_start3A_129 = arith.constant 0 : i32
      %dma_start3A_130 = tpu.memref_slice %arg2[%dma_start3A_128, %dma_start3A_129] : memref<10240x128xf32, #tpu.memory_space<hbm>> -> memref<10240x128xf32, #tpu.memory_space<hbm>>
      tpu.enqueue_indirect_dma source(%dma_start3A_130 : memref<10240x128xf32, #tpu.memory_space<hbm>>) target(%arg13 : memref<128x128xf32, #tpu.memory_space<vmem>>) offsets(%arg8 : memref<128xi32, #tpu.memory_space<vmem>>) semaphore(%arg21 : memref<!tpu.dma_semaphore, #tpu.memory_space<semaphore_mem>>)
    }
    %scan3A_40 = arith.constant 39 : i32
    %dma_wait3A = arith.constant 0 : i32
    %dma_wait3A_41 = arith.constant 0 : i32
    %dma_wait3A_42 = tpu.memref_slice %arg2[%dma_wait3A, %dma_wait3A_41] : memref<10240x128xf32, #tpu.memory_space<hbm>> -> memref<10240x128xf32, #tpu.memory_space<hbm>>
    tpu.wait_indirect_dma semaphore(%arg20 : memref<!tpu.dma_semaphore, #tpu.memory_space<semaphore_mem>>) src(%dma_wait3A_42 : memref<10240x128xf32, #tpu.memory_space<hbm>>) dst(%arg12 : memref<128x128xf32, #tpu.memory_space<vmem>>)
    %dma_wait3A_43 = arith.constant 0 : i32
    %dma_wait3A_44 = arith.constant 0 : i32
    %dma_wait3A_45 = tpu.memref_slice %arg2[%dma_wait3A_43, %dma_wait3A_44] : memref<10240x128xf32, #tpu.memory_space<hbm>> -> memref<10240x128xf32, #tpu.memory_space<hbm>>
    tpu.wait_indirect_dma semaphore(%arg21 : memref<!tpu.dma_semaphore, #tpu.memory_space<semaphore_mem>>) src(%dma_wait3A_45 : memref<10240x128xf32, #tpu.memory_space<hbm>>) dst(%arg13 : memref<128x128xf32, #tpu.memory_space<vmem>>)
    %add3A_46 = arith.constant 9984 : i32
    %add3A_47 = arith.addi %mul3A_2, %add3A_46 : i32
    %multiple_of3A_48 = tpu.assume_multiple %add3A_47, 8 : i32
    "tpu.region"() ({
      %run_scoped3A = tpu.sem_alloc : memref<!tpu.dma_semaphore, #tpu.memory_space<semaphore_mem>>
      %dma_start3A_60 = tpu.memref_slice %arg3[%multiple_of3A_48] : memref<320000xi32, #tpu.memory_space<hbm>> -> memref<16xi32, #tpu.memory_space<hbm>>
      %dma_start3A_61 = tpu.memref_slice %arg3[%multiple_of3A_48] : memref<320000xi32, #tpu.memory_space<hbm>> -> memref<16xi32, #tpu.memory_space<hbm>>
      tpu.enqueue_dma source(%dma_start3A_61 : memref<16xi32, #tpu.memory_space<hbm>>) target(%arg14 : memref<16xi32, #tpu.memory_space<vmem>>) target_semaphore(%run_scoped3A : memref<!tpu.dma_semaphore, #tpu.memory_space<semaphore_mem>>)
      %dma_wait3A_62 = tpu.memref_slice %arg3[%multiple_of3A_48] : memref<320000xi32, #tpu.memory_space<hbm>> -> memref<16xi32, #tpu.memory_space<hbm>>
      %dma_wait3A_63 = tpu.memref_slice %arg3[%multiple_of3A_48] : memref<320000xi32, #tpu.memory_space<hbm>> -> memref<16xi32, #tpu.memory_space<hbm>>
      tpu.wait_dma2 semaphore(%run_scoped3A : memref<!tpu.dma_semaphore, #tpu.memory_space<semaphore_mem>>) src(%dma_wait3A_63 : memref<16xi32, #tpu.memory_space<hbm>>) dst(%arg14 : memref<16xi32, #tpu.memory_space<vmem>>)
      tpu.yield
    }) : () -> ()
    "tpu.region"() ({
      %run_scoped3A = tpu.sem_alloc : memref<!tpu.dma_semaphore, #tpu.memory_space<semaphore_mem>>
      %dma_start3A_60 = tpu.memref_slice %arg4[%multiple_of3A_48] : memref<320000xi32, #tpu.memory_space<hbm>> -> memref<16xi32, #tpu.memory_space<hbm>>
      %dma_start3A_61 = tpu.memref_slice %arg4[%multiple_of3A_48] : memref<320000xi32, #tpu.memory_space<hbm>> -> memref<16xi32, #tpu.memory_space<hbm>>
      tpu.enqueue_dma source(%dma_start3A_61 : memref<16xi32, #tpu.memory_space<hbm>>) target(%arg15 : memref<16xi32, #tpu.memory_space<vmem>>) target_semaphore(%run_scoped3A : memref<!tpu.dma_semaphore, #tpu.memory_space<semaphore_mem>>)
      %dma_wait3A_62 = tpu.memref_slice %arg4[%multiple_of3A_48] : memref<320000xi32, #tpu.memory_space<hbm>> -> memref<16xi32, #tpu.memory_space<hbm>>
      %dma_wait3A_63 = tpu.memref_slice %arg4[%multiple_of3A_48] : memref<320000xi32, #tpu.memory_space<hbm>> -> memref<16xi32, #tpu.memory_space<hbm>>
      tpu.wait_dma2 semaphore(%run_scoped3A : memref<!tpu.dma_semaphore, #tpu.memory_space<semaphore_mem>>) src(%dma_wait3A_63 : memref<16xi32, #tpu.memory_space<hbm>>) dst(%arg15 : memref<16xi32, #tpu.memory_space<vmem>>)
      tpu.yield
    }) : () -> ()
    %dma_start3A_49 = arith.constant 0 : i32
    %dma_start3A_50 = arith.constant 0 : i32
    %dma_start3A_51 = tpu.memref_slice %arg2[%dma_start3A_49, %dma_start3A_50] : memref<10240x128xf32, #tpu.memory_space<hbm>> -> memref<10240x128xf32, #tpu.memory_space<hbm>>
    tpu.enqueue_indirect_dma source(%dma_start3A_51 : memref<10240x128xf32, #tpu.memory_space<hbm>>) target(%arg16 : memref<16x128xf32, #tpu.memory_space<vmem>>) offsets(%arg14 : memref<16xi32, #tpu.memory_space<vmem>>) semaphore(%arg20 : memref<!tpu.dma_semaphore, #tpu.memory_space<semaphore_mem>>)
    %dma_wait3A_52 = arith.constant 0 : i32
    %dma_wait3A_53 = arith.constant 0 : i32
    %dma_wait3A_54 = tpu.memref_slice %arg2[%dma_wait3A_52, %dma_wait3A_53] : memref<10240x128xf32, #tpu.memory_space<hbm>> -> memref<10240x128xf32, #tpu.memory_space<hbm>>
    tpu.wait_indirect_dma semaphore(%arg20 : memref<!tpu.dma_semaphore, #tpu.memory_space<semaphore_mem>>) src(%dma_wait3A_54 : memref<10240x128xf32, #tpu.memory_space<hbm>>) dst(%arg16 : memref<16x128xf32, #tpu.memory_space<vmem>>)
    "tpu.region"() ({
      %run_scoped3A = tpu.sem_alloc : memref<!tpu.dma_semaphore, #tpu.memory_space<semaphore_mem>>
      %dma_start3A_60 = arith.constant 0 : i32
      %dma_start3A_61 = arith.constant 0 : i32
      %dma_start3A_62 = tpu.memref_slice %arg17[%dma_start3A_60, %dma_start3A_61] : memref<10240x128xf32, #tpu.memory_space<vmem_shared>> -> memref<10240x128xf32, #tpu.memory_space<vmem_shared>>
      tpu.enqueue_indirect_dma source(%arg16 : memref<16x128xf32, #tpu.memory_space<vmem>>) target(%dma_start3A_62 : memref<10240x128xf32, #tpu.memory_space<vmem_shared>>) offsets(%arg15 : memref<16xi32, #tpu.memory_space<vmem>>) semaphore(%run_scoped3A : memref<!tpu.dma_semaphore, #tpu.memory_space<semaphore_mem>>) {add = true}
      %dma_wait3A_63 = arith.constant 0 : i32
      %dma_wait3A_64 = arith.constant 0 : i32
      %dma_wait3A_65 = tpu.memref_slice %arg17[%dma_wait3A_63, %dma_wait3A_64] : memref<10240x128xf32, #tpu.memory_space<vmem_shared>> -> memref<10240x128xf32, #tpu.memory_space<vmem_shared>>
      tpu.wait_indirect_dma semaphore(%run_scoped3A : memref<!tpu.dma_semaphore, #tpu.memory_space<semaphore_mem>>) src(%arg16 : memref<16x128xf32, #tpu.memory_space<vmem>>) dst(%dma_wait3A_65 : memref<10240x128xf32, #tpu.memory_space<vmem_shared>>)
      tpu.yield
    }) : () -> ()
    %barrier3A_55 = arith.constant 0 : index
    tpu.barrier barrier_id(%barrier3A_55)
    %mul3A_56 = arith.constant 640 : i32
    %mul3A_57 = arith.muli %arg1, %mul3A_56 : i32
    %mul3A_58 = arith.constant 640 : i32
    %mul3A_59 = arith.muli %arg1, %mul3A_58 : i32
    "tpu.region"() ({
      %run_scoped3A = tpu.sem_alloc : memref<!tpu.dma_semaphore, #tpu.memory_space<semaphore_mem>>
      %dma_start3A_60 = arith.constant 0 : i32
      %dma_start3A_61 = tpu.memref_slice %arg6[%arg0, %mul3A_59, %dma_start3A_60] : memref<2x10240x128xf32, #tpu.memory_space<hbm>> -> memref<1x640x128xf32, #tpu.memory_space<hbm>>
      %dma_start3A_62 = tpu.memref_squeeze %dma_start3A_61 : memref<1x640x128xf32, #tpu.memory_space<hbm>> -> memref<640x128xf32, #tpu.memory_space<hbm>>
      %dma_start3A_63 = arith.constant 0 : i32
      %dma_start3A_64 = tpu.memref_slice %arg17[%mul3A_57, %dma_start3A_63] : memref<10240x128xf32, #tpu.memory_space<vmem_shared>> -> memref<640x128xf32, #tpu.memory_space<vmem_shared>>
      tpu.enqueue_dma source(%dma_start3A_64 : memref<640x128xf32, #tpu.memory_space<vmem_shared>>) target(%dma_start3A_62 : memref<640x128xf32, #tpu.memory_space<hbm>>) target_semaphore(%run_scoped3A : memref<!tpu.dma_semaphore, #tpu.memory_space<semaphore_mem>>)
      %dma_wait3A_65 = arith.constant 0 : i32
      %dma_wait3A_66 = tpu.memref_slice %arg6[%arg0, %mul3A_59, %dma_wait3A_65] : memref<2x10240x128xf32, #tpu.memory_space<hbm>> -> memref<1x640x128xf32, #tpu.memory_space<hbm>>
      %dma_wait3A_67 = tpu.memref_squeeze %dma_wait3A_66 : memref<1x640x128xf32, #tpu.memory_space<hbm>> -> memref<640x128xf32, #tpu.memory_space<hbm>>
      %dma_wait3A_68 = arith.constant 0 : i32
      %dma_wait3A_69 = tpu.memref_slice %arg17[%mul3A_57, %dma_wait3A_68] : memref<10240x128xf32, #tpu.memory_space<vmem_shared>> -> memref<640x128xf32, #tpu.memory_space<vmem_shared>>
      tpu.wait_dma2 semaphore(%run_scoped3A : memref<!tpu.dma_semaphore, #tpu.memory_space<semaphore_mem>>) src(%dma_wait3A_69 : memref<640x128xf32, #tpu.memory_space<vmem_shared>>) dst(%dma_wait3A_67 : memref<640x128xf32, #tpu.memory_space<hbm>>)
      tpu.yield
    }) : () -> ()
    return
  }
}

#map = affine_map<(d0, d1) -> (0, 0)>
#map1 = affine_map<(d0, d1) -> (0)>
module attributes {stable_mosaic.version = 14 : i64} {
  func.func @sc_sage_deg(%arg0: i32, %arg1: i32, %arg2: memref<32x10000xi32, #tpu.memory_space<hbm>>, %arg3: memref<81920xf32, #tpu.memory_space<hbm>>, %arg4: memref<32x10240xf32, #tpu.memory_space<hbm>>, %arg5: memref<10000xi32, #tpu.memory_space<vmem>>, %arg6: memref<81936xf32, #tpu.memory_space<vmem>>) attributes {dimension_semantics = [#tpu.dimension_semantics<core_parallel>, #tpu.dimension_semantics<subcore_parallel>], iteration_bounds = array<i64: 2, 16>, scalar_prefetch = 0 : i64, scratch_operands = 2 : i64, tpu.core_type = #tpu.core_type<sc_vector_subcore>, window_params = [{transform_indices = #map}, {transform_indices = #map1}, {transform_indices = #map}]} {
    %mul3A = arith.constant 16 : i32
    %mul3A_0 = arith.muli %arg0, %mul3A : i32
    %add3A = arith.addi %mul3A_0, %arg1 : i32
    "tpu.region"() ({
      %run_scoped3A = tpu.sem_alloc : memref<!tpu.dma_semaphore, #tpu.memory_space<semaphore_mem>>
      %dma_start3A = arith.constant 0 : i32
      %dma_start3A_25 = tpu.memref_slice %arg6[%dma_start3A] : memref<81936xf32, #tpu.memory_space<vmem>> -> memref<81920xf32, #tpu.memory_space<vmem>>
      %dma_start3A_26 = arith.constant 0 : i32
      %dma_start3A_27 = tpu.memref_slice %arg6[%dma_start3A_26] : memref<81936xf32, #tpu.memory_space<vmem>> -> memref<81920xf32, #tpu.memory_space<vmem>>
      tpu.enqueue_dma source(%arg3 : memref<81920xf32, #tpu.memory_space<hbm>>) target(%dma_start3A_27 : memref<81920xf32, #tpu.memory_space<vmem>>) target_semaphore(%run_scoped3A : memref<!tpu.dma_semaphore, #tpu.memory_space<semaphore_mem>>)
      %dma_wait3A = arith.constant 0 : i32
      %dma_wait3A_28 = tpu.memref_slice %arg6[%dma_wait3A] : memref<81936xf32, #tpu.memory_space<vmem>> -> memref<81920xf32, #tpu.memory_space<vmem>>
      %dma_wait3A_29 = arith.constant 0 : i32
      %dma_wait3A_30 = tpu.memref_slice %arg6[%dma_wait3A_29] : memref<81936xf32, #tpu.memory_space<vmem>> -> memref<81920xf32, #tpu.memory_space<vmem>>
      tpu.wait_dma2 semaphore(%run_scoped3A : memref<!tpu.dma_semaphore, #tpu.memory_space<semaphore_mem>>) src(%arg3 : memref<81920xf32, #tpu.memory_space<hbm>>) dst(%dma_wait3A_30 : memref<81920xf32, #tpu.memory_space<vmem>>)
      tpu.yield
    }) : () -> ()
    "tpu.region"() ({
      %run_scoped3A = tpu.sem_alloc : memref<!tpu.dma_semaphore, #tpu.memory_space<semaphore_mem>>
      %dma_start3A = arith.constant 0 : i32
      %dma_start3A_25 = tpu.memref_slice %arg2[%add3A, %dma_start3A] : memref<32x10000xi32, #tpu.memory_space<hbm>> -> memref<1x10000xi32, #tpu.memory_space<hbm>>
      %dma_start3A_26 = tpu.memref_squeeze %dma_start3A_25 : memref<1x10000xi32, #tpu.memory_space<hbm>> -> memref<10000xi32, #tpu.memory_space<hbm>>
      %dma_start3A_27 = arith.constant 0 : i32
      %dma_start3A_28 = tpu.memref_slice %arg2[%add3A, %dma_start3A_27] : memref<32x10000xi32, #tpu.memory_space<hbm>> -> memref<1x10000xi32, #tpu.memory_space<hbm>>
      %dma_start3A_29 = tpu.memref_squeeze %dma_start3A_28 : memref<1x10000xi32, #tpu.memory_space<hbm>> -> memref<10000xi32, #tpu.memory_space<hbm>>
      tpu.enqueue_dma source(%dma_start3A_29 : memref<10000xi32, #tpu.memory_space<hbm>>) target(%arg5 : memref<10000xi32, #tpu.memory_space<vmem>>) target_semaphore(%run_scoped3A : memref<!tpu.dma_semaphore, #tpu.memory_space<semaphore_mem>>)
      %dma_wait3A = arith.constant 0 : i32
      %dma_wait3A_30 = tpu.memref_slice %arg2[%add3A, %dma_wait3A] : memref<32x10000xi32, #tpu.memory_space<hbm>> -> memref<1x10000xi32, #tpu.memory_space<hbm>>
      %dma_wait3A_31 = tpu.memref_squeeze %dma_wait3A_30 : memref<1x10000xi32, #tpu.memory_space<hbm>> -> memref<10000xi32, #tpu.memory_space<hbm>>
      %dma_wait3A_32 = arith.constant 0 : i32
      %dma_wait3A_33 = tpu.memref_slice %arg2[%add3A, %dma_wait3A_32] : memref<32x10000xi32, #tpu.memory_space<hbm>> -> memref<1x10000xi32, #tpu.memory_space<hbm>>
      %dma_wait3A_34 = tpu.memref_squeeze %dma_wait3A_33 : memref<1x10000xi32, #tpu.memory_space<hbm>> -> memref<10000xi32, #tpu.memory_space<hbm>>
      tpu.wait_dma2 semaphore(%run_scoped3A : memref<!tpu.dma_semaphore, #tpu.memory_space<semaphore_mem>>) src(%dma_wait3A_34 : memref<10000xi32, #tpu.memory_space<hbm>>) dst(%arg5 : memref<10000xi32, #tpu.memory_space<vmem>>)
      tpu.yield
    }) : () -> ()
    %iota3A = tpu.iota {dimensions = array<i32: 0>} : vector<16xi32>
    %and3A = arith.constant 7 : i32
    %and3A_1 = vector.broadcast %and3A : i32 to vector<16xi32>
    %and3A_2 = arith.andi %iota3A, %and3A_1 : vector<16xi32>
    %mul3A_3 = arith.constant 10240 : i32
    %mul3A_4 = vector.broadcast %mul3A_3 : i32 to vector<16xi32>
    %mul3A_5 = arith.muli %and3A_2, %mul3A_4 : vector<16xi32>
    %lt3A = arith.constant 8 : i32
    %lt3A_6 = vector.broadcast %lt3A : i32 to vector<16xi32>
    %lt3A_7 = arith.cmpi slt, %iota3A, %lt3A_6 : vector<16xi32>
    %ge3A = arith.constant 8 : i32
    %ge3A_8 = vector.broadcast %ge3A : i32 to vector<16xi32>
    %ge3A_9 = arith.cmpi sge, %iota3A, %ge3A_8 : vector<16xi32>
    %add3A_10 = arith.constant 81920 : i32
    %add3A_11 = vector.broadcast %add3A_10 : i32 to vector<16xi32>
    %add3A_12 = arith.addi %add3A_11, %iota3A : vector<16xi32>
    %broadcast_in_dim3A = arith.constant 1.000000e+00 : f32
    %broadcast_in_dim3A_13 = vector.broadcast %broadcast_in_dim3A : f32 to vector<16xf32>
    %scan3A = arith.constant 0 : i32
    %scan3A_14 = arith.constant 0 : i32
    %scan3A_15 = arith.constant 625 : i32
    %scan3A_16 = arith.addi %scan3A_14, %scan3A_15 : i32
    %scan3A_17 = arith.constant 1 : i32
    scf.for %scan3A_25 = %scan3A_14 to %scan3A_16 step %scan3A_17  : i32 {
      %mul3A_26 = arith.constant 16 : i32
      %mul3A_27 = arith.muli %scan3A_25, %mul3A_26 : i32
      %get3A = arith.index_cast %mul3A_27 : i32 to index
      %get3A_28 = tpu.vector_load %arg5[%get3A] {strides = array<i32>} : memref<10000xi32, #tpu.memory_space<vmem>>, vector<16xi32>,
      %add3A_29 = arith.addi %mul3A_5, %get3A_28 : vector<16xi32>
      %select_n3A = arith.select %lt3A_7, %add3A_29, %add3A_12 : vector<16xi1>, vector<16xi32>
      tpu.vector_store_idx %arg6[%select_n3A], %broadcast_in_dim3A_13 {add = true} : memref<81936xf32, #tpu.memory_space<vmem>>[vector<16xi32>], vector<16xf32>,
      %select_n3A_30 = arith.select %ge3A_9, %add3A_29, %add3A_12 : vector<16xi1>, vector<16xi32>
      tpu.vector_store_idx %arg6[%select_n3A_30], %broadcast_in_dim3A_13 {add = true} : memref<81936xf32, #tpu.memory_space<vmem>>[vector<16xi32>], vector<16xf32>,
    }
    %scan3A_18 = arith.constant 625 : i32
    %scan3A_19 = arith.constant 0 : i32
    %scan3A_20 = arith.constant 0 : i32
    %scan3A_21 = arith.constant 640 : i32
    %scan3A_22 = arith.addi %scan3A_20, %scan3A_21 : i32
    %scan3A_23 = arith.constant 1 : i32
    scf.for %scan3A_25 = %scan3A_20 to %scan3A_22 step %scan3A_23  : i32 {
      %mul3A_26 = arith.constant 16 : i32
      %mul3A_27 = arith.muli %scan3A_25, %mul3A_26 : i32
      %get3A = arith.index_cast %mul3A_27 : i32 to index
      %get3A_28 = tpu.vector_load %arg6[%get3A] {strides = array<i32>} : memref<81936xf32, #tpu.memory_space<vmem>>, vector<16xf32>,
      %mul3A_29 = arith.constant 16 : i32
      %mul3A_30 = arith.muli %scan3A_25, %mul3A_29 : i32
      %add3A_31 = arith.constant 10240 : i32
      %add3A_32 = arith.addi %add3A_31, %mul3A_30 : i32
      %get3A_33 = arith.index_cast %add3A_32 : i32 to index
      %get3A_34 = tpu.vector_load %arg6[%get3A_33] {strides = array<i32>} : memref<81936xf32, #tpu.memory_space<vmem>>, vector<16xf32>,
      %add3A_35 = arith.addf %get3A_28, %get3A_34 : vector<16xf32>
      %mul3A_36 = arith.constant 16 : i32
      %mul3A_37 = arith.muli %scan3A_25, %mul3A_36 : i32
      %add3A_38 = arith.constant 20480 : i32
      %add3A_39 = arith.addi %add3A_38, %mul3A_37 : i32
      %get3A_40 = arith.index_cast %add3A_39 : i32 to index
      %get3A_41 = tpu.vector_load %arg6[%get3A_40] {strides = array<i32>} : memref<81936xf32, #tpu.memory_space<vmem>>, vector<16xf32>,
      %add3A_42 = arith.addf %add3A_35, %get3A_41 : vector<16xf32>
      %mul3A_43 = arith.constant 16 : i32
      %mul3A_44 = arith.muli %scan3A_25, %mul3A_43 : i32
      %add3A_45 = arith.constant 30720 : i32
      %add3A_46 = arith.addi %add3A_45, %mul3A_44 : i32
      %get3A_47 = arith.index_cast %add3A_46 : i32 to index
      %get3A_48 = tpu.vector_load %arg6[%get3A_47] {strides = array<i32>} : memref<81936xf32, #tpu.memory_space<vmem>>, vector<16xf32>,
      %add3A_49 = arith.addf %add3A_42, %get3A_48 : vector<16xf32>
      %mul3A_50 = arith.constant 16 : i32
      %mul3A_51 = arith.muli %scan3A_25, %mul3A_50 : i32
      %add3A_52 = arith.constant 40960 : i32
      %add3A_53 = arith.addi %add3A_52, %mul3A_51 : i32
      %get3A_54 = arith.index_cast %add3A_53 : i32 to index
      %get3A_55 = tpu.vector_load %arg6[%get3A_54] {strides = array<i32>} : memref<81936xf32, #tpu.memory_space<vmem>>, vector<16xf32>,
      %add3A_56 = arith.addf %add3A_49, %get3A_55 : vector<16xf32>
      %mul3A_57 = arith.constant 16 : i32
      %mul3A_58 = arith.muli %scan3A_25, %mul3A_57 : i32
      %add3A_59 = arith.constant 51200 : i32
      %add3A_60 = arith.addi %add3A_59, %mul3A_58 : i32
      %get3A_61 = arith.index_cast %add3A_60 : i32 to index
      %get3A_62 = tpu.vector_load %arg6[%get3A_61] {strides = array<i32>} : memref<81936xf32, #tpu.memory_space<vmem>>, vector<16xf32>,
      %add3A_63 = arith.addf %add3A_56, %get3A_62 : vector<16xf32>
      %mul3A_64 = arith.constant 16 : i32
      %mul3A_65 = arith.muli %scan3A_25, %mul3A_64 : i32
      %add3A_66 = arith.constant 61440 : i32
      %add3A_67 = arith.addi %add3A_66, %mul3A_65 : i32
      %get3A_68 = arith.index_cast %add3A_67 : i32 to index
      %get3A_69 = tpu.vector_load %arg6[%get3A_68] {strides = array<i32>} : memref<81936xf32, #tpu.memory_space<vmem>>, vector<16xf32>,
      %add3A_70 = arith.addf %add3A_63, %get3A_69 : vector<16xf32>
      %mul3A_71 = arith.constant 16 : i32
      %mul3A_72 = arith.muli %scan3A_25, %mul3A_71 : i32
      %add3A_73 = arith.constant 71680 : i32
      %add3A_74 = arith.addi %add3A_73, %mul3A_72 : i32
      %get3A_75 = arith.index_cast %add3A_74 : i32 to index
      %get3A_76 = tpu.vector_load %arg6[%get3A_75] {strides = array<i32>} : memref<81936xf32, #tpu.memory_space<vmem>>, vector<16xf32>,
      %add3A_77 = arith.addf %add3A_70, %get3A_76 : vector<16xf32>
      %mul3A_78 = arith.constant 16 : i32
      %mul3A_79 = arith.muli %scan3A_25, %mul3A_78 : i32
      %swap3A = arith.index_cast %mul3A_79 : i32 to index
      %swap3A_80 = tpu.vector_load %arg6[%swap3A] {strides = array<i32>} : memref<81936xf32, #tpu.memory_space<vmem>>, vector<16xf32>,
      tpu.vector_store %arg6[%swap3A], %add3A_77 {strides = array<i32>} : memref<81936xf32, #tpu.memory_space<vmem>>, vector<16xf32>,
    }
    %scan3A_24 = arith.constant 640 : i32
    "tpu.region"() ({
      %run_scoped3A = tpu.sem_alloc : memref<!tpu.dma_semaphore, #tpu.memory_space<semaphore_mem>>
      %dma_start3A = arith.constant 0 : i32
      %dma_start3A_25 = tpu.memref_slice %arg6[%dma_start3A] : memref<81936xf32, #tpu.memory_space<vmem>> -> memref<10240xf32, #tpu.memory_space<vmem>>
      %dma_start3A_26 = arith.constant 0 : i32
      %dma_start3A_27 = tpu.memref_slice %arg4[%add3A, %dma_start3A_26] : memref<32x10240xf32, #tpu.memory_space<hbm>> -> memref<1x10240xf32, #tpu.memory_space<hbm>>
      %dma_start3A_28 = tpu.memref_squeeze %dma_start3A_27 : memref<1x10240xf32, #tpu.memory_space<hbm>> -> memref<10240xf32, #tpu.memory_space<hbm>>
      %dma_start3A_29 = arith.constant 0 : i32
      %dma_start3A_30 = tpu.memref_slice %arg4[%add3A, %dma_start3A_29] : memref<32x10240xf32, #tpu.memory_space<hbm>> -> memref<1x10240xf32, #tpu.memory_space<hbm>>
      %dma_start3A_31 = tpu.memref_squeeze %dma_start3A_30 : memref<1x10240xf32, #tpu.memory_space<hbm>> -> memref<10240xf32, #tpu.memory_space<hbm>>
      %dma_start3A_32 = arith.constant 0 : i32
      %dma_start3A_33 = tpu.memref_slice %arg6[%dma_start3A_32] : memref<81936xf32, #tpu.memory_space<vmem>> -> memref<10240xf32, #tpu.memory_space<vmem>>
      tpu.enqueue_dma source(%dma_start3A_33 : memref<10240xf32, #tpu.memory_space<vmem>>) target(%dma_start3A_31 : memref<10240xf32, #tpu.memory_space<hbm>>) target_semaphore(%run_scoped3A : memref<!tpu.dma_semaphore, #tpu.memory_space<semaphore_mem>>)
      %dma_wait3A = arith.constant 0 : i32
      %dma_wait3A_34 = tpu.memref_slice %arg6[%dma_wait3A] : memref<81936xf32, #tpu.memory_space<vmem>> -> memref<10240xf32, #tpu.memory_space<vmem>>
      %dma_wait3A_35 = arith.constant 0 : i32
      %dma_wait3A_36 = tpu.memref_slice %arg4[%add3A, %dma_wait3A_35] : memref<32x10240xf32, #tpu.memory_space<hbm>> -> memref<1x10240xf32, #tpu.memory_space<hbm>>
      %dma_wait3A_37 = tpu.memref_squeeze %dma_wait3A_36 : memref<1x10240xf32, #tpu.memory_space<hbm>> -> memref<10240xf32, #tpu.memory_space<hbm>>
      %dma_wait3A_38 = arith.constant 0 : i32
      %dma_wait3A_39 = tpu.memref_slice %arg4[%add3A, %dma_wait3A_38] : memref<32x10240xf32, #tpu.memory_space<hbm>> -> memref<1x10240xf32, #tpu.memory_space<hbm>>
      %dma_wait3A_40 = tpu.memref_squeeze %dma_wait3A_39 : memref<1x10240xf32, #tpu.memory_space<hbm>> -> memref<10240xf32, #tpu.memory_space<hbm>>
      %dma_wait3A_41 = arith.constant 0 : i32
      %dma_wait3A_42 = tpu.memref_slice %arg6[%dma_wait3A_41] : memref<81936xf32, #tpu.memory_space<vmem>> -> memref<10240xf32, #tpu.memory_space<vmem>>
      tpu.wait_dma2 semaphore(%run_scoped3A : memref<!tpu.dma_semaphore, #tpu.memory_space<semaphore_mem>>) src(%dma_wait3A_42 : memref<10240xf32, #tpu.memory_space<vmem>>) dst(%dma_wait3A_40 : memref<10240xf32, #tpu.memory_space<hbm>>)
      tpu.yield
    }) : () -> ()
    return
  }
}

#map = affine_map<(d0, d1) -> (0, 0)>
#map1 = affine_map<(d0, d1) -> (0)>
#map2 = affine_map<(d0, d1) -> (0, 0, 0)>
module attributes {stable_mosaic.version = 14 : i64} {
  func.func @sc_sage_agg(%arg0: i32, %arg1: i32, %arg2: memref<10240x128xf32, #tpu.memory_space<hbm>>, %arg3: memref<320000xi32, #tpu.memory_space<hbm>>, %arg4: memref<320000xi32, #tpu.memory_space<hbm>>, %arg5: memref<640x128xf32, #tpu.memory_space<hbm>>, %arg6: memref<2x10240x128xf32, #tpu.memory_space<hbm>>, %arg7: memref<128xi32, #tpu.memory_space<vmem>>, %arg8: memref<128xi32, #tpu.memory_space<vmem>>, %arg9: memref<128xi32, #tpu.memory_space<vmem>>, %arg10: memref<128xi32, #tpu.memory_space<vmem>>, %arg11: memref<256xi32, #tpu.memory_space<vmem>>, %arg12: memref<128x128xf32, #tpu.memory_space<vmem>>, %arg13: memref<128x128xf32, #tpu.memory_space<vmem>>, %arg14: memref<16xi32, #tpu.memory_space<vmem>>, %arg15: memref<16xi32, #tpu.memory_space<vmem>>, %arg16: memref<16x128xf32, #tpu.memory_space<vmem>>, %arg17: memref<10240x128xf32, #tpu.memory_space<vmem_shared>>, %arg18: memref<!tpu.dma_semaphore, #tpu.memory_space<semaphore_mem>>, %arg19: memref<!tpu.dma_semaphore, #tpu.memory_space<semaphore_mem>>, %arg20: memref<!tpu.dma_semaphore, #tpu.memory_space<semaphore_mem>>, %arg21: memref<!tpu.dma_semaphore, #tpu.memory_space<semaphore_mem>>) attributes {dimension_semantics = [#tpu.dimension_semantics<core_parallel>, #tpu.dimension_semantics<subcore_parallel>], iteration_bounds = array<i64: 2, 16>, scalar_prefetch = 0 : i64, scratch_operands = 15 : i64, tpu.core_type = #tpu.core_type<sc_vector_subcore>, window_params = [{transform_indices = #map}, {transform_indices = #map1}, {transform_indices = #map1}, {transform_indices = #map}, {transform_indices = #map2}]} {
    %mul3A = arith.constant 16 : i32
    %mul3A_0 = arith.muli %arg0, %mul3A : i32
    %add3A = arith.addi %mul3A_0, %arg1 : i32
    %mul3A_1 = arith.constant 10000 : i32
    %mul3A_2 = arith.muli %add3A, %mul3A_1 : i32
    %mul3A_3 = arith.constant 640 : i32
    %mul3A_4 = arith.muli %arg1, %mul3A_3 : i32
    "tpu.region"() ({
      %run_scoped3A = tpu.sem_alloc : memref<!tpu.dma_semaphore, #tpu.memory_space<semaphore_mem>>
      %dma_start3A_60 = arith.constant 0 : i32
      %dma_start3A_61 = tpu.memref_slice %arg17[%mul3A_4, %dma_start3A_60] : memref<10240x128xf32, #tpu.memory_space<vmem_shared>> -> memref<640x128xf32, #tpu.memory_space<vmem_shared>>
      tpu.enqueue_dma source(%arg5 : memref<640x128xf32, #tpu.memory_space<hbm>>) target(%dma_start3A_61 : memref<640x128xf32, #tpu.memory_space<vmem_shared>>) target_semaphore(%run_scoped3A : memref<!tpu.dma_semaphore, #tpu.memory_space<semaphore_mem>>)
      %dma_wait3A_62 = arith.constant 0 : i32
      %dma_wait3A_63 = tpu.memref_slice %arg17[%mul3A_4, %dma_wait3A_62] : memref<10240x128xf32, #tpu.memory_space<vmem_shared>> -> memref<640x128xf32, #tpu.memory_space<vmem_shared>>
      tpu.wait_dma2 semaphore(%run_scoped3A : memref<!tpu.dma_semaphore, #tpu.memory_space<semaphore_mem>>) src(%arg5 : memref<640x128xf32, #tpu.memory_space<hbm>>) dst(%dma_wait3A_63 : memref<640x128xf32, #tpu.memory_space<vmem_shared>>)
      tpu.yield
    }) : () -> ()
    %barrier3A = arith.constant 0 : index
    tpu.barrier barrier_id(%barrier3A)
    %rem3A = arith.constant 0 : i32
    %rem3A_5 = arith.constant 78 : i32
    %rem3A_6 = arith.remsi %rem3A, %rem3A_5 : i32
    %mul3A_7 = arith.constant 128 : i32
    %mul3A_8 = arith.muli %rem3A_6, %mul3A_7 : i32
    %add3A_9 = arith.addi %mul3A_2, %mul3A_8 : i32
    %multiple_of3A = tpu.assume_multiple %add3A_9, 8 : i32
    "tpu.region"() ({
      %run_scoped3A = tpu.sem_alloc : memref<!tpu.dma_semaphore, #tpu.memory_space<semaphore_mem>>
      %dma_start3A_60 = tpu.memref_slice %arg3[%multiple_of3A] : memref<320000xi32, #tpu.memory_space<hbm>> -> memref<128xi32, #tpu.memory_space<hbm>>
      %dma_start3A_61 = tpu.memref_slice %arg3[%multiple_of3A] : memref<320000xi32, #tpu.memory_space<hbm>> -> memref<128xi32, #tpu.memory_space<hbm>>
      tpu.enqueue_dma source(%dma_start3A_61 : memref<128xi32, #tpu.memory_space<hbm>>) target(%arg7 : memref<128xi32, #tpu.memory_space<vmem>>) target_semaphore(%run_scoped3A : memref<!tpu.dma_semaphore, #tpu.memory_space<semaphore_mem>>)
      %dma_wait3A_62 = tpu.memref_slice %arg3[%multiple_of3A] : memref<320000xi32, #tpu.memory_space<hbm>> -> memref<128xi32, #tpu.memory_space<hbm>>
      %dma_wait3A_63 = tpu.memref_slice %arg3[%multiple_of3A] : memref<320000xi32, #tpu.memory_space<hbm>> -> memref<128xi32, #tpu.memory_space<hbm>>
      tpu.wait_dma2 semaphore(%run_scoped3A : memref<!tpu.dma_semaphore, #tpu.memory_space<semaphore_mem>>) src(%dma_wait3A_63 : memref<128xi32, #tpu.memory_space<hbm>>) dst(%arg7 : memref<128xi32, #tpu.memory_space<vmem>>)
      tpu.yield
    }) : () -> ()
    %rem3A_10 = arith.constant 0 : i32
    %rem3A_11 = arith.constant 78 : i32
    %rem3A_12 = arith.remsi %rem3A_10, %rem3A_11 : i32
    %mul3A_13 = arith.constant 128 : i32
    %mul3A_14 = arith.muli %rem3A_12, %mul3A_13 : i32
    %add3A_15 = arith.addi %mul3A_2, %mul3A_14 : i32
    %multiple_of3A_16 = tpu.assume_multiple %add3A_15, 8 : i32
    "tpu.region"() ({
      %run_scoped3A = tpu.sem_alloc : memref<!tpu.dma_semaphore, #tpu.memory_space<semaphore_mem>>
      %dma_start3A_60 = tpu.memref_slice %arg4[%multiple_of3A_16] : memref<320000xi32, #tpu.memory_space<hbm>> -> memref<128xi32, #tpu.memory_space<hbm>>
      %dma_start3A_61 = tpu.memref_slice %arg4[%multiple_of3A_16] : memref<320000xi32, #tpu.memory_space<hbm>> -> memref<128xi32, #tpu.memory_space<hbm>>
      tpu.enqueue_dma source(%dma_start3A_61 : memref<128xi32, #tpu.memory_space<hbm>>) target(%arg9 : memref<128xi32, #tpu.memory_space<vmem>>) target_semaphore(%run_scoped3A : memref<!tpu.dma_semaphore, #tpu.memory_space<semaphore_mem>>)
      %dma_wait3A_62 = tpu.memref_slice %arg4[%multiple_of3A_16] : memref<320000xi32, #tpu.memory_space<hbm>> -> memref<128xi32, #tpu.memory_space<hbm>>
      %dma_wait3A_63 = tpu.memref_slice %arg4[%multiple_of3A_16] : memref<320000xi32, #tpu.memory_space<hbm>> -> memref<128xi32, #tpu.memory_space<hbm>>
      tpu.wait_dma2 semaphore(%run_scoped3A : memref<!tpu.dma_semaphore, #tpu.memory_space<semaphore_mem>>) src(%dma_wait3A_63 : memref<128xi32, #tpu.memory_space<hbm>>) dst(%arg9 : memref<128xi32, #tpu.memory_space<vmem>>)
      tpu.yield
    }) : () -> ()
    %dma_start3A = arith.constant 0 : i32
    %dma_start3A_17 = arith.constant 0 : i32
    %dma_start3A_18 = tpu.memref_slice %arg2[%dma_start3A, %dma_start3A_17] : memref<10240x128xf32, #tpu.memory_space<hbm>> -> memref<10240x128xf32, #tpu.memory_space<hbm>>
    tpu.enqueue_indirect_dma source(%dma_start3A_18 : memref<10240x128xf32, #tpu.memory_space<hbm>>) target(%arg12 : memref<128x128xf32, #tpu.memory_space<vmem>>) offsets(%arg7 : memref<128xi32, #tpu.memory_space<vmem>>) semaphore(%arg20 : memref<!tpu.dma_semaphore, #tpu.memory_space<semaphore_mem>>)
    %rem3A_19 = arith.constant 1 : i32
    %rem3A_20 = arith.constant 78 : i32
    %rem3A_21 = arith.remsi %rem3A_19, %rem3A_20 : i32
    %mul3A_22 = arith.constant 128 : i32
    %mul3A_23 = arith.muli %rem3A_21, %mul3A_22 : i32
    %add3A_24 = arith.addi %mul3A_2, %mul3A_23 : i32
    %multiple_of3A_25 = tpu.assume_multiple %add3A_24, 8 : i32
    "tpu.region"() ({
      %run_scoped3A = tpu.sem_alloc : memref<!tpu.dma_semaphore, #tpu.memory_space<semaphore_mem>>
      %dma_start3A_60 = tpu.memref_slice %arg3[%multiple_of3A_25] : memref<320000xi32, #tpu.memory_space<hbm>> -> memref<128xi32, #tpu.memory_space<hbm>>
      %dma_start3A_61 = tpu.memref_slice %arg3[%multiple_of3A_25] : memref<320000xi32, #tpu.memory_space<hbm>> -> memref<128xi32, #tpu.memory_space<hbm>>
      tpu.enqueue_dma source(%dma_start3A_61 : memref<128xi32, #tpu.memory_space<hbm>>) target(%arg8 : memref<128xi32, #tpu.memory_space<vmem>>) target_semaphore(%run_scoped3A : memref<!tpu.dma_semaphore, #tpu.memory_space<semaphore_mem>>)
      %dma_wait3A_62 = tpu.memref_slice %arg3[%multiple_of3A_25] : memref<320000xi32, #tpu.memory_space<hbm>> -> memref<128xi32, #tpu.memory_space<hbm>>
      %dma_wait3A_63 = tpu.memref_slice %arg3[%multiple_of3A_25] : memref<320000xi32, #tpu.memory_space<hbm>> -> memref<128xi32, #tpu.memory_space<hbm>>
      tpu.wait_dma2 semaphore(%run_scoped3A : memref<!tpu.dma_semaphore, #tpu.memory_space<semaphore_mem>>) src(%dma_wait3A_63 : memref<128xi32, #tpu.memory_space<hbm>>) dst(%arg8 : memref<128xi32, #tpu.memory_space<vmem>>)
      tpu.yield
    }) : () -> ()
    %rem3A_26 = arith.constant 1 : i32
    %rem3A_27 = arith.constant 78 : i32
    %rem3A_28 = arith.remsi %rem3A_26, %rem3A_27 : i32
    %mul3A_29 = arith.constant 128 : i32
    %mul3A_30 = arith.muli %rem3A_28, %mul3A_29 : i32
    %add3A_31 = arith.addi %mul3A_2, %mul3A_30 : i32
    %multiple_of3A_32 = tpu.assume_multiple %add3A_31, 8 : i32
    "tpu.region"() ({
      %run_scoped3A = tpu.sem_alloc : memref<!tpu.dma_semaphore, #tpu.memory_space<semaphore_mem>>
      %dma_start3A_60 = tpu.memref_slice %arg4[%multiple_of3A_32] : memref<320000xi32, #tpu.memory_space<hbm>> -> memref<128xi32, #tpu.memory_space<hbm>>
      %dma_start3A_61 = tpu.memref_slice %arg4[%multiple_of3A_32] : memref<320000xi32, #tpu.memory_space<hbm>> -> memref<128xi32, #tpu.memory_space<hbm>>
      tpu.enqueue_dma source(%dma_start3A_61 : memref<128xi32, #tpu.memory_space<hbm>>) target(%arg10 : memref<128xi32, #tpu.memory_space<vmem>>) target_semaphore(%run_scoped3A : memref<!tpu.dma_semaphore, #tpu.memory_space<semaphore_mem>>)
      %dma_wait3A_62 = tpu.memref_slice %arg4[%multiple_of3A_32] : memref<320000xi32, #tpu.memory_space<hbm>> -> memref<128xi32, #tpu.memory_space<hbm>>
      %dma_wait3A_63 = tpu.memref_slice %arg4[%multiple_of3A_32] : memref<320000xi32, #tpu.memory_space<hbm>> -> memref<128xi32, #tpu.memory_space<hbm>>
      tpu.wait_dma2 semaphore(%run_scoped3A : memref<!tpu.dma_semaphore, #tpu.memory_space<semaphore_mem>>) src(%dma_wait3A_63 : memref<128xi32, #tpu.memory_space<hbm>>) dst(%arg10 : memref<128xi32, #tpu.memory_space<vmem>>)
      tpu.yield
    }) : () -> ()
    %dma_start3A_33 = arith.constant 0 : i32
    %dma_start3A_34 = arith.constant 0 : i32
    %dma_start3A_35 = tpu.memref_slice %arg2[%dma_start3A_33, %dma_start3A_34] : memref<10240x128xf32, #tpu.memory_space<hbm>> -> memref<10240x128xf32, #tpu.memory_space<hbm>>
    tpu.enqueue_indirect_dma source(%dma_start3A_35 : memref<10240x128xf32, #tpu.memory_space<hbm>>) target(%arg13 : memref<128x128xf32, #tpu.memory_space<vmem>>) offsets(%arg8 : memref<128xi32, #tpu.memory_space<vmem>>) semaphore(%arg21 : memref<!tpu.dma_semaphore, #tpu.memory_space<semaphore_mem>>)
    %scan3A = arith.constant 0 : i32
    %scan3A_36 = arith.constant 0 : i32
    %scan3A_37 = arith.constant 39 : i32
    %scan3A_38 = arith.addi %scan3A_36, %scan3A_37 : i32
    %scan3A_39 = arith.constant 1 : i32
    scf.for %scan3A_60 = %scan3A_36 to %scan3A_38 step %scan3A_39  : i32 {
      %mul3A_61 = arith.constant 2 : i32
      %mul3A_62 = arith.muli %mul3A_61, %scan3A_60 : i32
      %dma_wait3A_63 = arith.constant 0 : i32
      %dma_wait3A_64 = arith.constant 0 : i32
      %dma_wait3A_65 = tpu.memref_slice %arg2[%dma_wait3A_63, %dma_wait3A_64] : memref<10240x128xf32, #tpu.memory_space<hbm>> -> memref<10240x128xf32, #tpu.memory_space<hbm>>
      tpu.wait_indirect_dma semaphore(%arg20 : memref<!tpu.dma_semaphore, #tpu.memory_space<semaphore_mem>>) src(%dma_wait3A_65 : memref<10240x128xf32, #tpu.memory_space<hbm>>) dst(%arg12 : memref<128x128xf32, #tpu.memory_space<vmem>>)
      "tpu.region"() ({
        %run_scoped3A = tpu.sem_alloc : memref<!tpu.dma_semaphore, #tpu.memory_space<semaphore_mem>>
        %dma_start3A_131 = arith.constant 0 : i32
        %dma_start3A_132 = arith.constant 0 : i32
        %dma_start3A_133 = tpu.memref_slice %arg17[%dma_start3A_131, %dma_start3A_132] : memref<10240x128xf32, #tpu.memory_space<vmem_shared>> -> memref<10240x128xf32, #tpu.memory_space<vmem_shared>>
        tpu.enqueue_indirect_dma source(%arg12 : memref<128x128xf32, #tpu.memory_space<vmem>>) target(%dma_start3A_133 : memref<10240x128xf32, #tpu.memory_space<vmem_shared>>) offsets(%arg9 : memref<128xi32, #tpu.memory_space<vmem>>) semaphore(%run_scoped3A : memref<!tpu.dma_semaphore, #tpu.memory_space<semaphore_mem>>) {add = true}
        %dma_wait3A_134 = arith.constant 0 : i32
        %dma_wait3A_135 = arith.constant 0 : i32
        %dma_wait3A_136 = tpu.memref_slice %arg17[%dma_wait3A_134, %dma_wait3A_135] : memref<10240x128xf32, #tpu.memory_space<vmem_shared>> -> memref<10240x128xf32, #tpu.memory_space<vmem_shared>>
        tpu.wait_indirect_dma semaphore(%run_scoped3A : memref<!tpu.dma_semaphore, #tpu.memory_space<semaphore_mem>>) src(%arg12 : memref<128x128xf32, #tpu.memory_space<vmem>>) dst(%dma_wait3A_136 : memref<10240x128xf32, #tpu.memory_space<vmem_shared>>)
        tpu.yield
      }) : () -> ()
      %add3A_66 = arith.constant 2 : i32
      %add3A_67 = arith.addi %mul3A_62, %add3A_66 : i32
      %add3A_68 = arith.constant 0 : i32
      %add3A_69 = arith.addi %add3A_67, %add3A_68 : i32
      %rem3A_70 = arith.constant 78 : i32
      %rem3A_71 = arith.remsi %add3A_69, %rem3A_70 : i32
      %mul3A_72 = arith.constant 128 : i32
      %mul3A_73 = arith.muli %rem3A_71, %mul3A_72 : i32
      %add3A_74 = arith.addi %mul3A_2, %mul3A_73 : i32
      %multiple_of3A_75 = tpu.assume_multiple %add3A_74, 8 : i32
      %dma_start3A_76 = tpu.memref_slice %arg3[%multiple_of3A_75] : memref<320000xi32, #tpu.memory_space<hbm>> -> memref<128xi32, #tpu.memory_space<hbm>>
      %dma_start3A_77 = tpu.memref_slice %arg3[%multiple_of3A_75] : memref<320000xi32, #tpu.memory_space<hbm>> -> memref<128xi32, #tpu.memory_space<hbm>>
      tpu.enqueue_dma source(%dma_start3A_77 : memref<128xi32, #tpu.memory_space<hbm>>) target(%arg7 : memref<128xi32, #tpu.memory_space<vmem>>) target_semaphore(%arg18 : memref<!tpu.dma_semaphore, #tpu.memory_space<semaphore_mem>>)
      %add3A_78 = arith.constant 2 : i32
      %add3A_79 = arith.addi %mul3A_62, %add3A_78 : i32
      %add3A_80 = arith.constant 0 : i32
      %add3A_81 = arith.addi %add3A_79, %add3A_80 : i32
      %rem3A_82 = arith.constant 78 : i32
      %rem3A_83 = arith.remsi %add3A_81, %rem3A_82 : i32
      %mul3A_84 = arith.constant 128 : i32
      %mul3A_85 = arith.muli %rem3A_83, %mul3A_84 : i32
      %add3A_86 = arith.addi %mul3A_2, %mul3A_85 : i32
      %multiple_of3A_87 = tpu.assume_multiple %add3A_86, 8 : i32
      %dma_start3A_88 = tpu.memref_slice %arg4[%multiple_of3A_87] : memref<320000xi32, #tpu.memory_space<hbm>> -> memref<128xi32, #tpu.memory_space<hbm>>
      %dma_start3A_89 = tpu.memref_slice %arg4[%multiple_of3A_87] : memref<320000xi32, #tpu.memory_space<hbm>> -> memref<128xi32, #tpu.memory_space<hbm>>
      tpu.enqueue_dma source(%dma_start3A_89 : memref<128xi32, #tpu.memory_space<hbm>>) target(%arg9 : memref<128xi32, #tpu.memory_space<vmem>>) target_semaphore(%arg18 : memref<!tpu.dma_semaphore, #tpu.memory_space<semaphore_mem>>)
      %dma_wait3A_90 = arith.constant 0 : i32
      %dma_wait3A_91 = arith.constant 0 : i32
      %dma_wait3A_92 = tpu.memref_slice %arg2[%dma_wait3A_90, %dma_wait3A_91] : memref<10240x128xf32, #tpu.memory_space<hbm>> -> memref<10240x128xf32, #tpu.memory_space<hbm>>
      tpu.wait_indirect_dma semaphore(%arg21 : memref<!tpu.dma_semaphore, #tpu.memory_space<semaphore_mem>>) src(%dma_wait3A_92 : memref<10240x128xf32, #tpu.memory_space<hbm>>) dst(%arg13 : memref<128x128xf32, #tpu.memory_space<vmem>>)
      "tpu.region"() ({
        %run_scoped3A = tpu.sem_alloc : memref<!tpu.dma_semaphore, #tpu.memory_space<semaphore_mem>>
        %dma_start3A_131 = arith.constant 0 : i32
        %dma_start3A_132 = arith.constant 0 : i32
        %dma_start3A_133 = tpu.memref_slice %arg17[%dma_start3A_131, %dma_start3A_132] : memref<10240x128xf32, #tpu.memory_space<vmem_shared>> -> memref<10240x128xf32, #tpu.memory_space<vmem_shared>>
        tpu.enqueue_indirect_dma source(%arg13 : memref<128x128xf32, #tpu.memory_space<vmem>>) target(%dma_start3A_133 : memref<10240x128xf32, #tpu.memory_space<vmem_shared>>) offsets(%arg10 : memref<128xi32, #tpu.memory_space<vmem>>) semaphore(%run_scoped3A : memref<!tpu.dma_semaphore, #tpu.memory_space<semaphore_mem>>) {add = true}
        %dma_wait3A_134 = arith.constant 0 : i32
        %dma_wait3A_135 = arith.constant 0 : i32
        %dma_wait3A_136 = tpu.memref_slice %arg17[%dma_wait3A_134, %dma_wait3A_135] : memref<10240x128xf32, #tpu.memory_space<vmem_shared>> -> memref<10240x128xf32, #tpu.memory_space<vmem_shared>>
        tpu.wait_indirect_dma semaphore(%run_scoped3A : memref<!tpu.dma_semaphore, #tpu.memory_space<semaphore_mem>>) src(%arg13 : memref<128x128xf32, #tpu.memory_space<vmem>>) dst(%dma_wait3A_136 : memref<10240x128xf32, #tpu.memory_space<vmem_shared>>)
        tpu.yield
      }) : () -> ()
      %add3A_93 = arith.constant 2 : i32
      %add3A_94 = arith.addi %mul3A_62, %add3A_93 : i32
      %add3A_95 = arith.constant 1 : i32
      %add3A_96 = arith.addi %add3A_94, %add3A_95 : i32
      %rem3A_97 = arith.constant 78 : i32
      %rem3A_98 = arith.remsi %add3A_96, %rem3A_97 : i32
      %mul3A_99 = arith.constant 128 : i32
      %mul3A_100 = arith.muli %rem3A_98, %mul3A_99 : i32
      %add3A_101 = arith.addi %mul3A_2, %mul3A_100 : i32
      %multiple_of3A_102 = tpu.assume_multiple %add3A_101, 8 : i32
      %dma_start3A_103 = tpu.memref_slice %arg3[%multiple_of3A_102] : memref<320000xi32, #tpu.memory_space<hbm>> -> memref<128xi32, #tpu.memory_space<hbm>>
      %dma_start3A_104 = tpu.memref_slice %arg3[%multiple_of3A_102] : memref<320000xi32, #tpu.memory_space<hbm>> -> memref<128xi32, #tpu.memory_space<hbm>>
      tpu.enqueue_dma source(%dma_start3A_104 : memref<128xi32, #tpu.memory_space<hbm>>) target(%arg8 : memref<128xi32, #tpu.memory_space<vmem>>) target_semaphore(%arg19 : memref<!tpu.dma_semaphore, #tpu.memory_space<semaphore_mem>>)
      %add3A_105 = arith.constant 2 : i32
      %add3A_106 = arith.addi %mul3A_62, %add3A_105 : i32
      %add3A_107 = arith.constant 1 : i32
      %add3A_108 = arith.addi %add3A_106, %add3A_107 : i32
      %rem3A_109 = arith.constant 78 : i32
      %rem3A_110 = arith.remsi %add3A_108, %rem3A_109 : i32
      %mul3A_111 = arith.constant 128 : i32
      %mul3A_112 = arith.muli %rem3A_110, %mul3A_111 : i32
      %add3A_113 = arith.addi %mul3A_2, %mul3A_112 : i32
      %multiple_of3A_114 = tpu.assume_multiple %add3A_113, 8 : i32
      %dma_start3A_115 = tpu.memref_slice %arg4[%multiple_of3A_114] : memref<320000xi32, #tpu.memory_space<hbm>> -> memref<128xi32, #tpu.memory_space<hbm>>
      %dma_start3A_116 = tpu.memref_slice %arg4[%multiple_of3A_114] : memref<320000xi32, #tpu.memory_space<hbm>> -> memref<128xi32, #tpu.memory_space<hbm>>
      tpu.enqueue_dma source(%dma_start3A_116 : memref<128xi32, #tpu.memory_space<hbm>>) target(%arg10 : memref<128xi32, #tpu.memory_space<vmem>>) target_semaphore(%arg19 : memref<!tpu.dma_semaphore, #tpu.memory_space<semaphore_mem>>)
      %dma_wait3A_117 = arith.constant 0 : i32
      %dma_wait3A_118 = tpu.memref_slice %arg3[%dma_wait3A_117] : memref<320000xi32, #tpu.memory_space<hbm>> -> memref<256xi32, #tpu.memory_space<hbm>>
      %dma_wait3A_119 = arith.constant 0 : i32
      %dma_wait3A_120 = tpu.memref_slice %arg3[%dma_wait3A_119] : memref<320000xi32, #tpu.memory_space<hbm>> -> memref<256xi32, #tpu.memory_space<hbm>>
      tpu.wait_dma2 semaphore(%arg18 : memref<!tpu.dma_semaphore, #tpu.memory_space<semaphore_mem>>) src(%dma_wait3A_120 : memref<256xi32, #tpu.memory_space<hbm>>) dst(%arg11 : memref<256xi32, #tpu.memory_space<vmem>>)
      %dma_start3A_121 = arith.constant 0 : i32
      %dma_start3A_122 = arith.constant 0 : i32
      %dma_start3A_123 = tpu.memref_slice %arg2[%dma_start3A_121, %dma_start3A_122] : memref<10240x128xf32, #tpu.memory_space<hbm>> -> memref<10240x128xf32, #tpu.memory_space<hbm>>
      tpu.enqueue_indirect_dma source(%dma_start3A_123 : memref<10240x128xf32, #tpu.memory_space<hbm>>) target(%arg12 : memref<128x128xf32, #tpu.memory_space<vmem>>) offsets(%arg7 : memref<128xi32, #tpu.memory_space<vmem>>) semaphore(%arg20 : memref<!tpu.dma_semaphore, #tpu.memory_space<semaphore_mem>>)
      %dma_wait3A_124 = arith.constant 0 : i32
      %dma_wait3A_125 = tpu.memref_slice %arg3[%dma_wait3A_124] : memref<320000xi32, #tpu.memory_space<hbm>> -> memref<256xi32, #tpu.memory_space<hbm>>
      %dma_wait3A_126 = arith.constant 0 : i32
      %dma_wait3A_127 = tpu.memref_slice %arg3[%dma_wait3A_126] : memref<320000xi32, #tpu.memory_space<hbm>> -> memref<256xi32, #tpu.memory_space<hbm>>
      tpu.wait_dma2 semaphore(%arg19 : memref<!tpu.dma_semaphore, #tpu.memory_space<semaphore_mem>>) src(%dma_wait3A_127 : memref<256xi32, #tpu.memory_space<hbm>>) dst(%arg11 : memref<256xi32, #tpu.memory_space<vmem>>)
      %dma_start3A_128 = arith.constant 0 : i32
      %dma_start3A_129 = arith.constant 0 : i32
      %dma_start3A_130 = tpu.memref_slice %arg2[%dma_start3A_128, %dma_start3A_129] : memref<10240x128xf32, #tpu.memory_space<hbm>> -> memref<10240x128xf32, #tpu.memory_space<hbm>>
      tpu.enqueue_indirect_dma source(%dma_start3A_130 : memref<10240x128xf32, #tpu.memory_space<hbm>>) target(%arg13 : memref<128x128xf32, #tpu.memory_space<vmem>>) offsets(%arg8 : memref<128xi32, #tpu.memory_space<vmem>>) semaphore(%arg21 : memref<!tpu.dma_semaphore, #tpu.memory_space<semaphore_mem>>)
    }
    %scan3A_40 = arith.constant 39 : i32
    %dma_wait3A = arith.constant 0 : i32
    %dma_wait3A_41 = arith.constant 0 : i32
    %dma_wait3A_42 = tpu.memref_slice %arg2[%dma_wait3A, %dma_wait3A_41] : memref<10240x128xf32, #tpu.memory_space<hbm>> -> memref<10240x128xf32, #tpu.memory_space<hbm>>
    tpu.wait_indirect_dma semaphore(%arg20 : memref<!tpu.dma_semaphore, #tpu.memory_space<semaphore_mem>>) src(%dma_wait3A_42 : memref<10240x128xf32, #tpu.memory_space<hbm>>) dst(%arg12 : memref<128x128xf32, #tpu.memory_space<vmem>>)
    %dma_wait3A_43 = arith.constant 0 : i32
    %dma_wait3A_44 = arith.constant 0 : i32
    %dma_wait3A_45 = tpu.memref_slice %arg2[%dma_wait3A_43, %dma_wait3A_44] : memref<10240x128xf32, #tpu.memory_space<hbm>> -> memref<10240x128xf32, #tpu.memory_space<hbm>>
    tpu.wait_indirect_dma semaphore(%arg21 : memref<!tpu.dma_semaphore, #tpu.memory_space<semaphore_mem>>) src(%dma_wait3A_45 : memref<10240x128xf32, #tpu.memory_space<hbm>>) dst(%arg13 : memref<128x128xf32, #tpu.memory_space<vmem>>)
    %add3A_46 = arith.constant 9984 : i32
    %add3A_47 = arith.addi %mul3A_2, %add3A_46 : i32
    %multiple_of3A_48 = tpu.assume_multiple %add3A_47, 8 : i32
    "tpu.region"() ({
      %run_scoped3A = tpu.sem_alloc : memref<!tpu.dma_semaphore, #tpu.memory_space<semaphore_mem>>
      %dma_start3A_60 = tpu.memref_slice %arg3[%multiple_of3A_48] : memref<320000xi32, #tpu.memory_space<hbm>> -> memref<16xi32, #tpu.memory_space<hbm>>
      %dma_start3A_61 = tpu.memref_slice %arg3[%multiple_of3A_48] : memref<320000xi32, #tpu.memory_space<hbm>> -> memref<16xi32, #tpu.memory_space<hbm>>
      tpu.enqueue_dma source(%dma_start3A_61 : memref<16xi32, #tpu.memory_space<hbm>>) target(%arg14 : memref<16xi32, #tpu.memory_space<vmem>>) target_semaphore(%run_scoped3A : memref<!tpu.dma_semaphore, #tpu.memory_space<semaphore_mem>>)
      %dma_wait3A_62 = tpu.memref_slice %arg3[%multiple_of3A_48] : memref<320000xi32, #tpu.memory_space<hbm>> -> memref<16xi32, #tpu.memory_space<hbm>>
      %dma_wait3A_63 = tpu.memref_slice %arg3[%multiple_of3A_48] : memref<320000xi32, #tpu.memory_space<hbm>> -> memref<16xi32, #tpu.memory_space<hbm>>
      tpu.wait_dma2 semaphore(%run_scoped3A : memref<!tpu.dma_semaphore, #tpu.memory_space<semaphore_mem>>) src(%dma_wait3A_63 : memref<16xi32, #tpu.memory_space<hbm>>) dst(%arg14 : memref<16xi32, #tpu.memory_space<vmem>>)
      tpu.yield
    }) : () -> ()
    "tpu.region"() ({
      %run_scoped3A = tpu.sem_alloc : memref<!tpu.dma_semaphore, #tpu.memory_space<semaphore_mem>>
      %dma_start3A_60 = tpu.memref_slice %arg4[%multiple_of3A_48] : memref<320000xi32, #tpu.memory_space<hbm>> -> memref<16xi32, #tpu.memory_space<hbm>>
      %dma_start3A_61 = tpu.memref_slice %arg4[%multiple_of3A_48] : memref<320000xi32, #tpu.memory_space<hbm>> -> memref<16xi32, #tpu.memory_space<hbm>>
      tpu.enqueue_dma source(%dma_start3A_61 : memref<16xi32, #tpu.memory_space<hbm>>) target(%arg15 : memref<16xi32, #tpu.memory_space<vmem>>) target_semaphore(%run_scoped3A : memref<!tpu.dma_semaphore, #tpu.memory_space<semaphore_mem>>)
      %dma_wait3A_62 = tpu.memref_slice %arg4[%multiple_of3A_48] : memref<320000xi32, #tpu.memory_space<hbm>> -> memref<16xi32, #tpu.memory_space<hbm>>
      %dma_wait3A_63 = tpu.memref_slice %arg4[%multiple_of3A_48] : memref<320000xi32, #tpu.memory_space<hbm>> -> memref<16xi32, #tpu.memory_space<hbm>>
      tpu.wait_dma2 semaphore(%run_scoped3A : memref<!tpu.dma_semaphore, #tpu.memory_space<semaphore_mem>>) src(%dma_wait3A_63 : memref<16xi32, #tpu.memory_space<hbm>>) dst(%arg15 : memref<16xi32, #tpu.memory_space<vmem>>)
      tpu.yield
    }) : () -> ()
    %dma_start3A_49 = arith.constant 0 : i32
    %dma_start3A_50 = arith.constant 0 : i32
    %dma_start3A_51 = tpu.memref_slice %arg2[%dma_start3A_49, %dma_start3A_50] : memref<10240x128xf32, #tpu.memory_space<hbm>> -> memref<10240x128xf32, #tpu.memory_space<hbm>>
    tpu.enqueue_indirect_dma source(%dma_start3A_51 : memref<10240x128xf32, #tpu.memory_space<hbm>>) target(%arg16 : memref<16x128xf32, #tpu.memory_space<vmem>>) offsets(%arg14 : memref<16xi32, #tpu.memory_space<vmem>>) semaphore(%arg20 : memref<!tpu.dma_semaphore, #tpu.memory_space<semaphore_mem>>)
    %dma_wait3A_52 = arith.constant 0 : i32
    %dma_wait3A_53 = arith.constant 0 : i32
    %dma_wait3A_54 = tpu.memref_slice %arg2[%dma_wait3A_52, %dma_wait3A_53] : memref<10240x128xf32, #tpu.memory_space<hbm>> -> memref<10240x128xf32, #tpu.memory_space<hbm>>
    tpu.wait_indirect_dma semaphore(%arg20 : memref<!tpu.dma_semaphore, #tpu.memory_space<semaphore_mem>>) src(%dma_wait3A_54 : memref<10240x128xf32, #tpu.memory_space<hbm>>) dst(%arg16 : memref<16x128xf32, #tpu.memory_space<vmem>>)
    "tpu.region"() ({
      %run_scoped3A = tpu.sem_alloc : memref<!tpu.dma_semaphore, #tpu.memory_space<semaphore_mem>>
      %dma_start3A_60 = arith.constant 0 : i32
      %dma_start3A_61 = arith.constant 0 : i32
      %dma_start3A_62 = tpu.memref_slice %arg17[%dma_start3A_60, %dma_start3A_61] : memref<10240x128xf32, #tpu.memory_space<vmem_shared>> -> memref<10240x128xf32, #tpu.memory_space<vmem_shared>>
      tpu.enqueue_indirect_dma source(%arg16 : memref<16x128xf32, #tpu.memory_space<vmem>>) target(%dma_start3A_62 : memref<10240x128xf32, #tpu.memory_space<vmem_shared>>) offsets(%arg15 : memref<16xi32, #tpu.memory_space<vmem>>) semaphore(%run_scoped3A : memref<!tpu.dma_semaphore, #tpu.memory_space<semaphore_mem>>) {add = true}
      %dma_wait3A_63 = arith.constant 0 : i32
      %dma_wait3A_64 = arith.constant 0 : i32
      %dma_wait3A_65 = tpu.memref_slice %arg17[%dma_wait3A_63, %dma_wait3A_64] : memref<10240x128xf32, #tpu.memory_space<vmem_shared>> -> memref<10240x128xf32, #tpu.memory_space<vmem_shared>>
      tpu.wait_indirect_dma semaphore(%run_scoped3A : memref<!tpu.dma_semaphore, #tpu.memory_space<semaphore_mem>>) src(%arg16 : memref<16x128xf32, #tpu.memory_space<vmem>>) dst(%dma_wait3A_65 : memref<10240x128xf32, #tpu.memory_space<vmem_shared>>)
      tpu.yield
    }) : () -> ()
    %barrier3A_55 = arith.constant 0 : index
    tpu.barrier barrier_id(%barrier3A_55)
    %mul3A_56 = arith.constant 640 : i32
    %mul3A_57 = arith.muli %arg1, %mul3A_56 : i32
    %mul3A_58 = arith.constant 640 : i32
    %mul3A_59 = arith.muli %arg1, %mul3A_58 : i32
    "tpu.region"() ({
      %run_scoped3A = tpu.sem_alloc : memref<!tpu.dma_semaphore, #tpu.memory_space<semaphore_mem>>
      %dma_start3A_60 = arith.constant 0 : i32
      %dma_start3A_61 = tpu.memref_slice %arg6[%arg0, %mul3A_59, %dma_start3A_60] : memref<2x10240x128xf32, #tpu.memory_space<hbm>> -> memref<1x640x128xf32, #tpu.memory_space<hbm>>
      %dma_start3A_62 = tpu.memref_squeeze %dma_start3A_61 : memref<1x640x128xf32, #tpu.memory_space<hbm>> -> memref<640x128xf32, #tpu.memory_space<hbm>>
      %dma_start3A_63 = arith.constant 0 : i32
      %dma_start3A_64 = tpu.memref_slice %arg17[%mul3A_57, %dma_start3A_63] : memref<10240x128xf32, #tpu.memory_space<vmem_shared>> -> memref<640x128xf32, #tpu.memory_space<vmem_shared>>
      tpu.enqueue_dma source(%dma_start3A_64 : memref<640x128xf32, #tpu.memory_space<vmem_shared>>) target(%dma_start3A_62 : memref<640x128xf32, #tpu.memory_space<hbm>>) target_semaphore(%run_scoped3A : memref<!tpu.dma_semaphore, #tpu.memory_space<semaphore_mem>>)
      %dma_wait3A_65 = arith.constant 0 : i32
      %dma_wait3A_66 = tpu.memref_slice %arg6[%arg0, %mul3A_59, %dma_wait3A_65] : memref<2x10240x128xf32, #tpu.memory_space<hbm>> -> memref<1x640x128xf32, #tpu.memory_space<hbm>>
      %dma_wait3A_67 = tpu.memref_squeeze %dma_wait3A_66 : memref<1x640x128xf32, #tpu.memory_space<hbm>> -> memref<640x128xf32, #tpu.memory_space<hbm>>
      %dma_wait3A_68 = arith.constant 0 : i32
      %dma_wait3A_69 = tpu.memref_slice %arg17[%mul3A_57, %dma_wait3A_68] : memref<10240x128xf32, #tpu.memory_space<vmem_shared>> -> memref<640x128xf32, #tpu.memory_space<vmem_shared>>
      tpu.wait_dma2 semaphore(%run_scoped3A : memref<!tpu.dma_semaphore, #tpu.memory_space<semaphore_mem>>) src(%dma_wait3A_69 : memref<640x128xf32, #tpu.memory_space<vmem_shared>>) dst(%dma_wait3A_67 : memref<640x128xf32, #tpu.memory_space<hbm>>)
      tpu.yield
    }) : () -> ()
    return
  }
}

#map = affine_map<(d0, d1) -> (0, 0)>
#map1 = affine_map<(d0, d1) -> (0)>
#map2 = affine_map<(d0, d1) -> (0, 0, 0)>
module attributes {stable_mosaic.version = 14 : i64} {
  func.func @sc_sage_agg(%arg0: i32, %arg1: i32, %arg2: memref<10240x128xf32, #tpu.memory_space<hbm>>, %arg3: memref<320000xi32, #tpu.memory_space<hbm>>, %arg4: memref<320000xi32, #tpu.memory_space<hbm>>, %arg5: memref<640x128xf32, #tpu.memory_space<hbm>>, %arg6: memref<2x10240x128xf32, #tpu.memory_space<hbm>>, %arg7: memref<128xi32, #tpu.memory_space<vmem>>, %arg8: memref<128xi32, #tpu.memory_space<vmem>>, %arg9: memref<128xi32, #tpu.memory_space<vmem>>, %arg10: memref<128xi32, #tpu.memory_space<vmem>>, %arg11: memref<256xi32, #tpu.memory_space<vmem>>, %arg12: memref<128x128xf32, #tpu.memory_space<vmem>>, %arg13: memref<128x128xf32, #tpu.memory_space<vmem>>, %arg14: memref<16xi32, #tpu.memory_space<vmem>>, %arg15: memref<16xi32, #tpu.memory_space<vmem>>, %arg16: memref<16x128xf32, #tpu.memory_space<vmem>>, %arg17: memref<10240x128xf32, #tpu.memory_space<vmem_shared>>, %arg18: memref<!tpu.dma_semaphore, #tpu.memory_space<semaphore_mem>>, %arg19: memref<!tpu.dma_semaphore, #tpu.memory_space<semaphore_mem>>, %arg20: memref<!tpu.dma_semaphore, #tpu.memory_space<semaphore_mem>>, %arg21: memref<!tpu.dma_semaphore, #tpu.memory_space<semaphore_mem>>) attributes {dimension_semantics = [#tpu.dimension_semantics<core_parallel>, #tpu.dimension_semantics<subcore_parallel>], iteration_bounds = array<i64: 2, 16>, scalar_prefetch = 0 : i64, scratch_operands = 15 : i64, tpu.core_type = #tpu.core_type<sc_vector_subcore>, window_params = [{transform_indices = #map}, {transform_indices = #map1}, {transform_indices = #map1}, {transform_indices = #map}, {transform_indices = #map2}]} {
    %mul3A = arith.constant 16 : i32
    %mul3A_0 = arith.muli %arg0, %mul3A : i32
    %add3A = arith.addi %mul3A_0, %arg1 : i32
    %mul3A_1 = arith.constant 10000 : i32
    %mul3A_2 = arith.muli %add3A, %mul3A_1 : i32
    %mul3A_3 = arith.constant 640 : i32
    %mul3A_4 = arith.muli %arg1, %mul3A_3 : i32
    "tpu.region"() ({
      %run_scoped3A = tpu.sem_alloc : memref<!tpu.dma_semaphore, #tpu.memory_space<semaphore_mem>>
      %dma_start3A_60 = arith.constant 0 : i32
      %dma_start3A_61 = tpu.memref_slice %arg17[%mul3A_4, %dma_start3A_60] : memref<10240x128xf32, #tpu.memory_space<vmem_shared>> -> memref<640x128xf32, #tpu.memory_space<vmem_shared>>
      tpu.enqueue_dma source(%arg5 : memref<640x128xf32, #tpu.memory_space<hbm>>) target(%dma_start3A_61 : memref<640x128xf32, #tpu.memory_space<vmem_shared>>) target_semaphore(%run_scoped3A : memref<!tpu.dma_semaphore, #tpu.memory_space<semaphore_mem>>)
      %dma_wait3A_62 = arith.constant 0 : i32
      %dma_wait3A_63 = tpu.memref_slice %arg17[%mul3A_4, %dma_wait3A_62] : memref<10240x128xf32, #tpu.memory_space<vmem_shared>> -> memref<640x128xf32, #tpu.memory_space<vmem_shared>>
      tpu.wait_dma2 semaphore(%run_scoped3A : memref<!tpu.dma_semaphore, #tpu.memory_space<semaphore_mem>>) src(%arg5 : memref<640x128xf32, #tpu.memory_space<hbm>>) dst(%dma_wait3A_63 : memref<640x128xf32, #tpu.memory_space<vmem_shared>>)
      tpu.yield
    }) : () -> ()
    %barrier3A = arith.constant 0 : index
    tpu.barrier barrier_id(%barrier3A)
    %rem3A = arith.constant 0 : i32
    %rem3A_5 = arith.constant 78 : i32
    %rem3A_6 = arith.remsi %rem3A, %rem3A_5 : i32
    %mul3A_7 = arith.constant 128 : i32
    %mul3A_8 = arith.muli %rem3A_6, %mul3A_7 : i32
    %add3A_9 = arith.addi %mul3A_2, %mul3A_8 : i32
    %multiple_of3A = tpu.assume_multiple %add3A_9, 8 : i32
    "tpu.region"() ({
      %run_scoped3A = tpu.sem_alloc : memref<!tpu.dma_semaphore, #tpu.memory_space<semaphore_mem>>
      %dma_start3A_60 = tpu.memref_slice %arg3[%multiple_of3A] : memref<320000xi32, #tpu.memory_space<hbm>> -> memref<128xi32, #tpu.memory_space<hbm>>
      %dma_start3A_61 = tpu.memref_slice %arg3[%multiple_of3A] : memref<320000xi32, #tpu.memory_space<hbm>> -> memref<128xi32, #tpu.memory_space<hbm>>
      tpu.enqueue_dma source(%dma_start3A_61 : memref<128xi32, #tpu.memory_space<hbm>>) target(%arg7 : memref<128xi32, #tpu.memory_space<vmem>>) target_semaphore(%run_scoped3A : memref<!tpu.dma_semaphore, #tpu.memory_space<semaphore_mem>>)
      %dma_wait3A_62 = tpu.memref_slice %arg3[%multiple_of3A] : memref<320000xi32, #tpu.memory_space<hbm>> -> memref<128xi32, #tpu.memory_space<hbm>>
      %dma_wait3A_63 = tpu.memref_slice %arg3[%multiple_of3A] : memref<320000xi32, #tpu.memory_space<hbm>> -> memref<128xi32, #tpu.memory_space<hbm>>
      tpu.wait_dma2 semaphore(%run_scoped3A : memref<!tpu.dma_semaphore, #tpu.memory_space<semaphore_mem>>) src(%dma_wait3A_63 : memref<128xi32, #tpu.memory_space<hbm>>) dst(%arg7 : memref<128xi32, #tpu.memory_space<vmem>>)
      tpu.yield
    }) : () -> ()
    %rem3A_10 = arith.constant 0 : i32
    %rem3A_11 = arith.constant 78 : i32
    %rem3A_12 = arith.remsi %rem3A_10, %rem3A_11 : i32
    %mul3A_13 = arith.constant 128 : i32
    %mul3A_14 = arith.muli %rem3A_12, %mul3A_13 : i32
    %add3A_15 = arith.addi %mul3A_2, %mul3A_14 : i32
    %multiple_of3A_16 = tpu.assume_multiple %add3A_15, 8 : i32
    "tpu.region"() ({
      %run_scoped3A = tpu.sem_alloc : memref<!tpu.dma_semaphore, #tpu.memory_space<semaphore_mem>>
      %dma_start3A_60 = tpu.memref_slice %arg4[%multiple_of3A_16] : memref<320000xi32, #tpu.memory_space<hbm>> -> memref<128xi32, #tpu.memory_space<hbm>>
      %dma_start3A_61 = tpu.memref_slice %arg4[%multiple_of3A_16] : memref<320000xi32, #tpu.memory_space<hbm>> -> memref<128xi32, #tpu.memory_space<hbm>>
      tpu.enqueue_dma source(%dma_start3A_61 : memref<128xi32, #tpu.memory_space<hbm>>) target(%arg9 : memref<128xi32, #tpu.memory_space<vmem>>) target_semaphore(%run_scoped3A : memref<!tpu.dma_semaphore, #tpu.memory_space<semaphore_mem>>)
      %dma_wait3A_62 = tpu.memref_slice %arg4[%multiple_of3A_16] : memref<320000xi32, #tpu.memory_space<hbm>> -> memref<128xi32, #tpu.memory_space<hbm>>
      %dma_wait3A_63 = tpu.memref_slice %arg4[%multiple_of3A_16] : memref<320000xi32, #tpu.memory_space<hbm>> -> memref<128xi32, #tpu.memory_space<hbm>>
      tpu.wait_dma2 semaphore(%run_scoped3A : memref<!tpu.dma_semaphore, #tpu.memory_space<semaphore_mem>>) src(%dma_wait3A_63 : memref<128xi32, #tpu.memory_space<hbm>>) dst(%arg9 : memref<128xi32, #tpu.memory_space<vmem>>)
      tpu.yield
    }) : () -> ()
    %dma_start3A = arith.constant 0 : i32
    %dma_start3A_17 = arith.constant 0 : i32
    %dma_start3A_18 = tpu.memref_slice %arg2[%dma_start3A, %dma_start3A_17] : memref<10240x128xf32, #tpu.memory_space<hbm>> -> memref<10240x128xf32, #tpu.memory_space<hbm>>
    tpu.enqueue_indirect_dma source(%dma_start3A_18 : memref<10240x128xf32, #tpu.memory_space<hbm>>) target(%arg12 : memref<128x128xf32, #tpu.memory_space<vmem>>) offsets(%arg7 : memref<128xi32, #tpu.memory_space<vmem>>) semaphore(%arg20 : memref<!tpu.dma_semaphore, #tpu.memory_space<semaphore_mem>>)
    %rem3A_19 = arith.constant 1 : i32
    %rem3A_20 = arith.constant 78 : i32
    %rem3A_21 = arith.remsi %rem3A_19, %rem3A_20 : i32
    %mul3A_22 = arith.constant 128 : i32
    %mul3A_23 = arith.muli %rem3A_21, %mul3A_22 : i32
    %add3A_24 = arith.addi %mul3A_2, %mul3A_23 : i32
    %multiple_of3A_25 = tpu.assume_multiple %add3A_24, 8 : i32
    "tpu.region"() ({
      %run_scoped3A = tpu.sem_alloc : memref<!tpu.dma_semaphore, #tpu.memory_space<semaphore_mem>>
      %dma_start3A_60 = tpu.memref_slice %arg3[%multiple_of3A_25] : memref<320000xi32, #tpu.memory_space<hbm>> -> memref<128xi32, #tpu.memory_space<hbm>>
      %dma_start3A_61 = tpu.memref_slice %arg3[%multiple_of3A_25] : memref<320000xi32, #tpu.memory_space<hbm>> -> memref<128xi32, #tpu.memory_space<hbm>>
      tpu.enqueue_dma source(%dma_start3A_61 : memref<128xi32, #tpu.memory_space<hbm>>) target(%arg8 : memref<128xi32, #tpu.memory_space<vmem>>) target_semaphore(%run_scoped3A : memref<!tpu.dma_semaphore, #tpu.memory_space<semaphore_mem>>)
      %dma_wait3A_62 = tpu.memref_slice %arg3[%multiple_of3A_25] : memref<320000xi32, #tpu.memory_space<hbm>> -> memref<128xi32, #tpu.memory_space<hbm>>
      %dma_wait3A_63 = tpu.memref_slice %arg3[%multiple_of3A_25] : memref<320000xi32, #tpu.memory_space<hbm>> -> memref<128xi32, #tpu.memory_space<hbm>>
      tpu.wait_dma2 semaphore(%run_scoped3A : memref<!tpu.dma_semaphore, #tpu.memory_space<semaphore_mem>>) src(%dma_wait3A_63 : memref<128xi32, #tpu.memory_space<hbm>>) dst(%arg8 : memref<128xi32, #tpu.memory_space<vmem>>)
      tpu.yield
    }) : () -> ()
    %rem3A_26 = arith.constant 1 : i32
    %rem3A_27 = arith.constant 78 : i32
    %rem3A_28 = arith.remsi %rem3A_26, %rem3A_27 : i32
    %mul3A_29 = arith.constant 128 : i32
    %mul3A_30 = arith.muli %rem3A_28, %mul3A_29 : i32
    %add3A_31 = arith.addi %mul3A_2, %mul3A_30 : i32
    %multiple_of3A_32 = tpu.assume_multiple %add3A_31, 8 : i32
    "tpu.region"() ({
      %run_scoped3A = tpu.sem_alloc : memref<!tpu.dma_semaphore, #tpu.memory_space<semaphore_mem>>
      %dma_start3A_60 = tpu.memref_slice %arg4[%multiple_of3A_32] : memref<320000xi32, #tpu.memory_space<hbm>> -> memref<128xi32, #tpu.memory_space<hbm>>
      %dma_start3A_61 = tpu.memref_slice %arg4[%multiple_of3A_32] : memref<320000xi32, #tpu.memory_space<hbm>> -> memref<128xi32, #tpu.memory_space<hbm>>
      tpu.enqueue_dma source(%dma_start3A_61 : memref<128xi32, #tpu.memory_space<hbm>>) target(%arg10 : memref<128xi32, #tpu.memory_space<vmem>>) target_semaphore(%run_scoped3A : memref<!tpu.dma_semaphore, #tpu.memory_space<semaphore_mem>>)
      %dma_wait3A_62 = tpu.memref_slice %arg4[%multiple_of3A_32] : memref<320000xi32, #tpu.memory_space<hbm>> -> memref<128xi32, #tpu.memory_space<hbm>>
      %dma_wait3A_63 = tpu.memref_slice %arg4[%multiple_of3A_32] : memref<320000xi32, #tpu.memory_space<hbm>> -> memref<128xi32, #tpu.memory_space<hbm>>
      tpu.wait_dma2 semaphore(%run_scoped3A : memref<!tpu.dma_semaphore, #tpu.memory_space<semaphore_mem>>) src(%dma_wait3A_63 : memref<128xi32, #tpu.memory_space<hbm>>) dst(%arg10 : memref<128xi32, #tpu.memory_space<vmem>>)
      tpu.yield
    }) : () -> ()
    %dma_start3A_33 = arith.constant 0 : i32
    %dma_start3A_34 = arith.constant 0 : i32
    %dma_start3A_35 = tpu.memref_slice %arg2[%dma_start3A_33, %dma_start3A_34] : memref<10240x128xf32, #tpu.memory_space<hbm>> -> memref<10240x128xf32, #tpu.memory_space<hbm>>
    tpu.enqueue_indirect_dma source(%dma_start3A_35 : memref<10240x128xf32, #tpu.memory_space<hbm>>) target(%arg13 : memref<128x128xf32, #tpu.memory_space<vmem>>) offsets(%arg8 : memref<128xi32, #tpu.memory_space<vmem>>) semaphore(%arg21 : memref<!tpu.dma_semaphore, #tpu.memory_space<semaphore_mem>>)
    %scan3A = arith.constant 0 : i32
    %scan3A_36 = arith.constant 0 : i32
    %scan3A_37 = arith.constant 39 : i32
    %scan3A_38 = arith.addi %scan3A_36, %scan3A_37 : i32
    %scan3A_39 = arith.constant 1 : i32
    scf.for %scan3A_60 = %scan3A_36 to %scan3A_38 step %scan3A_39  : i32 {
      %mul3A_61 = arith.constant 2 : i32
      %mul3A_62 = arith.muli %mul3A_61, %scan3A_60 : i32
      %dma_wait3A_63 = arith.constant 0 : i32
      %dma_wait3A_64 = arith.constant 0 : i32
      %dma_wait3A_65 = tpu.memref_slice %arg2[%dma_wait3A_63, %dma_wait3A_64] : memref<10240x128xf32, #tpu.memory_space<hbm>> -> memref<10240x128xf32, #tpu.memory_space<hbm>>
      tpu.wait_indirect_dma semaphore(%arg20 : memref<!tpu.dma_semaphore, #tpu.memory_space<semaphore_mem>>) src(%dma_wait3A_65 : memref<10240x128xf32, #tpu.memory_space<hbm>>) dst(%arg12 : memref<128x128xf32, #tpu.memory_space<vmem>>)
      "tpu.region"() ({
        %run_scoped3A = tpu.sem_alloc : memref<!tpu.dma_semaphore, #tpu.memory_space<semaphore_mem>>
        %dma_start3A_131 = arith.constant 0 : i32
        %dma_start3A_132 = arith.constant 0 : i32
        %dma_start3A_133 = tpu.memref_slice %arg17[%dma_start3A_131, %dma_start3A_132] : memref<10240x128xf32, #tpu.memory_space<vmem_shared>> -> memref<10240x128xf32, #tpu.memory_space<vmem_shared>>
        tpu.enqueue_indirect_dma source(%arg12 : memref<128x128xf32, #tpu.memory_space<vmem>>) target(%dma_start3A_133 : memref<10240x128xf32, #tpu.memory_space<vmem_shared>>) offsets(%arg9 : memref<128xi32, #tpu.memory_space<vmem>>) semaphore(%run_scoped3A : memref<!tpu.dma_semaphore, #tpu.memory_space<semaphore_mem>>) {add = true}
        %dma_wait3A_134 = arith.constant 0 : i32
        %dma_wait3A_135 = arith.constant 0 : i32
        %dma_wait3A_136 = tpu.memref_slice %arg17[%dma_wait3A_134, %dma_wait3A_135] : memref<10240x128xf32, #tpu.memory_space<vmem_shared>> -> memref<10240x128xf32, #tpu.memory_space<vmem_shared>>
        tpu.wait_indirect_dma semaphore(%run_scoped3A : memref<!tpu.dma_semaphore, #tpu.memory_space<semaphore_mem>>) src(%arg12 : memref<128x128xf32, #tpu.memory_space<vmem>>) dst(%dma_wait3A_136 : memref<10240x128xf32, #tpu.memory_space<vmem_shared>>)
        tpu.yield
      }) : () -> ()
      %add3A_66 = arith.constant 2 : i32
      %add3A_67 = arith.addi %mul3A_62, %add3A_66 : i32
      %add3A_68 = arith.constant 0 : i32
      %add3A_69 = arith.addi %add3A_67, %add3A_68 : i32
      %rem3A_70 = arith.constant 78 : i32
      %rem3A_71 = arith.remsi %add3A_69, %rem3A_70 : i32
      %mul3A_72 = arith.constant 128 : i32
      %mul3A_73 = arith.muli %rem3A_71, %mul3A_72 : i32
      %add3A_74 = arith.addi %mul3A_2, %mul3A_73 : i32
      %multiple_of3A_75 = tpu.assume_multiple %add3A_74, 8 : i32
      %dma_start3A_76 = tpu.memref_slice %arg3[%multiple_of3A_75] : memref<320000xi32, #tpu.memory_space<hbm>> -> memref<128xi32, #tpu.memory_space<hbm>>
      %dma_start3A_77 = tpu.memref_slice %arg3[%multiple_of3A_75] : memref<320000xi32, #tpu.memory_space<hbm>> -> memref<128xi32, #tpu.memory_space<hbm>>
      tpu.enqueue_dma source(%dma_start3A_77 : memref<128xi32, #tpu.memory_space<hbm>>) target(%arg7 : memref<128xi32, #tpu.memory_space<vmem>>) target_semaphore(%arg18 : memref<!tpu.dma_semaphore, #tpu.memory_space<semaphore_mem>>)
      %add3A_78 = arith.constant 2 : i32
      %add3A_79 = arith.addi %mul3A_62, %add3A_78 : i32
      %add3A_80 = arith.constant 0 : i32
      %add3A_81 = arith.addi %add3A_79, %add3A_80 : i32
      %rem3A_82 = arith.constant 78 : i32
      %rem3A_83 = arith.remsi %add3A_81, %rem3A_82 : i32
      %mul3A_84 = arith.constant 128 : i32
      %mul3A_85 = arith.muli %rem3A_83, %mul3A_84 : i32
      %add3A_86 = arith.addi %mul3A_2, %mul3A_85 : i32
      %multiple_of3A_87 = tpu.assume_multiple %add3A_86, 8 : i32
      %dma_start3A_88 = tpu.memref_slice %arg4[%multiple_of3A_87] : memref<320000xi32, #tpu.memory_space<hbm>> -> memref<128xi32, #tpu.memory_space<hbm>>
      %dma_start3A_89 = tpu.memref_slice %arg4[%multiple_of3A_87] : memref<320000xi32, #tpu.memory_space<hbm>> -> memref<128xi32, #tpu.memory_space<hbm>>
      tpu.enqueue_dma source(%dma_start3A_89 : memref<128xi32, #tpu.memory_space<hbm>>) target(%arg9 : memref<128xi32, #tpu.memory_space<vmem>>) target_semaphore(%arg18 : memref<!tpu.dma_semaphore, #tpu.memory_space<semaphore_mem>>)
      %dma_wait3A_90 = arith.constant 0 : i32
      %dma_wait3A_91 = arith.constant 0 : i32
      %dma_wait3A_92 = tpu.memref_slice %arg2[%dma_wait3A_90, %dma_wait3A_91] : memref<10240x128xf32, #tpu.memory_space<hbm>> -> memref<10240x128xf32, #tpu.memory_space<hbm>>
      tpu.wait_indirect_dma semaphore(%arg21 : memref<!tpu.dma_semaphore, #tpu.memory_space<semaphore_mem>>) src(%dma_wait3A_92 : memref<10240x128xf32, #tpu.memory_space<hbm>>) dst(%arg13 : memref<128x128xf32, #tpu.memory_space<vmem>>)
      "tpu.region"() ({
        %run_scoped3A = tpu.sem_alloc : memref<!tpu.dma_semaphore, #tpu.memory_space<semaphore_mem>>
        %dma_start3A_131 = arith.constant 0 : i32
        %dma_start3A_132 = arith.constant 0 : i32
        %dma_start3A_133 = tpu.memref_slice %arg17[%dma_start3A_131, %dma_start3A_132] : memref<10240x128xf32, #tpu.memory_space<vmem_shared>> -> memref<10240x128xf32, #tpu.memory_space<vmem_shared>>
        tpu.enqueue_indirect_dma source(%arg13 : memref<128x128xf32, #tpu.memory_space<vmem>>) target(%dma_start3A_133 : memref<10240x128xf32, #tpu.memory_space<vmem_shared>>) offsets(%arg10 : memref<128xi32, #tpu.memory_space<vmem>>) semaphore(%run_scoped3A : memref<!tpu.dma_semaphore, #tpu.memory_space<semaphore_mem>>) {add = true}
        %dma_wait3A_134 = arith.constant 0 : i32
        %dma_wait3A_135 = arith.constant 0 : i32
        %dma_wait3A_136 = tpu.memref_slice %arg17[%dma_wait3A_134, %dma_wait3A_135] : memref<10240x128xf32, #tpu.memory_space<vmem_shared>> -> memref<10240x128xf32, #tpu.memory_space<vmem_shared>>
        tpu.wait_indirect_dma semaphore(%run_scoped3A : memref<!tpu.dma_semaphore, #tpu.memory_space<semaphore_mem>>) src(%arg13 : memref<128x128xf32, #tpu.memory_space<vmem>>) dst(%dma_wait3A_136 : memref<10240x128xf32, #tpu.memory_space<vmem_shared>>)
        tpu.yield
      }) : () -> ()
      %add3A_93 = arith.constant 2 : i32
      %add3A_94 = arith.addi %mul3A_62, %add3A_93 : i32
      %add3A_95 = arith.constant 1 : i32
      %add3A_96 = arith.addi %add3A_94, %add3A_95 : i32
      %rem3A_97 = arith.constant 78 : i32
      %rem3A_98 = arith.remsi %add3A_96, %rem3A_97 : i32
      %mul3A_99 = arith.constant 128 : i32
      %mul3A_100 = arith.muli %rem3A_98, %mul3A_99 : i32
      %add3A_101 = arith.addi %mul3A_2, %mul3A_100 : i32
      %multiple_of3A_102 = tpu.assume_multiple %add3A_101, 8 : i32
      %dma_start3A_103 = tpu.memref_slice %arg3[%multiple_of3A_102] : memref<320000xi32, #tpu.memory_space<hbm>> -> memref<128xi32, #tpu.memory_space<hbm>>
      %dma_start3A_104 = tpu.memref_slice %arg3[%multiple_of3A_102] : memref<320000xi32, #tpu.memory_space<hbm>> -> memref<128xi32, #tpu.memory_space<hbm>>
      tpu.enqueue_dma source(%dma_start3A_104 : memref<128xi32, #tpu.memory_space<hbm>>) target(%arg8 : memref<128xi32, #tpu.memory_space<vmem>>) target_semaphore(%arg19 : memref<!tpu.dma_semaphore, #tpu.memory_space<semaphore_mem>>)
      %add3A_105 = arith.constant 2 : i32
      %add3A_106 = arith.addi %mul3A_62, %add3A_105 : i32
      %add3A_107 = arith.constant 1 : i32
      %add3A_108 = arith.addi %add3A_106, %add3A_107 : i32
      %rem3A_109 = arith.constant 78 : i32
      %rem3A_110 = arith.remsi %add3A_108, %rem3A_109 : i32
      %mul3A_111 = arith.constant 128 : i32
      %mul3A_112 = arith.muli %rem3A_110, %mul3A_111 : i32
      %add3A_113 = arith.addi %mul3A_2, %mul3A_112 : i32
      %multiple_of3A_114 = tpu.assume_multiple %add3A_113, 8 : i32
      %dma_start3A_115 = tpu.memref_slice %arg4[%multiple_of3A_114] : memref<320000xi32, #tpu.memory_space<hbm>> -> memref<128xi32, #tpu.memory_space<hbm>>
      %dma_start3A_116 = tpu.memref_slice %arg4[%multiple_of3A_114] : memref<320000xi32, #tpu.memory_space<hbm>> -> memref<128xi32, #tpu.memory_space<hbm>>
      tpu.enqueue_dma source(%dma_start3A_116 : memref<128xi32, #tpu.memory_space<hbm>>) target(%arg10 : memref<128xi32, #tpu.memory_space<vmem>>) target_semaphore(%arg19 : memref<!tpu.dma_semaphore, #tpu.memory_space<semaphore_mem>>)
      %dma_wait3A_117 = arith.constant 0 : i32
      %dma_wait3A_118 = tpu.memref_slice %arg3[%dma_wait3A_117] : memref<320000xi32, #tpu.memory_space<hbm>> -> memref<256xi32, #tpu.memory_space<hbm>>
      %dma_wait3A_119 = arith.constant 0 : i32
      %dma_wait3A_120 = tpu.memref_slice %arg3[%dma_wait3A_119] : memref<320000xi32, #tpu.memory_space<hbm>> -> memref<256xi32, #tpu.memory_space<hbm>>
      tpu.wait_dma2 semaphore(%arg18 : memref<!tpu.dma_semaphore, #tpu.memory_space<semaphore_mem>>) src(%dma_wait3A_120 : memref<256xi32, #tpu.memory_space<hbm>>) dst(%arg11 : memref<256xi32, #tpu.memory_space<vmem>>)
      %dma_start3A_121 = arith.constant 0 : i32
      %dma_start3A_122 = arith.constant 0 : i32
      %dma_start3A_123 = tpu.memref_slice %arg2[%dma_start3A_121, %dma_start3A_122] : memref<10240x128xf32, #tpu.memory_space<hbm>> -> memref<10240x128xf32, #tpu.memory_space<hbm>>
      tpu.enqueue_indirect_dma source(%dma_start3A_123 : memref<10240x128xf32, #tpu.memory_space<hbm>>) target(%arg12 : memref<128x128xf32, #tpu.memory_space<vmem>>) offsets(%arg7 : memref<128xi32, #tpu.memory_space<vmem>>) semaphore(%arg20 : memref<!tpu.dma_semaphore, #tpu.memory_space<semaphore_mem>>)
      %dma_wait3A_124 = arith.constant 0 : i32
      %dma_wait3A_125 = tpu.memref_slice %arg3[%dma_wait3A_124] : memref<320000xi32, #tpu.memory_space<hbm>> -> memref<256xi32, #tpu.memory_space<hbm>>
      %dma_wait3A_126 = arith.constant 0 : i32
      %dma_wait3A_127 = tpu.memref_slice %arg3[%dma_wait3A_126] : memref<320000xi32, #tpu.memory_space<hbm>> -> memref<256xi32, #tpu.memory_space<hbm>>
      tpu.wait_dma2 semaphore(%arg19 : memref<!tpu.dma_semaphore, #tpu.memory_space<semaphore_mem>>) src(%dma_wait3A_127 : memref<256xi32, #tpu.memory_space<hbm>>) dst(%arg11 : memref<256xi32, #tpu.memory_space<vmem>>)
      %dma_start3A_128 = arith.constant 0 : i32
      %dma_start3A_129 = arith.constant 0 : i32
      %dma_start3A_130 = tpu.memref_slice %arg2[%dma_start3A_128, %dma_start3A_129] : memref<10240x128xf32, #tpu.memory_space<hbm>> -> memref<10240x128xf32, #tpu.memory_space<hbm>>
      tpu.enqueue_indirect_dma source(%dma_start3A_130 : memref<10240x128xf32, #tpu.memory_space<hbm>>) target(%arg13 : memref<128x128xf32, #tpu.memory_space<vmem>>) offsets(%arg8 : memref<128xi32, #tpu.memory_space<vmem>>) semaphore(%arg21 : memref<!tpu.dma_semaphore, #tpu.memory_space<semaphore_mem>>)
    }
    %scan3A_40 = arith.constant 39 : i32
    %dma_wait3A = arith.constant 0 : i32
    %dma_wait3A_41 = arith.constant 0 : i32
    %dma_wait3A_42 = tpu.memref_slice %arg2[%dma_wait3A, %dma_wait3A_41] : memref<10240x128xf32, #tpu.memory_space<hbm>> -> memref<10240x128xf32, #tpu.memory_space<hbm>>
    tpu.wait_indirect_dma semaphore(%arg20 : memref<!tpu.dma_semaphore, #tpu.memory_space<semaphore_mem>>) src(%dma_wait3A_42 : memref<10240x128xf32, #tpu.memory_space<hbm>>) dst(%arg12 : memref<128x128xf32, #tpu.memory_space<vmem>>)
    %dma_wait3A_43 = arith.constant 0 : i32
    %dma_wait3A_44 = arith.constant 0 : i32
    %dma_wait3A_45 = tpu.memref_slice %arg2[%dma_wait3A_43, %dma_wait3A_44] : memref<10240x128xf32, #tpu.memory_space<hbm>> -> memref<10240x128xf32, #tpu.memory_space<hbm>>
    tpu.wait_indirect_dma semaphore(%arg21 : memref<!tpu.dma_semaphore, #tpu.memory_space<semaphore_mem>>) src(%dma_wait3A_45 : memref<10240x128xf32, #tpu.memory_space<hbm>>) dst(%arg13 : memref<128x128xf32, #tpu.memory_space<vmem>>)
    %add3A_46 = arith.constant 9984 : i32
    %add3A_47 = arith.addi %mul3A_2, %add3A_46 : i32
    %multiple_of3A_48 = tpu.assume_multiple %add3A_47, 8 : i32
    "tpu.region"() ({
      %run_scoped3A = tpu.sem_alloc : memref<!tpu.dma_semaphore, #tpu.memory_space<semaphore_mem>>
      %dma_start3A_60 = tpu.memref_slice %arg3[%multiple_of3A_48] : memref<320000xi32, #tpu.memory_space<hbm>> -> memref<16xi32, #tpu.memory_space<hbm>>
      %dma_start3A_61 = tpu.memref_slice %arg3[%multiple_of3A_48] : memref<320000xi32, #tpu.memory_space<hbm>> -> memref<16xi32, #tpu.memory_space<hbm>>
      tpu.enqueue_dma source(%dma_start3A_61 : memref<16xi32, #tpu.memory_space<hbm>>) target(%arg14 : memref<16xi32, #tpu.memory_space<vmem>>) target_semaphore(%run_scoped3A : memref<!tpu.dma_semaphore, #tpu.memory_space<semaphore_mem>>)
      %dma_wait3A_62 = tpu.memref_slice %arg3[%multiple_of3A_48] : memref<320000xi32, #tpu.memory_space<hbm>> -> memref<16xi32, #tpu.memory_space<hbm>>
      %dma_wait3A_63 = tpu.memref_slice %arg3[%multiple_of3A_48] : memref<320000xi32, #tpu.memory_space<hbm>> -> memref<16xi32, #tpu.memory_space<hbm>>
      tpu.wait_dma2 semaphore(%run_scoped3A : memref<!tpu.dma_semaphore, #tpu.memory_space<semaphore_mem>>) src(%dma_wait3A_63 : memref<16xi32, #tpu.memory_space<hbm>>) dst(%arg14 : memref<16xi32, #tpu.memory_space<vmem>>)
      tpu.yield
    }) : () -> ()
    "tpu.region"() ({
      %run_scoped3A = tpu.sem_alloc : memref<!tpu.dma_semaphore, #tpu.memory_space<semaphore_mem>>
      %dma_start3A_60 = tpu.memref_slice %arg4[%multiple_of3A_48] : memref<320000xi32, #tpu.memory_space<hbm>> -> memref<16xi32, #tpu.memory_space<hbm>>
      %dma_start3A_61 = tpu.memref_slice %arg4[%multiple_of3A_48] : memref<320000xi32, #tpu.memory_space<hbm>> -> memref<16xi32, #tpu.memory_space<hbm>>
      tpu.enqueue_dma source(%dma_start3A_61 : memref<16xi32, #tpu.memory_space<hbm>>) target(%arg15 : memref<16xi32, #tpu.memory_space<vmem>>) target_semaphore(%run_scoped3A : memref<!tpu.dma_semaphore, #tpu.memory_space<semaphore_mem>>)
      %dma_wait3A_62 = tpu.memref_slice %arg4[%multiple_of3A_48] : memref<320000xi32, #tpu.memory_space<hbm>> -> memref<16xi32, #tpu.memory_space<hbm>>
      %dma_wait3A_63 = tpu.memref_slice %arg4[%multiple_of3A_48] : memref<320000xi32, #tpu.memory_space<hbm>> -> memref<16xi32, #tpu.memory_space<hbm>>
      tpu.wait_dma2 semaphore(%run_scoped3A : memref<!tpu.dma_semaphore, #tpu.memory_space<semaphore_mem>>) src(%dma_wait3A_63 : memref<16xi32, #tpu.memory_space<hbm>>) dst(%arg15 : memref<16xi32, #tpu.memory_space<vmem>>)
      tpu.yield
    }) : () -> ()
    %dma_start3A_49 = arith.constant 0 : i32
    %dma_start3A_50 = arith.constant 0 : i32
    %dma_start3A_51 = tpu.memref_slice %arg2[%dma_start3A_49, %dma_start3A_50] : memref<10240x128xf32, #tpu.memory_space<hbm>> -> memref<10240x128xf32, #tpu.memory_space<hbm>>
    tpu.enqueue_indirect_dma source(%dma_start3A_51 : memref<10240x128xf32, #tpu.memory_space<hbm>>) target(%arg16 : memref<16x128xf32, #tpu.memory_space<vmem>>) offsets(%arg14 : memref<16xi32, #tpu.memory_space<vmem>>) semaphore(%arg20 : memref<!tpu.dma_semaphore, #tpu.memory_space<semaphore_mem>>)
    %dma_wait3A_52 = arith.constant 0 : i32
    %dma_wait3A_53 = arith.constant 0 : i32
    %dma_wait3A_54 = tpu.memref_slice %arg2[%dma_wait3A_52, %dma_wait3A_53] : memref<10240x128xf32, #tpu.memory_space<hbm>> -> memref<10240x128xf32, #tpu.memory_space<hbm>>
    tpu.wait_indirect_dma semaphore(%arg20 : memref<!tpu.dma_semaphore, #tpu.memory_space<semaphore_mem>>) src(%dma_wait3A_54 : memref<10240x128xf32, #tpu.memory_space<hbm>>) dst(%arg16 : memref<16x128xf32, #tpu.memory_space<vmem>>)
    "tpu.region"() ({
      %run_scoped3A = tpu.sem_alloc : memref<!tpu.dma_semaphore, #tpu.memory_space<semaphore_mem>>
      %dma_start3A_60 = arith.constant 0 : i32
      %dma_start3A_61 = arith.constant 0 : i32
      %dma_start3A_62 = tpu.memref_slice %arg17[%dma_start3A_60, %dma_start3A_61] : memref<10240x128xf32, #tpu.memory_space<vmem_shared>> -> memref<10240x128xf32, #tpu.memory_space<vmem_shared>>
      tpu.enqueue_indirect_dma source(%arg16 : memref<16x128xf32, #tpu.memory_space<vmem>>) target(%dma_start3A_62 : memref<10240x128xf32, #tpu.memory_space<vmem_shared>>) offsets(%arg15 : memref<16xi32, #tpu.memory_space<vmem>>) semaphore(%run_scoped3A : memref<!tpu.dma_semaphore, #tpu.memory_space<semaphore_mem>>) {add = true}
      %dma_wait3A_63 = arith.constant 0 : i32
      %dma_wait3A_64 = arith.constant 0 : i32
      %dma_wait3A_65 = tpu.memref_slice %arg17[%dma_wait3A_63, %dma_wait3A_64] : memref<10240x128xf32, #tpu.memory_space<vmem_shared>> -> memref<10240x128xf32, #tpu.memory_space<vmem_shared>>
      tpu.wait_indirect_dma semaphore(%run_scoped3A : memref<!tpu.dma_semaphore, #tpu.memory_space<semaphore_mem>>) src(%arg16 : memref<16x128xf32, #tpu.memory_space<vmem>>) dst(%dma_wait3A_65 : memref<10240x128xf32, #tpu.memory_space<vmem_shared>>)
      tpu.yield
    }) : () -> ()
    %barrier3A_55 = arith.constant 0 : index
    tpu.barrier barrier_id(%barrier3A_55)
    %mul3A_56 = arith.constant 640 : i32
    %mul3A_57 = arith.muli %arg1, %mul3A_56 : i32
    %mul3A_58 = arith.constant 640 : i32
    %mul3A_59 = arith.muli %arg1, %mul3A_58 : i32
    "tpu.region"() ({
      %run_scoped3A = tpu.sem_alloc : memref<!tpu.dma_semaphore, #tpu.memory_space<semaphore_mem>>
      %dma_start3A_60 = arith.constant 0 : i32
      %dma_start3A_61 = tpu.memref_slice %arg6[%arg0, %mul3A_59, %dma_start3A_60] : memref<2x10240x128xf32, #tpu.memory_space<hbm>> -> memref<1x640x128xf32, #tpu.memory_space<hbm>>
      %dma_start3A_62 = tpu.memref_squeeze %dma_start3A_61 : memref<1x640x128xf32, #tpu.memory_space<hbm>> -> memref<640x128xf32, #tpu.memory_space<hbm>>
      %dma_start3A_63 = arith.constant 0 : i32
      %dma_start3A_64 = tpu.memref_slice %arg17[%mul3A_57, %dma_start3A_63] : memref<10240x128xf32, #tpu.memory_space<vmem_shared>> -> memref<640x128xf32, #tpu.memory_space<vmem_shared>>
      tpu.enqueue_dma source(%dma_start3A_64 : memref<640x128xf32, #tpu.memory_space<vmem_shared>>) target(%dma_start3A_62 : memref<640x128xf32, #tpu.memory_space<hbm>>) target_semaphore(%run_scoped3A : memref<!tpu.dma_semaphore, #tpu.memory_space<semaphore_mem>>)
      %dma_wait3A_65 = arith.constant 0 : i32
      %dma_wait3A_66 = tpu.memref_slice %arg6[%arg0, %mul3A_59, %dma_wait3A_65] : memref<2x10240x128xf32, #tpu.memory_space<hbm>> -> memref<1x640x128xf32, #tpu.memory_space<hbm>>
      %dma_wait3A_67 = tpu.memref_squeeze %dma_wait3A_66 : memref<1x640x128xf32, #tpu.memory_space<hbm>> -> memref<640x128xf32, #tpu.memory_space<hbm>>
      %dma_wait3A_68 = arith.constant 0 : i32
      %dma_wait3A_69 = tpu.memref_slice %arg17[%mul3A_57, %dma_wait3A_68] : memref<10240x128xf32, #tpu.memory_space<vmem_shared>> -> memref<640x128xf32, #tpu.memory_space<vmem_shared>>
      tpu.wait_dma2 semaphore(%run_scoped3A : memref<!tpu.dma_semaphore, #tpu.memory_space<semaphore_mem>>) src(%dma_wait3A_69 : memref<640x128xf32, #tpu.memory_space<vmem_shared>>) dst(%dma_wait3A_67 : memref<640x128xf32, #tpu.memory_space<hbm>>)
      tpu.yield
    }) : () -> ()
    return
  }
}

module attributes {stable_mosaic.version = 14 : i64} {
  func.func @tc_sage_layer0(%arg0: i32, %arg1: memref<1280x128xf32, #tpu.memory_space<vmem>>, %arg2: memref<2x1280x128xf32, #tpu.memory_space<vmem>>, %arg3: memref<32x1280xf32, #tpu.memory_space<vmem>>, %arg4: memref<128x128xf32, #tpu.memory_space<vmem>>, %arg5: memref<128x128xf32, #tpu.memory_space<vmem>>, %arg6: memref<1x128xf32, #tpu.memory_space<vmem>>, %arg7: memref<1280x128xf32, #tpu.memory_space<vmem>>, %arg8: memref<1280x1xf32, #tpu.memory_space<vmem>>) attributes {dimension_semantics = [#tpu.dimension_semantics<arbitrary>], iteration_bounds = array<i64: 8>, scalar_prefetch = 0 : i64, scratch_operands = 0 : i64, tpu.core_type = #tpu.core_type<tc>, window_params = [{transform_indices = @transform_0, window_bounds = array<i64: 1280, 128>}, {transform_indices = @transform_1, window_bounds = array<i64: 2, 1280, 128>}, {transform_indices = @transform_2, window_bounds = array<i64: 32, 1280>}, {pipeline_mode = #tpu.pipeline_mode<synchronous>, transform_indices = @transform_3, window_bounds = array<i64: 128, 128>}, {pipeline_mode = #tpu.pipeline_mode<synchronous>, transform_indices = @transform_4, window_bounds = array<i64: 128, 128>}, {pipeline_mode = #tpu.pipeline_mode<synchronous>, transform_indices = @transform_5, window_bounds = array<i64: 1, 128>}, {transform_indices = @transform_6, window_bounds = array<i64: 1280, 128>}, {transform_indices = @transform_7, window_bounds = array<i64: 1280, 1>}]} {
    %get3A = arith.constant 0 : index
    %get3A_0 = arith.constant 0 : index
    %get3A_1 = vector.load %arg3[%get3A, %get3A_0] : memref<32x1280xf32, #tpu.memory_space<vmem>>, vector<32x1280xf32>
    %reduce_sum3A = arith.constant dense<0.000000e+00> : vector<1280xf32>
    %reduce_sum3A_2 = vector.multi_reduction <add>, %get3A_1, %reduce_sum3A [0] : vector<32x1280xf32> to vector<1280xf32>
    %max3A = arith.constant 1.000000e+00 : f32
    %max3A_3 = vector.broadcast %max3A : f32 to vector<1280xf32>
    %max3A_4 = arith.maximumf %reduce_sum3A_2, %max3A_3 : vector<1280xf32>
    %div3A = arith.constant 1.000000e+00 : f32
    %div3A_5 = vector.broadcast %div3A : f32 to vector<1280xf32>
    %div3A_6 = arith.divf %div3A_5, %max3A_4 : vector<1280xf32>
    %broadcast_in_dim3A = vector.shape_cast %div3A_6 : vector<1280xf32> to vector<1280x1xf32>
    %swap3A = arith.constant 0 : index
    %swap3A_7 = arith.constant 0 : index
    %swap3A_8 = vector.load %arg8[%swap3A, %swap3A_7] : memref<1280x1xf32, #tpu.memory_space<vmem>>, vector<1280x1xf32>
    tpu.vector_store %arg8[%swap3A, %swap3A_7], %broadcast_in_dim3A {strides = array<i32>} : memref<1280x1xf32, #tpu.memory_space<vmem>>, vector<1280x1xf32>,
    %get3A_9 = arith.constant 0 : index
    %get3A_10 = arith.constant 0 : index
    %get3A_11 = arith.constant 0 : index
    %get3A_12 = vector.load %arg2[%get3A_9, %get3A_10, %get3A_11] : memref<2x1280x128xf32, #tpu.memory_space<vmem>>, vector<1x1280x128xf32>
    %get3A_13 = vector.shape_cast %get3A_12 : vector<1x1280x128xf32> to vector<1280x128xf32>
    %get3A_14 = arith.constant 1 : index
    %get3A_15 = arith.constant 0 : index
    %get3A_16 = arith.constant 0 : index
    %get3A_17 = vector.load %arg2[%get3A_14, %get3A_15, %get3A_16] : memref<2x1280x128xf32, #tpu.memory_space<vmem>>, vector<1x1280x128xf32>
    %get3A_18 = vector.shape_cast %get3A_17 : vector<1x1280x128xf32> to vector<1280x128xf32>
    %add3A = arith.addf %get3A_13, %get3A_18 : vector<1280x128xf32>
    %mul3A = vector.broadcast %broadcast_in_dim3A : vector<1280x1xf32> to vector<1280x128xf32>
    %mul3A_19 = arith.mulf %add3A, %mul3A : vector<1280x128xf32>
    %get3A_20 = arith.constant 0 : index
    %get3A_21 = arith.constant 0 : index
    %get3A_22 = vector.load %arg1[%get3A_20, %get3A_21] : memref<1280x128xf32, #tpu.memory_space<vmem>>, vector<1280x128xf32>
    %get3A_23 = arith.constant 0 : index
    %get3A_24 = arith.constant 0 : index
    %get3A_25 = vector.load %arg4[%get3A_23, %get3A_24] : memref<128x128xf32, #tpu.memory_space<vmem>>, vector<128x128xf32>
    %dot_general3A = arith.constant dense<0.000000e+00> : vector<1280x128xf32>
    %dot_general3A_26 = tpu.matmul %get3A_22, %get3A_25, %dot_general3A {dimension_numbers = #tpu.dot_dimension_numbers<[1], [0], [0], [1], [0, 0, 1, 1], [], []>, transpose_lhs_hint = false} : vector<1280x128xf32>, vector<128x128xf32>, vector<1280x128xf32> -> vector<1280x128xf32>
    %get3A_27 = arith.constant 0 : index
    %get3A_28 = arith.constant 0 : index
    %get3A_29 = vector.load %arg5[%get3A_27, %get3A_28] : memref<128x128xf32, #tpu.memory_space<vmem>>, vector<128x128xf32>
    %dot_general3A_30 = arith.constant dense<0.000000e+00> : vector<1280x128xf32>
    %dot_general3A_31 = tpu.matmul %mul3A_19, %get3A_29, %dot_general3A_30 {dimension_numbers = #tpu.dot_dimension_numbers<[1], [0], [0], [1], [0, 0, 1, 1], [], []>, transpose_lhs_hint = false} : vector<1280x128xf32>, vector<128x128xf32>, vector<1280x128xf32> -> vector<1280x128xf32>
    %add3A_32 = arith.addf %dot_general3A_26, %dot_general3A_31 : vector<1280x128xf32>
    %get3A_33 = arith.constant 0 : index
    %get3A_34 = arith.constant 0 : index
    %get3A_35 = vector.load %arg6[%get3A_33, %get3A_34] : memref<1x128xf32, #tpu.memory_space<vmem>>, vector<1x128xf32>
    %add3A_36 = vector.broadcast %get3A_35 : vector<1x128xf32> to vector<1280x128xf32>
    %add3A_37 = arith.addf %add3A_32, %add3A_36 : vector<1280x128xf32>
    %max3A_38 = arith.constant 0.000000e+00 : f32
    %max3A_39 = vector.broadcast %max3A_38 : f32 to vector<1280x128xf32>
    %max3A_40 = arith.maximumf %add3A_37, %max3A_39 : vector<1280x128xf32>
    %swap3A_41 = arith.constant 0 : index
    %swap3A_42 = arith.constant 0 : index
    %swap3A_43 = vector.load %arg7[%swap3A_41, %swap3A_42] : memref<1280x128xf32, #tpu.memory_space<vmem>>, vector<1280x128xf32>
    tpu.vector_store %arg7[%swap3A_41, %swap3A_42], %max3A_40 {strides = array<i32>} : memref<1280x128xf32, #tpu.memory_space<vmem>>, vector<1280x128xf32>,
    return
  }
  func.func @transform_0(%arg0: i32) -> (i32, i32) {
    %c0_i32 = arith.constant 0 : i32
    %c0_i32_0 = arith.constant 0 : i32
    return %arg0, %c0_i32 : i32, i32
  }
  func.func @transform_1(%arg0: i32) -> (i32, i32, i32) {
    %c0_i32 = arith.constant 0 : i32
    %c0_i32_0 = arith.constant 0 : i32
    %c0_i32_1 = arith.constant 0 : i32
    return %c0_i32, %arg0, %c0_i32_0 : i32, i32, i32
  }
  func.func @transform_2(%arg0: i32) -> (i32, i32) {
    %c0_i32 = arith.constant 0 : i32
    %c0_i32_0 = arith.constant 0 : i32
    return %c0_i32, %arg0 : i32, i32
  }
  func.func @transform_3(%arg0: i32) -> (i32, i32) {
    %c0_i32 = arith.constant 0 : i32
    %c0_i32_0 = arith.constant 0 : i32
    %c0_i32_1 = arith.constant 0 : i32
    return %c0_i32, %c0_i32_0 : i32, i32
  }
  func.func @transform_4(%arg0: i32) -> (i32, i32) {
    %c0_i32 = arith.constant 0 : i32
    %c0_i32_0 = arith.constant 0 : i32
    %c0_i32_1 = arith.constant 0 : i32
    return %c0_i32, %c0_i32_0 : i32, i32
  }
  func.func @transform_5(%arg0: i32) -> (i32, i32) {
    %c0_i32 = arith.constant 0 : i32
    %c0_i32_0 = arith.constant 0 : i32
    %c0_i32_1 = arith.constant 0 : i32
    return %c0_i32, %c0_i32_0 : i32, i32
  }
  func.func @transform_6(%arg0: i32) -> (i32, i32) {
    %c0_i32 = arith.constant 0 : i32
    %c0_i32_0 = arith.constant 0 : i32
    return %arg0, %c0_i32 : i32, i32
  }
  func.func @transform_7(%arg0: i32) -> (i32, i32) {
    %c0_i32 = arith.constant 0 : i32
    %c0_i32_0 = arith.constant 0 : i32
    return %arg0, %c0_i32 : i32, i32
  }
}

module attributes {stable_mosaic.version = 14 : i64} {
  func.func @tc_sage_layer_relu(%arg0: i32, %arg1: memref<1280x128xf32, #tpu.memory_space<vmem>>, %arg2: memref<2x1280x128xf32, #tpu.memory_space<vmem>>, %arg3: memref<1280x1xf32, #tpu.memory_space<vmem>>, %arg4: memref<128x128xf32, #tpu.memory_space<vmem>>, %arg5: memref<128x128xf32, #tpu.memory_space<vmem>>, %arg6: memref<1x128xf32, #tpu.memory_space<vmem>>, %arg7: memref<1280x128xf32, #tpu.memory_space<vmem>>) attributes {dimension_semantics = [#tpu.dimension_semantics<arbitrary>], iteration_bounds = array<i64: 8>, scalar_prefetch = 0 : i64, scratch_operands = 0 : i64, tpu.core_type = #tpu.core_type<tc>, window_params = [{transform_indices = @transform_0, window_bounds = array<i64: 1280, 128>}, {transform_indices = @transform_1, window_bounds = array<i64: 2, 1280, 128>}, {transform_indices = @transform_2, window_bounds = array<i64: 1280, 1>}, {pipeline_mode = #tpu.pipeline_mode<synchronous>, transform_indices = @transform_3, window_bounds = array<i64: 128, 128>}, {pipeline_mode = #tpu.pipeline_mode<synchronous>, transform_indices = @transform_4, window_bounds = array<i64: 128, 128>}, {pipeline_mode = #tpu.pipeline_mode<synchronous>, transform_indices = @transform_5, window_bounds = array<i64: 1, 128>}, {transform_indices = @transform_6, window_bounds = array<i64: 1280, 128>}]} {
    %get3A = arith.constant 0 : index
    %get3A_0 = arith.constant 0 : index
    %get3A_1 = arith.constant 0 : index
    %get3A_2 = vector.load %arg2[%get3A, %get3A_0, %get3A_1] : memref<2x1280x128xf32, #tpu.memory_space<vmem>>, vector<1x1280x128xf32>
    %get3A_3 = vector.shape_cast %get3A_2 : vector<1x1280x128xf32> to vector<1280x128xf32>
    %get3A_4 = arith.constant 1 : index
    %get3A_5 = arith.constant 0 : index
    %get3A_6 = arith.constant 0 : index
    %get3A_7 = vector.load %arg2[%get3A_4, %get3A_5, %get3A_6] : memref<2x1280x128xf32, #tpu.memory_space<vmem>>, vector<1x1280x128xf32>
    %get3A_8 = vector.shape_cast %get3A_7 : vector<1x1280x128xf32> to vector<1280x128xf32>
    %add3A = arith.addf %get3A_3, %get3A_8 : vector<1280x128xf32>
    %get3A_9 = arith.constant 0 : index
    %get3A_10 = arith.constant 0 : index
    %get3A_11 = vector.load %arg3[%get3A_9, %get3A_10] : memref<1280x1xf32, #tpu.memory_space<vmem>>, vector<1280x1xf32>
    %mul3A = vector.broadcast %get3A_11 : vector<1280x1xf32> to vector<1280x128xf32>
    %mul3A_12 = arith.mulf %add3A, %mul3A : vector<1280x128xf32>
    %get3A_13 = arith.constant 0 : index
    %get3A_14 = arith.constant 0 : index
    %get3A_15 = vector.load %arg1[%get3A_13, %get3A_14] : memref<1280x128xf32, #tpu.memory_space<vmem>>, vector<1280x128xf32>
    %get3A_16 = arith.constant 0 : index
    %get3A_17 = arith.constant 0 : index
    %get3A_18 = vector.load %arg4[%get3A_16, %get3A_17] : memref<128x128xf32, #tpu.memory_space<vmem>>, vector<128x128xf32>
    %dot_general3A = arith.constant dense<0.000000e+00> : vector<1280x128xf32>
    %dot_general3A_19 = tpu.matmul %get3A_15, %get3A_18, %dot_general3A {dimension_numbers = #tpu.dot_dimension_numbers<[1], [0], [0], [1], [0, 0, 1, 1], [], []>, transpose_lhs_hint = false} : vector<1280x128xf32>, vector<128x128xf32>, vector<1280x128xf32> -> vector<1280x128xf32>
    %get3A_20 = arith.constant 0 : index
    %get3A_21 = arith.constant 0 : index
    %get3A_22 = vector.load %arg5[%get3A_20, %get3A_21] : memref<128x128xf32, #tpu.memory_space<vmem>>, vector<128x128xf32>
    %dot_general3A_23 = arith.constant dense<0.000000e+00> : vector<1280x128xf32>
    %dot_general3A_24 = tpu.matmul %mul3A_12, %get3A_22, %dot_general3A_23 {dimension_numbers = #tpu.dot_dimension_numbers<[1], [0], [0], [1], [0, 0, 1, 1], [], []>, transpose_lhs_hint = false} : vector<1280x128xf32>, vector<128x128xf32>, vector<1280x128xf32> -> vector<1280x128xf32>
    %add3A_25 = arith.addf %dot_general3A_19, %dot_general3A_24 : vector<1280x128xf32>
    %get3A_26 = arith.constant 0 : index
    %get3A_27 = arith.constant 0 : index
    %get3A_28 = vector.load %arg6[%get3A_26, %get3A_27] : memref<1x128xf32, #tpu.memory_space<vmem>>, vector<1x128xf32>
    %add3A_29 = vector.broadcast %get3A_28 : vector<1x128xf32> to vector<1280x128xf32>
    %add3A_30 = arith.addf %add3A_25, %add3A_29 : vector<1280x128xf32>
    %max3A = arith.constant 0.000000e+00 : f32
    %max3A_31 = vector.broadcast %max3A : f32 to vector<1280x128xf32>
    %max3A_32 = arith.maximumf %add3A_30, %max3A_31 : vector<1280x128xf32>
    %swap3A = arith.constant 0 : index
    %swap3A_33 = arith.constant 0 : index
    %swap3A_34 = vector.load %arg7[%swap3A, %swap3A_33] : memref<1280x128xf32, #tpu.memory_space<vmem>>, vector<1280x128xf32>
    tpu.vector_store %arg7[%swap3A, %swap3A_33], %max3A_32 {strides = array<i32>} : memref<1280x128xf32, #tpu.memory_space<vmem>>, vector<1280x128xf32>,
    return
  }
  func.func @transform_0(%arg0: i32) -> (i32, i32) {
    %c0_i32 = arith.constant 0 : i32
    %c0_i32_0 = arith.constant 0 : i32
    return %arg0, %c0_i32 : i32, i32
  }
  func.func @transform_1(%arg0: i32) -> (i32, i32, i32) {
    %c0_i32 = arith.constant 0 : i32
    %c0_i32_0 = arith.constant 0 : i32
    %c0_i32_1 = arith.constant 0 : i32
    return %c0_i32, %arg0, %c0_i32_0 : i32, i32, i32
  }
  func.func @transform_2(%arg0: i32) -> (i32, i32) {
    %c0_i32 = arith.constant 0 : i32
    %c0_i32_0 = arith.constant 0 : i32
    return %arg0, %c0_i32 : i32, i32
  }
  func.func @transform_3(%arg0: i32) -> (i32, i32) {
    %c0_i32 = arith.constant 0 : i32
    %c0_i32_0 = arith.constant 0 : i32
    %c0_i32_1 = arith.constant 0 : i32
    return %c0_i32, %c0_i32_0 : i32, i32
  }
  func.func @transform_4(%arg0: i32) -> (i32, i32) {
    %c0_i32 = arith.constant 0 : i32
    %c0_i32_0 = arith.constant 0 : i32
    %c0_i32_1 = arith.constant 0 : i32
    return %c0_i32, %c0_i32_0 : i32, i32
  }
  func.func @transform_5(%arg0: i32) -> (i32, i32) {
    %c0_i32 = arith.constant 0 : i32
    %c0_i32_0 = arith.constant 0 : i32
    %c0_i32_1 = arith.constant 0 : i32
    return %c0_i32, %c0_i32_0 : i32, i32
  }
  func.func @transform_6(%arg0: i32) -> (i32, i32) {
    %c0_i32 = arith.constant 0 : i32
    %c0_i32_0 = arith.constant 0 : i32
    return %arg0, %c0_i32 : i32, i32
  }
}

module attributes {stable_mosaic.version = 14 : i64} {
  func.func @tc_sage_layer_logsoftmax(%arg0: i32, %arg1: memref<1280x128xf32, #tpu.memory_space<vmem>>, %arg2: memref<2x1280x128xf32, #tpu.memory_space<vmem>>, %arg3: memref<1280x1xf32, #tpu.memory_space<vmem>>, %arg4: memref<128x64xf32, #tpu.memory_space<vmem>>, %arg5: memref<128x64xf32, #tpu.memory_space<vmem>>, %arg6: memref<1x64xf32, #tpu.memory_space<vmem>>, %arg7: memref<1280x64xf32, #tpu.memory_space<vmem>>) attributes {dimension_semantics = [#tpu.dimension_semantics<arbitrary>], iteration_bounds = array<i64: 8>, scalar_prefetch = 0 : i64, scratch_operands = 0 : i64, tpu.core_type = #tpu.core_type<tc>, window_params = [{transform_indices = @transform_0, window_bounds = array<i64: 1280, 128>}, {transform_indices = @transform_1, window_bounds = array<i64: 2, 1280, 128>}, {transform_indices = @transform_2, window_bounds = array<i64: 1280, 1>}, {pipeline_mode = #tpu.pipeline_mode<synchronous>, transform_indices = @transform_3, window_bounds = array<i64: 128, 64>}, {pipeline_mode = #tpu.pipeline_mode<synchronous>, transform_indices = @transform_4, window_bounds = array<i64: 128, 64>}, {pipeline_mode = #tpu.pipeline_mode<synchronous>, transform_indices = @transform_5, window_bounds = array<i64: 1, 64>}, {transform_indices = @transform_6, window_bounds = array<i64: 1280, 64>}]} {
    %get3A = arith.constant 0 : index
    %get3A_0 = arith.constant 0 : index
    %get3A_1 = arith.constant 0 : index
    %get3A_2 = vector.load %arg2[%get3A, %get3A_0, %get3A_1] : memref<2x1280x128xf32, #tpu.memory_space<vmem>>, vector<1x1280x128xf32>
    %get3A_3 = vector.shape_cast %get3A_2 : vector<1x1280x128xf32> to vector<1280x128xf32>
    %get3A_4 = arith.constant 1 : index
    %get3A_5 = arith.constant 0 : index
    %get3A_6 = arith.constant 0 : index
    %get3A_7 = vector.load %arg2[%get3A_4, %get3A_5, %get3A_6] : memref<2x1280x128xf32, #tpu.memory_space<vmem>>, vector<1x1280x128xf32>
    %get3A_8 = vector.shape_cast %get3A_7 : vector<1x1280x128xf32> to vector<1280x128xf32>
    %add3A = arith.addf %get3A_3, %get3A_8 : vector<1280x128xf32>
    %get3A_9 = arith.constant 0 : index
    %get3A_10 = arith.constant 0 : index
    %get3A_11 = vector.load %arg3[%get3A_9, %get3A_10] : memref<1280x1xf32, #tpu.memory_space<vmem>>, vector<1280x1xf32>
    %mul3A = vector.broadcast %get3A_11 : vector<1280x1xf32> to vector<1280x128xf32>
    %mul3A_12 = arith.mulf %add3A, %mul3A : vector<1280x128xf32>
    %get3A_13 = arith.constant 0 : index
    %get3A_14 = arith.constant 0 : index
    %get3A_15 = vector.load %arg1[%get3A_13, %get3A_14] : memref<1280x128xf32, #tpu.memory_space<vmem>>, vector<1280x128xf32>
    %get3A_16 = arith.constant 0 : index
    %get3A_17 = arith.constant 0 : index
    %get3A_18 = vector.load %arg4[%get3A_16, %get3A_17] : memref<128x64xf32, #tpu.memory_space<vmem>>, vector<128x64xf32>
    %dot_general3A = arith.constant dense<0.000000e+00> : vector<1280x64xf32>
    %dot_general3A_19 = tpu.matmul %get3A_15, %get3A_18, %dot_general3A {dimension_numbers = #tpu.dot_dimension_numbers<[1], [0], [0], [1], [0, 0, 1, 1], [], []>, transpose_lhs_hint = false} : vector<1280x128xf32>, vector<128x64xf32>, vector<1280x64xf32> -> vector<1280x64xf32>
    %get3A_20 = arith.constant 0 : index
    %get3A_21 = arith.constant 0 : index
    %get3A_22 = vector.load %arg5[%get3A_20, %get3A_21] : memref<128x64xf32, #tpu.memory_space<vmem>>, vector<128x64xf32>
    %dot_general3A_23 = arith.constant dense<0.000000e+00> : vector<1280x64xf32>
    %dot_general3A_24 = tpu.matmul %mul3A_12, %get3A_22, %dot_general3A_23 {dimension_numbers = #tpu.dot_dimension_numbers<[1], [0], [0], [1], [0, 0, 1, 1], [], []>, transpose_lhs_hint = false} : vector<1280x128xf32>, vector<128x64xf32>, vector<1280x64xf32> -> vector<1280x64xf32>
    %add3A_25 = arith.addf %dot_general3A_19, %dot_general3A_24 : vector<1280x64xf32>
    %get3A_26 = arith.constant 0 : index
    %get3A_27 = arith.constant 0 : index
    %get3A_28 = vector.load %arg6[%get3A_26, %get3A_27] : memref<1x64xf32, #tpu.memory_space<vmem>>, vector<1x64xf32>
    %add3A_29 = vector.broadcast %get3A_28 : vector<1x64xf32> to vector<1280x64xf32>
    %add3A_30 = arith.addf %add3A_25, %add3A_29 : vector<1280x64xf32>
    %reduce_max3A = arith.constant dense<0xFF800000> : vector<1280xf32>
    %reduce_max3A_31 = vector.multi_reduction <maximumf>, %add3A_30, %reduce_max3A [1] : vector<1280x64xf32> to vector<1280xf32>
    %broadcast_in_dim3A = vector.shape_cast %reduce_max3A_31 : vector<1280xf32> to vector<1280x1xf32>
    %sub3A = vector.broadcast %broadcast_in_dim3A : vector<1280x1xf32> to vector<1280x64xf32>
    %sub3A_32 = arith.subf %add3A_30, %sub3A : vector<1280x64xf32>
    %exp3A = math.exp %sub3A_32 : vector<1280x64xf32>
    %reduce_sum3A = arith.constant dense<0.000000e+00> : vector<1280xf32>
    %reduce_sum3A_33 = vector.multi_reduction <add>, %exp3A, %reduce_sum3A [1] : vector<1280x64xf32> to vector<1280xf32>
    %broadcast_in_dim3A_34 = vector.shape_cast %reduce_sum3A_33 : vector<1280xf32> to vector<1280x1xf32>
    %log3A = math.log %broadcast_in_dim3A_34 : vector<1280x1xf32>
    %sub3A_35 = vector.broadcast %log3A : vector<1280x1xf32> to vector<1280x64xf32>
    %sub3A_36 = arith.subf %sub3A_32, %sub3A_35 : vector<1280x64xf32>
    %swap3A = arith.constant 0 : index
    %swap3A_37 = arith.constant 0 : index
    %swap3A_38 = vector.load %arg7[%swap3A, %swap3A_37] : memref<1280x64xf32, #tpu.memory_space<vmem>>, vector<1280x64xf32>
    tpu.vector_store %arg7[%swap3A, %swap3A_37], %sub3A_36 {strides = array<i32>} : memref<1280x64xf32, #tpu.memory_space<vmem>>, vector<1280x64xf32>,
    return
  }
  func.func @transform_0(%arg0: i32) -> (i32, i32) {
    %c0_i32 = arith.constant 0 : i32
    %c0_i32_0 = arith.constant 0 : i32
    return %arg0, %c0_i32 : i32, i32
  }
  func.func @transform_1(%arg0: i32) -> (i32, i32, i32) {
    %c0_i32 = arith.constant 0 : i32
    %c0_i32_0 = arith.constant 0 : i32
    %c0_i32_1 = arith.constant 0 : i32
    return %c0_i32, %arg0, %c0_i32_0 : i32, i32, i32
  }
  func.func @transform_2(%arg0: i32) -> (i32, i32) {
    %c0_i32 = arith.constant 0 : i32
    %c0_i32_0 = arith.constant 0 : i32
    return %arg0, %c0_i32 : i32, i32
  }
  func.func @transform_3(%arg0: i32) -> (i32, i32) {
    %c0_i32 = arith.constant 0 : i32
    %c0_i32_0 = arith.constant 0 : i32
    %c0_i32_1 = arith.constant 0 : i32
    return %c0_i32, %c0_i32_0 : i32, i32
  }
  func.func @transform_4(%arg0: i32) -> (i32, i32) {
    %c0_i32 = arith.constant 0 : i32
    %c0_i32_0 = arith.constant 0 : i32
    %c0_i32_1 = arith.constant 0 : i32
    return %c0_i32, %c0_i32_0 : i32, i32
  }
  func.func @transform_5(%arg0: i32) -> (i32, i32) {
    %c0_i32 = arith.constant 0 : i32
    %c0_i32_0 = arith.constant 0 : i32
    %c0_i32_1 = arith.constant 0 : i32
    return %c0_i32, %c0_i32_0 : i32, i32
  }
  func.func @transform_6(%arg0: i32) -> (i32, i32) {
    %c0_i32 = arith.constant 0 : i32
    %c0_i32_0 = arith.constant 0 : i32
    return %arg0, %c0_i32 : i32, i32
  }
}

</mosaic_0001>

<sc_bundles>
// kernel: sc_sage_agg.11.cloned.1.call-start
scs
__scs_entry_jumppad:
0x0: {  	(pc) =	sbr.rel $0x88, $3  }
0x1: {  	(tag) =	ssettag $0x0;
	lr =	simm.s32 $0x1  }
0x2: {  	[smem:$0x3F96] =	sst lr;
	_ =	strace $0xD0000000  }
0x3: {  	_ = 	snop  }
0x4: {  	_ = 	snop  }
0x5: {  	_ = 	snop  }
0x6: {  	_ = 	snop  }
0x7: {  	_ = 	snop  }
__scs_overlays_trampoline_lowered:
0x8: {  	[smem:$0x3FA5] =	sst s0  }
0x9: {  	[smem:$0x3FA6] =	sst s1  }
0xa: {  	[smem:$0x3FA7] =	sst s2  }
0xb: {  	[smem:$0x3FA8] =	sst s3  }
0xc: {  	[smem:$0x3FA9] =	sst s4  }
0xd: {  	[smem:$0x3FAA] =	sst s5  }
0xe: {  	[smem:$0x3FAB] =	sst s6  }
0xf: {  	[smem:$0x3FAC] =	sst s7  }
0x10: {  	[smem:$0x3FAD] =	sst s8  }
0x11: {  	[smem:$0x3FAE] =	sst s9;
	s0 =	simm.s32 @!p0 $0x0  }
0x12: {  	s1 =	sld [smem:$0x3F94];
	s0 =	simm.s32 @p0 $0x1  }
0x13: {  	[smem:$0x3FAF] =	sst s0;
	s0 =	simm.s32 @!p1 $0x0  }
0x14: {  	s2 =	sld [smem:$0x3F93];
	s0 =	simm.s32 @p1 $0x1  }
0x15: {  	[smem:$0x3FB0] =	sst s0;
	s0 =	simm.s32 @!p2 $0x0  }
0x16: {  	s3 =	sld [smem:$0x3FDB];
	s0 =	simm.s32 @p2 $0x1  }
0x17: {  	s4 =	simm.s32 $0x1BF5;
	[smem:$0x3FB2] =	sst s0  }
0x18: {  	s0 =	sld [smem:$0x3F95];
	_ =	swait.ge [sflag:s4], $0x0  }
0x19: {  	s7 =	sld [smem:$0x3F96]  }
0x1a: {  	s8 =	sadd.s32 $0xFFFFE003, lr  }
0x1b: {  	s9 =	sadd.s32 $0xFFFFFEF7, lr;
	s5 =	simm.s32 $0xFFFFFFFF;
	p2 =	slt.u32 s8, $0xFFFFF086  }
0x1c: {  	p1 =	slt.u32 s9, $0xF7A;
	s5 =	simm.s32 @!p2 $0x0  }
0x1d: {  	s5 =	simm.s32 @p1 $0x1;
	p0 =	seq.s32 s7, s2  }
0x1e: {  	s7 =	smul.u32 @!p0 $0xF7A, s2;
	p2 =	seq.s32 @!p0 s5, $0x0  }
0x1f: {  	s9 =	smul.u32 $0xF7A, s1;
	s8 =	simm.s32 @!p0 $0x1BF5;
	p2 =	por !p2, p0  }
0x20: {  	[sflag:s8] =	ssyncset.s32 @!p0 $0xFFFFF086;
	s6 =	sadd.s32 @!p0 s3, s7;
	s7 =	simm.s32 @!p0 $0x108  }
0x21: {  	s3 =	sadd.s32 s3, s9;
	s6 =	sadd.s32 @!p0 $0x88, s6;
	s7 =	simm.s32 @p2 $0x1082  }
0x22: {  	[simem:s7], [sflag:s8] =	dma.local @!p0 [hbm:s6], $0xF7A  }
0x23: {  	s9 =	sor.u32 $0xD0000000, s2;
	s6 =	simm.s32 $0x108;
	_ =	swait.ge @!p0 [sflag:s8], $0x0  }
0x24: {  	s3 =	sadd.s32 $0x88, s3;
	s6 =	simm.s32 @!p1 $0x1082;
	[sflag:s4] =	ssyncset.s32 $0xFFFFF086  }
0x25: {  	[simem:s6], [sflag:s4] =	dma.local [hbm:s3], $0xF7A  }
0x26: {  	[smem:$0x3F96] =	sst s1;
	(tag) =	ssettag s2;
	_ =	strace s9  }
0x27: {  	s1 =	sld [smem:$0x3FA6]  }
0x28: {  	s2 =	sld [smem:$0x3FA7]  }
0x29: {  	s4 =	sld [smem:$0x3FA9]  }
0x2a: {  	p0 =	seq.s32 s5, $0x0;
	s5 =	sld [smem:$0x3FAA]  }
0x2b: {  	s6 =	sld [smem:$0x3FAB]  }
0x2c: {  	s7 =	sld [smem:$0x3FAC]  }
0x2d: {  	s3 =	simm.s32 $0x108;
	s8 =	sld [smem:$0x3FAD]  }
0x2e: {  	s3 =	simm.s32 @!p0 $0x1082;
	s9 =	sld [smem:$0x3FAE]  }
0x2f: {  	lr =	sadd.s32 s0, s3;
	s0 =	sld [smem:$0x3FA5]  }
0x30: {  	s3 =	sld [smem:$0x3FA8]  }
0x31: {  	[smem:$0x3FB1] =	sst s10  }
0x32: {  	s10 =	sld [smem:$0x3FAF];
	_ =	sdelay $0x3  }
0x33: {  	p0 =	seq.s32 s10, $0x1;
	s10 =	sld [smem:$0x3FB1];
	_ =	sdelay $0x3  }
0x34: {  	[smem:$0x3FB1] =	sst s10  }
0x35: {  	s10 =	sld [smem:$0x3FB0];
	_ =	sdelay $0x3  }
0x36: {  	p1 =	seq.s32 s10, $0x1;
	s10 =	sld [smem:$0x3FB1];
	_ =	sdelay $0x3  }
0x37: {  	[smem:$0x3FB1] =	sst s10  }
0x38: {  	s10 =	sld [smem:$0x3FB2]  }
0x39: {  	_ = 	snop;
	(pc) =	sbr.ind lr, $3  }
0x3a: {  	_ = 	snop  }
0x3b: {  	_ = 	snop  }
0x3c: {  	p2 =	seq.s32 s10, $0x1;
	s10 =	sld [smem:$0x3FB1]  }
0x3d: {  	_ =	shalt  }
0x3e: {  	_ =	shalt  }
0x3f: {  	_ =	shalt  }
0x40: {  	_ =	shalt  }
0x41: {  	_ =	shalt  }
0x42: {  	_ =	shalt  }
0x43: {  	_ =	shalt  }
0x44: {  	_ =	shalt  }
0x45: {  	_ =	shalt  }
0x46: {  	_ =	shalt  }
0x47: {  	_ =	shalt  }
0x48: {  	_ =	shalt  }
0x49: {  	_ =	shalt  }
0x4a: {  	_ =	shalt  }
0x4b: {  	_ =	shalt  }
0x4c: {  	_ =	shalt  }
0x4d: {  	_ =	shalt  }
0x4e: {  	_ =	shalt  }
0x4f: {  	_ =	shalt  }
0x50: {  	_ =	shalt  }
0x51: {  	_ =	shalt  }
0x52: {  	_ =	shalt  }
0x53: {  	_ =	shalt  }
0x54: {  	_ =	shalt  }
0x55: {  	_ =	shalt  }
0x56: {  	_ =	shalt  }
0x57: {  	_ =	shalt  }
0x58: {  	_ =	shalt  }
0x59: {  	_ =	shalt  }
0x5a: {  	_ =	shalt  }
0x5b: {  	_ =	shalt  }
0x5c: {  	_ =	shalt  }
0x5d: {  	_ =	shalt  }
0x5e: {  	_ =	shalt  }
0x5f: {  	_ =	shalt  }
0x60: {  	_ =	shalt  }
0x61: {  	_ =	shalt  }
0x62: {  	_ =	shalt  }
0x63: {  	_ =	shalt  }
0x64: {  	_ =	shalt  }
0x65: {  	_ =	shalt  }
0x66: {  	_ =	shalt  }
0x67: {  	_ =	shalt  }
0x68: {  	_ =	shalt  }
0x69: {  	_ =	shalt  }
0x6a: {  	_ =	shalt  }
0x6b: {  	_ =	shalt  }
0x6c: {  	_ =	shalt  }
0x6d: {  	_ =	shalt  }
0x6e: {  	_ =	shalt  }
0x6f: {  	_ =	shalt  }
0x70: {  	_ =	shalt  }
0x71: {  	_ =	shalt  }
0x72: {  	_ =	shalt  }
0x73: {  	_ =	shalt  }
0x74: {  	_ =	shalt  }
0x75: {  	_ =	shalt  }
0x76: {  	_ =	shalt  }
0x77: {  	_ =	shalt  }
0x78: {  	_ =	shalt  }
0x79: {  	_ =	shalt  }
0x7a: {  	_ =	shalt  }
0x7b: {  	_ =	shalt  }
0x7c: {  	_ =	shalt  }
0x7d: {  	_ =	shalt  }
0x7e: {  	_ =	shalt  }
0x7f: {  	_ =	shalt  }
0x80: {  	_ =	shalt  }
0x81: {  	_ =	shalt  }
0x82: {  	_ =	shalt  }
0x83: {  	_ =	shalt  }
0x84: {  	_ =	shalt  }
0x85: {  	_ =	shalt  }
0x86: {  	_ =	shalt  }
0x87: {  	_ =	shalt  }
.Lfunc_end0:
.L_simem_size_0:
called_computation.3_lowered:
.L_overlay_start_0:
0x88: {  	s2 =	sld [smem:$0x3FD9]  }
0x89: {  	s3 =	sld [smem:$0x3FFE];
	_ =	sdelay $0x1  }
0x8a: {  	s1 =	srdreg.scid  }
0x8b: {  	s0 =	sand.u32 $0x1, s1  }
0x8c: {  	s16 =	sshll.u32 s0, $0xA;
	s2 =	sadd.s32 s3, s2  }
0x8d: {  	s2 =	sadd.s32 s2, s16  }
0x8e: {  	[smem:$0x3FBD] =	sst s2  }
0x8f: {  	_ = 	snop  }
0x90: {  	(tm) =	ssettm $0x1  }
0x91: {  	s17 =	sld [smem:$0x3FFB];
	_ =	sdelay $0x3  }
0x92: {  	_ =	strace s17  }
0x93: {  	s2 =	sld [smem:$0x3FFC];
	_ =	sdelay $0x3  }
0x94: {  	_ =	strace s2  }
0x95: {  	s2 =	sld [smem:$0x3FFD];
	_ =	sdelay $0x3  }
0x96: {  	_ =	strace s2  }
0x97: {  	_ =	strace $0x8FFFFFFF  }
0x98: {  	s18 =	sld [smem:$0x3FDB];
	_ =	sdelay $0x1  }
0x99: {  	s19 =	simm.s32 $_scs_section_size  }
0x9a: {  	s4 =	simm.s32 $_size__tile_overlayer_lowered;
	s5 =	simm.s32 $_tile_overlayer_lowered  }
0x9b: {  	s22 =	simm.s32 $0x1BFF;
	s21 =	sshll.u32 s5, $0x1;
	s2 =	sadd.s32 s19, s18  }
0x9c: {  	s6 =	simm.s32 $0x0;
	s20 =	sshll.u32 s4, $0x1;
	s4 =	sadd.s32 s21, s2  }
0x9d: {  	[timem:s6], [sflag:s22] =	dma.local [hbm:s4], s20  }
0x9e: {  	_ =	swait.ge [sflag:s22], s20  }
0x9f: {  	s3 =	ssub.s32 $0x0, s20;
	[sflag:s22] =	ssyncset.done $0x0  }
0xa0: {  	[sflag:s22] =	ssyncadd.s32 s3;
	_ =	sdelay $0x1  }
0xa1: {  	s23 =	simm.s32 $0x1B8B  }
0xa2: {  	_ =	swait.ge [sflag:s23], $0x1  }
0xa3: {  	[sflag:s23] =	ssyncset.done $0x0  }
0xa4: {  	s25 =	simm.s32 $0x1B8E;
	s24 =	sld [smem:$0x3FFE];
	[sflag:s23] =	ssyncadd.s32 $0xFFFFFFFF  }
0xa5: {  	s26 =	simm.s32 $execute0_lowered;
	[smem:$0x3FD2] =	sst s25  }
0xa6: {  	s4 =	sshll.u32 s26, $0x1;
	_ =	strace $0x8000004F;
	[dreg:$0x1] =	wrdreg $0xFFFFFFFF  }
0xa7: {  	s28 =	simm.s32 $_size_execute0_lowered;
	s2 =	sadd.s32 s2, s4;
	[dreg:$0x0] =	wrdreg $0x0  }
0xa8: {  	s4 =	sshll.u32 s28, $0x1;
	[dreg:$0x2] =	wrdreg s2  }
0xa9: {  	[dreg:$0x3] =	wrdreg s4  }
0xaa: {  	[dreg:$0x4] =	wrdreg $0xC0  }
0xab: {  	_ =	task [dreg:s6], $0x5FFFF  }
0xac: {  	[dreg:$0x1] =	wrdreg $0xFFFFFFFF  }
0xad: {  	[dreg:$0x0] =	wrdreg $0x60  }
0xae: {  	[dreg:$0x2] =	wrdreg s24  }
0xaf: {  	[dreg:$0x3] =	wrdreg $0x8B000  }
0xb0: {  	[dreg:$0x4] =	wrdreg $0x9  }
0xb1: {  	_ =	task.clear_ibuf [dreg:s6], $0x5FFFF;
	_ =	strace $0x9000004F  }
0xb2: {  	s29 =	simm.s32 $0x9;
	_ =	strace $0x80000051  }
0xb3: {  	_ =	swait.ge [sflag:s29], $0x1  }
0xb4: {  	[sflag:s29] =	ssyncadd.s32 $0xFFFFFFFF  }
0xb5: {  	_ =	strace $0x90000051  }
0xb6: {  	_ =	sfence  }
0xb7: {  	s30 =	sld [smem:$0x0];
	_ =	sdelay $0x2  }
0xb8: {  	s31 =	sshll.u32 s1, $0xD;
	s1 =	sshrl.u32 s1, $0x2  }
0xb9: {  	s3 =	sand.u32 $0x4000, s31;
	s1 =	sadd.s32 s1, s30  }
0xba: {  	s0 =	sor.u32 s3, s0;
	s1 =	sshll.u32 s1, $0x11  }
0xbb: {  	s0 =	sor.u32 s1, s0  }
0xbc: {  	s0 =	sadd.s32 $0x8F2B, s0  }
0xbd: {  	[sflag:s0] =	ssyncadd.remote.s32 $0x1  }
0xbe: {  	_ =	sfence.sel $0xFFFF  }
0xbf: {  	[dreg:$0x0] =	wrdreg $0xFFFFFFFF;
	(pc) =	sbr.abs _section_cstart, $3  }
0xc0: {  	[dreg:$0x1] =	wrdreg $0xFFFFFFFF  }
0xc1: {  	_ =	task.clear_ibuf [dreg:s6], $0x2FFFF;
	_ =	strace $0x9FFFFFFF  }
0xc2: {  	(tm) =	ssettm $0x7FFFFFFF  }
0xc3: {  	_ =	shalt  }
tec
execute0_lowered:
.L_overlay_start_1:
0x0: {  	(tag) =	ssettag $0x1  }
0x1: {  	s0 =	rddreg [dreg:$0x0]  }
0x2: {  	s1 =	rddreg [dreg:$0x1]  }
0x3: {  	s2 =	srdreg.scid;
	s3 =	simm.s32 $0x0;
	s11 =	stileid.u32  }
0x4: {  	s28 =	simm.s32 $0x3;
	s29 =	simm.s32 $0x4;
	s30 =	simm.s32 $0x1  }
0x5: {  	s31 =	simm.s32 $0x2;
	s2 =	sand.u32 $0x1, s2;
	s8 =	smul.u32 $0x14000, s11  }
0x6: {  	[smem:$0x7FF] =	sst s3;
	s4 =	sadd.s32 $0x17400, s0;
	s21 =	smul.u32 $0x50000, s11  }
0x7: {  	s5 =	sadd.s32 $0xD600, s0;
	s6 =	sadd.s32 $0x3800, s0;
	s12 =	smul.u32 $0x2710, s11  }
0x8: {  	s9 =	sadd.s32 $0x3F400, s0;
	s23 =	sshll.u32 s11, $0x6;
	s7 =	smul.u32 $0x140000, s2  }
0x9: {  	_ =	strace $0x80000050;
	[dreg:$0x3] =	wrdreg s9;
	s22 =	ssub.s32 $0x2, s2  }
0xa: {  	s20 =	sshll.u32 s2, $0x4;
	s2 =	smul.u32 $0x27100, s2;
	s10 =	sshrl.u32 s22, $0x1  }
0xb: {  	s9 =	sshrl.u32 s21, $0x2;
	s21 =	simm.s32 $0x5;
	s7 =	sadd.s32 s8, s7  }
0xc: {  	s8 =	sor.u32 s11, s20;
	s13 =	sadd.s32 s9, s1;
	s2 =	sadd.s32 s12, s2  }
0xd: {  	s7 =	sshrl.u32 s7, $0x3;
	s8 =	smul.u32 $0x2710, s8;
	s24 =	sadd.s32 $0x180, s2  }
0xe: {  	s19 =	sadd.s32 $0x100, s2;
	s20 =	sshrl.u32 s13, $0x3;
	s13 =	simm.s32 $0x8300  }
0xf: {  	s0 =	sadd.s32 s7, s0;
	s7 =	ssub.s32 s22, s10;
	s25 =	sshrl.u32 s24, $0x3  }
0x10: {  	s22 =	simm.s32 $0x100;
	s24 =	simm.s32 $0x200;
	s14 =	sshrl.u32 s8, $0x3  }
0x11: {  	s8 =	sor.u32 $0x1C05, s23;
	s0 =	sadd.s32 $0x41C00, s0;
	s26 =	smax.u32 s7, $0x1  }
0x12: {  	s17 =	sadd.s32 s25, s6;
	s18 =	sadd.s32 s25, s5;
	s23 =	simm.s32 $0x80  }
0x13: {  	s25 =	simm.s32 $0x180;
	s9 =	sadd.s32 s5, s14;
	s15 =	sadd.s32 $0x10, s14  }
0x14: {  	s10 =	sadd.s32 s6, s14;
	s14 =	sadd.s32 $0x4E0, s14;
	[dreg:$0x6] =	wrdreg s0  }
0x15: {  	[dreg:$0x7] =	wrdreg s26;
	s26 =	simm.s32 $0x4200;
	s16 =	sadd.s32 s5, s14  }
0x16: {  	s11 =	sadd.s32 s5, s15;
	s14 =	sadd.s32 s6, s14;
	[dreg:$0x4] =	wrdreg s16  }
0x17: {  	s12 =	sadd.s32 s6, s15;
	[dreg:$0x5] =	wrdreg s14;
	s14 =	simm.s32 $0x0  }
.LBB2_1:
0x18: {  	s0 =	rddreg [dreg:$0x3]  }
0x19: {  	[spmem:s20], [sflag:s8] =	dma.local [hbm:s0], $0x2800  }
0x1a: {  	_ =	swait.ge [sflag:s21], $0x2800  }
0x1b: {  	[sflag:s21] =	ssyncset.done $0x0  }
0x1c: {  	[sflag:s21] =	ssyncadd.s32 $0xFFFFD800  }
0x1d: {  	[bflag:$0x0] =	sbarrier.arrive $0xFFFF  }
0x1e: {  	[tilespmem:s3], [sflag:$0x5] =	stream.linear.gather [hbm4b:s9+s3], $0x80, $0x38;
	[tilespmem:$0x1CB00] =	vst v63  }
0x1f: {  	_ =	swait.ge [sflag:s21], $0x80  }
0x20: {  	[sflag:s21] =	ssyncset.done $0x0  }
0x21: {  	[sflag:s21] =	ssyncadd.s32 $0xFFFFFF80  }
0x22: {  	[tilespmem:s22], [sflag:$0x5] =	stream.linear.gather [hbm4b:s10+s3], $0x80, $0x38;
	[tilespmem:$0x1CB00] =	vst v63  }
0x23: {  	_ =	swait.ge [sflag:s21], $0x80  }
0x24: {  	[sflag:s21] =	ssyncset.done $0x0  }
0x25: {  	[sflag:s21] =	ssyncadd.s32 $0xFFFFFF80  }
0x26: {  	[tilespmem:s24], [sflag:$0x3] =	stream.indirect.gather [hbm4b:s4+s23], $0x80, s3, s23, $0xb8;
	[tilespmem:$0x1CB00] =	vst v63  }
0x27: {  	_ = 	snop  }
0x28: {  	[tilespmem:s23], [sflag:$0x5] =	stream.linear.gather [hbm4b:s11+s3], $0x80, $0x38;
	[tilespmem:$0x1CB00] =	vst v63  }
0x29: {  	_ =	swait.ge [sflag:s21], $0x80  }
0x2a: {  	[sflag:s21] =	ssyncset.done $0x0  }
0x2b: {  	[sflag:s21] =	ssyncadd.s32 $0xFFFFFF80  }
0x2c: {  	[tilespmem:s25], [sflag:$0x5] =	stream.linear.gather [hbm4b:s12+s3], $0x80, $0x38;
	[tilespmem:$0x1CB00] =	vst v63  }
0x2d: {  	_ =	swait.ge [sflag:s21], $0x80  }
0x2e: {  	[sflag:s21] =	ssyncset.done $0x0  }
0x2f: {  	[sflag:s21] =	ssyncadd.s32 $0xFFFFFF80  }
0x30: {  	[tilespmem:s26], [sflag:$0x4] =	stream.indirect.gather [hbm4b:s4+s23], $0x80, s23, s23, $0xb8;
	[tilespmem:$0x1CB00] =	vst v63  }
0x31: {  	_ =	swait.ge [sflag:s28], $0x4000  }
0x32: {  	[sflag:s28] =	ssyncset.done $0x0  }
0x33: {  	[sflag:s28] =	ssyncadd.s32 $0xFFFFC000  }
0x34: {  	[spmem:s1] =	stream.indirect.scatter.add.f32 [tilespmem:s24], [sflag:$0x5], $0x80, s22, s23, $0xb8;
	[tilespmem:$0x1CB00] =	vst v63  }
0x35: {  	_ =	swait.ge [sflag:s21], $0x4000  }
0x36: {  	s15 =	sshrl.u32 s19, $0x3;
	[sflag:s21] =	ssyncset.done $0x0  }
0x37: {  	s16 =	sadd.s32 s5, s15;
	[sflag:s21] =	ssyncadd.s32 $0xFFFFC000  }
0x38: {  	[tilespmem:s3], [sflag:$0x1] =	stream.linear.gather [hbm4b:s16+s3], $0x80, $0x38;
	[tilespmem:$0x1CB00] =	vst v63  }
0x39: {  	s15 =	sadd.s32 s6, s15  }
0x3a: {  	[tilespmem:s22], [sflag:$0x1] =	stream.linear.gather [hbm4b:s15+s3], $0x80, $0x38;
	[tilespmem:$0x1CB00] =	vst v63  }
0x3b: {  	_ =	swait.ge [sflag:s29], $0x4000  }
0x3c: {  	[sflag:s29] =	ssyncset.done $0x0  }
0x3d: {  	[sflag:s29] =	ssyncadd.s32 $0xFFFFC000  }
0x3e: {  	[spmem:s1] =	stream.indirect.scatter.add.f32 [tilespmem:s26], [sflag:$0x5], $0x80, s25, s23, $0xb8;
	[tilespmem:$0x1CB00] =	vst v63  }
0x3f: {  	_ =	swait.ge [sflag:s21], $0x4000  }
0x40: {  	[sflag:s21] =	ssyncset.done $0x0  }
0x41: {  	s7 =	sadd.s32 $0x0, s18;
	[sflag:s21] =	ssyncadd.s32 $0xFFFFC000  }
0x42: {  	[tilespmem:s23], [sflag:$0x2] =	stream.linear.gather [hbm4b:s7+s3], $0x80, $0x38;
	[tilespmem:$0x1CB00] =	vst v63  }
0x43: {  	s16 =	sadd.s32 $0x0, s17  }
0x44: {  	[tilespmem:s25], [sflag:$0x2] =	stream.linear.gather [hbm4b:s16+s3], $0x80, $0x38;
	[tilespmem:$0x1CB00] =	vst v63  }
0x45: {  	_ =	swait.ge [sflag:s30], $0x100  }
0x46: {  	[sflag:s30] =	ssyncset.done $0x0  }
0x47: {  	[sflag:s30] =	ssyncadd.s32 $0xFFFFFF00  }
0x48: {  	[tilespmem:s24], [sflag:$0x3] =	stream.indirect.gather [hbm4b:s4+s23], $0x80, s3, s23, $0xb8;
	[tilespmem:$0x1CB00] =	vst v63  }
0x49: {  	_ =	swait.ge [sflag:s31], $0x100  }
0x4a: {  	[sflag:s31] =	ssyncset.done $0x0  }
0x4b: {  	s15 =	simm.s32 $0x20;
	s16 =	sadd.s32 $0x100, s19;
	[sflag:s31] =	ssyncadd.s32 $0xFFFFFF00  }
.LBB2_2:
0x4c: {  	[tilespmem:s26], [sflag:$0x4] =	stream.indirect.gather [hbm4b:s4+s23], $0x80, s23, s23, $0xb8;
	[tilespmem:$0x1CB00] =	vst v63  }
0x4d: {  	s0 =	smov.u32 s15  }
0x4e: {  	p0 =	sne.s32 s15, $0x4A0;
	s15 =	sadd.s32 $0x20, s15;
	_ =	swait.ge [sflag:s28], $0x4000  }
0x4f: {  	[sflag:s28] =	ssyncset.done $0x0  }
0x50: {  	[sflag:s28] =	ssyncadd.s32 $0xFFFFC000  }
0x51: {  	[spmem:s1] =	stream.indirect.scatter.add.f32 [tilespmem:s24], [sflag:$0x5], $0x80, s22, s23, $0xb8;
	[tilespmem:$0x1CB00] =	vst v63  }
0x52: {  	_ =	swait.ge [sflag:s21], $0x4000  }
0x53: {  	s2 =	sshrl.u32 s16, $0x3;
	[sflag:s21] =	ssyncset.done $0x0  }
0x54: {  	s7 =	sadd.s32 s5, s2;
	[sflag:s21] =	ssyncadd.s32 $0xFFFFC000  }
0x55: {  	[tilespmem:s3], [sflag:$0x1] =	stream.linear.gather [hbm4b:s7+s3], $0x80, $0x38;
	[tilespmem:$0x1CB00] =	vst v63  }
0x56: {  	s2 =	sadd.s32 s6, s2  }
0x57: {  	[tilespmem:s22], [sflag:$0x1] =	stream.linear.gather [hbm4b:s2+s3], $0x80, $0x38;
	[tilespmem:$0x1CB00] =	vst v63  }
0x58: {  	_ =	swait.ge [sflag:s29], $0x4000  }
0x59: {  	[sflag:s29] =	ssyncset.done $0x0  }
0x5a: {  	[sflag:s29] =	ssyncadd.s32 $0xFFFFC000  }
0x5b: {  	[spmem:s1] =	stream.indirect.scatter.add.f32 [tilespmem:s26], [sflag:$0x5], $0x80, s25, s23, $0xb8;
	[tilespmem:$0x1CB00] =	vst v63  }
0x5c: {  	_ =	swait.ge [sflag:s21], $0x4000  }
0x5d: {  	[sflag:s21] =	ssyncset.done $0x0  }
0x5e: {  	s2 =	sadd.s32 s0, s18;
	[sflag:s21] =	ssyncadd.s32 $0xFFFFC000  }
0x5f: {  	[tilespmem:s23], [sflag:$0x2] =	stream.linear.gather [hbm4b:s2+s3], $0x80, $0x38;
	[tilespmem:$0x1CB00] =	vst v63  }
0x60: {  	s0 =	sadd.s32 s0, s17  }
0x61: {  	[tilespmem:s25], [sflag:$0x2] =	stream.linear.gather [hbm4b:s0+s3], $0x80, $0x38;
	[tilespmem:$0x1CB00] =	vst v63  }
0x62: {  	_ =	swait.ge [sflag:s30], $0x100  }
0x63: {  	[sflag:s30] =	ssyncset.done $0x0  }
.Ltmp0:
0x64: {  	[sflag:s30] =	ssyncadd.s32 $0xFFFFFF00;
	(pc) =	sbr.rel @p0 .LBB2_2-.Ltmp0, $4  }
0x65: {  	[tilespmem:s24], [sflag:$0x3] =	stream.indirect.gather [hbm4b:s4+s23], $0x80, s3, s23, $0xb8;
	[tilespmem:$0x1CB00] =	vst v63  }
0x66: {  	_ =	swait.ge [sflag:s31], $0x100  }
0x67: {  	[sflag:s31] =	ssyncset.done $0x0  }
0x68: {  	s16 =	sadd.s32 $0x100, s16;
	[sflag:s31] =	ssyncadd.s32 $0xFFFFFF00  }
0x69: {  	[tilespmem:s26], [sflag:$0x4] =	stream.indirect.gather [hbm4b:s4+s23], $0x80, s23, s23, $0xb8;
	[tilespmem:$0x1CB00] =	vst v63  }
0x6a: {  	_ =	swait.ge [sflag:s28], $0x4000  }
0x6b: {  	[sflag:s28] =	ssyncset.done $0x0  }
0x6c: {  	[sflag:s28] =	ssyncadd.s32 $0xFFFFC000  }
0x6d: {  	[spmem:s1] =	stream.indirect.scatter.add.f32 [tilespmem:s24], [sflag:$0x5], $0x80, s22, s23, $0xb8;
	[tilespmem:$0x1CB00] =	vst v63  }
0x6e: {  	_ =	swait.ge [sflag:s21], $0x4000  }
0x6f: {  	[sflag:s21] =	ssyncset.done $0x0  }
0x70: {  	[sflag:s21] =	ssyncadd.s32 $0xFFFFC000  }
0x71: {  	[tilespmem:s3], [sflag:$0x1] =	stream.linear.gather [hbm4b:s9+s3], $0x80, $0x38;
	[tilespmem:$0x1CB00] =	vst v63  }
0x72: {  	_ = 	snop  }
0x73: {  	[tilespmem:s22], [sflag:$0x1] =	stream.linear.gather [hbm4b:s10+s3], $0x80, $0x38;
	[tilespmem:$0x1CB00] =	vst v63  }
0x74: {  	_ =	swait.ge [sflag:s29], $0x4000  }
0x75: {  	[sflag:s29] =	ssyncset.done $0x0  }
0x76: {  	[sflag:s29] =	ssyncadd.s32 $0xFFFFC000  }
0x77: {  	[spmem:s1] =	stream.indirect.scatter.add.f32 [tilespmem:s26], [sflag:$0x5], $0x80, s25, s23, $0xb8;
	[tilespmem:$0x1CB00] =	vst v63  }
0x78: {  	_ =	swait.ge [sflag:s21], $0x4000  }
0x79: {  	[sflag:s21] =	ssyncset.done $0x0  }
0x7a: {  	[sflag:s21] =	ssyncadd.s32 $0xFFFFC000  }
0x7b: {  	[tilespmem:s23], [sflag:$0x2] =	stream.linear.gather [hbm4b:s11+s3], $0x80, $0x38;
	[tilespmem:$0x1CB00] =	vst v63  }
0x7c: {  	_ = 	snop  }
0x7d: {  	[tilespmem:s25], [sflag:$0x2] =	stream.linear.gather [hbm4b:s12+s3], $0x80, $0x38;
	[tilespmem:$0x1CB00] =	vst v63  }
0x7e: {  	_ =	swait.ge [sflag:s30], $0x100  }
0x7f: {  	[sflag:s30] =	ssyncset.done $0x0  }
0x80: {  	[sflag:s30] =	ssyncadd.s32 $0xFFFFFF00  }
0x81: {  	[tilespmem:s24], [sflag:$0x3] =	stream.indirect.gather [hbm4b:s4+s23], $0x80, s3, s23, $0xb8;
	[tilespmem:$0x1CB00] =	vst v63  }
0x82: {  	_ =	swait.ge [sflag:s31], $0x100  }
0x83: {  	[sflag:s31] =	ssyncset.done $0x0  }
0x84: {  	[sflag:s31] =	ssyncadd.s32 $0xFFFFFF00  }
0x85: {  	[tilespmem:s26], [sflag:$0x4] =	stream.indirect.gather [hbm4b:s4+s23], $0x80, s23, s23, $0xb8;
	[tilespmem:$0x1CB00] =	vst v63  }
0x86: {  	_ =	swait.ge [sflag:s28], $0x4000  }
0x87: {  	[sflag:s28] =	ssyncset.done $0x0  }
0x88: {  	[sflag:s28] =	ssyncadd.s32 $0xFFFFC000  }
0x89: {  	_ =	swait.ge [sflag:s29], $0x4000  }
0x8a: {  	[sflag:s29] =	ssyncset.done $0x0  }
0x8b: {  	s2 =	simm.s32 $0x8200;
	s0 =	rddreg [dreg:$0x4];
	[sflag:s29] =	ssyncadd.s32 $0xFFFFC000  }
0x8c: {  	[tilespmem:s2], [sflag:$0x5] =	stream.linear.gather [hbm4b:s0+s3], $0x10, $0x38;
	[tilespmem:$0x1CB00] =	vst v63  }
0x8d: {  	_ =	swait.ge [sflag:s21], $0x10  }
0x8e: {  	[sflag:s21] =	ssyncset.done $0x0  }
0x8f: {  	s7 =	simm.s32 $0x8280;
	s15 =	rddreg [dreg:$0x5];
	[sflag:s21] =	ssyncadd.s32 $0xFFFFFFF0  }
0x90: {  	[tilespmem:s7], [sflag:$0x5] =	stream.linear.gather [hbm4b:s15+s3], $0x10, $0x38;
	[tilespmem:$0x1CB00] =	vst v63  }
0x91: {  	_ =	swait.ge [sflag:s21], $0x10  }
0x92: {  	[sflag:s21] =	ssyncset.done $0x0  }
0x93: {  	s16 =	simm.s32 $0x10;
	[sflag:s21] =	ssyncadd.s32 $0xFFFFFFF0  }
0x94: {  	[tilespmem:s13], [sflag:$0x3] =	stream.indirect.gather [hbm4b:s4+s16], $0x80, s2, s16, $0xb8;
	[tilespmem:$0x1CB00] =	vst v63  }
0x95: {  	_ =	swait.ge [sflag:s28], $0x800  }
0x96: {  	[sflag:s28] =	ssyncset.done $0x0  }
0x97: {  	[sflag:s28] =	ssyncadd.s32 $0xFFFFF800  }
0x98: {  	[spmem:s1] =	stream.indirect.scatter.add.f32 [tilespmem:s13], [sflag:$0x5], $0x80, s7, s16, $0xb8;
	[tilespmem:$0x1CB00] =	vst v63  }
0x99: {  	_ =	swait.ge [sflag:s21], $0x800  }
0x9a: {  	[sflag:s21] =	ssyncset.done $0x0  }
0x9b: {  	[sflag:s21] =	ssyncadd.s32 $0xFFFFF800  }
0x9c: {  	[bflag:$0x0] =	sbarrier.arrive $0xFFFF  }
0x9d: {  	s15 =	rddreg [dreg:$0x6]  }
0x9e: {  	[hbm:s15], [sflag:s8] =	dma.local [spmem:s20], $0x2800  }
0x9f: {  	_ =	swait.ge [sflag:s21], $0x2800  }
0xa0: {  	s14 =	sadd.s32 $0x1, s14;
	s16 =	rddreg [dreg:$0x7]  }
0xa1: {  	p0 =	sne.s32 s14, s16  }
.Ltmp1:
0xa2: {  	_ = 	snop;
	(pc) =	sbr.rel @p0 .LBB2_1-.Ltmp1, $3  }
0xa3: {  	_ =	sdelay $0x1  }
0xa4: {  	[sflag:s21] =	ssyncset.done $0x0  }
0xa5: {  	[sflag:s21] =	ssyncadd.s32 $0xFFFFD800  }
0xa6: {  	_ =	sfence.sel $0x180000  }
0xa7: {  	[bflag:$0x0] =	sbarrier.arrive $0xFFFF  }
0xa8: {  	_ =	strace $0x90000050  }
0xa9: {  	s0 =	stileid.u32;
	[bflag:$0x2] =	sbarrier.arrive $0xFFFF  }
0xaa: {  	p0 =	sne.s32 s0, $0x0;
	s0 =	rddreg [dreg:$0x2]  }
0xab: {  	s0 =	sadd.s32 @!p0 $0x100000, s0  }
0xac: {  	[sflag:s0] =	ssyncadd.tile.s32 @!p0 $0x1;
	_ =	shalt  }
.Lfunc_end2:
_tile_overlayer_lowered:
.L_overlay_start_2:
0xad: {  	(tag) =	ssettag $0x2  }
0xae: {  	s0 =	rddreg [dreg:$0x0];
	s2 =	stileid.u32  }
0xaf: {  	s1 =	rddreg [dreg:$0x1];
	p0 =	sne.s32 s2, $0x0  }
0xb0: {  	s3 =	rddreg [dreg:$0x2];
	[bflag:$0x3] =	sbarrier.arrive $0xFFFF;
	s2 =	simm.s32 @!p0 $0x1C05  }
0xb1: {  	[timem:s3], [sflag:s2] =	dma.local @!p0 [hbm:s0], s1  }
0xb2: {  	s0 =	simm.s32 @!p0 $0x5  }
0xb3: {  	_ =	swait.ge @!p0 [sflag:s0], s1  }
0xb4: {  	s1 =	ssub.s32 @!p0 $0x0, s1;
	[sflag:s0] =	ssyncset.done @!p0 $0x0  }
0xb5: {  	[sflag:s0] =	ssyncadd.s32 @!p0 s1  }
0xb6: {  	[bflag:$0x3] =	sbarrier.arrive $0xFFFF  }
0xb7: {  	_ =	shalt  }

// kernel: sc_sage_agg.5.cloned.1.call-start
scs
__scs_entry_jumppad:
0x0: {  	(pc) =	sbr.rel $0x88, $3  }
0x1: {  	(tag) =	ssettag $0x0;
	lr =	simm.s32 $0x1  }
0x2: {  	[smem:$0x3F96] =	sst lr;
	_ =	strace $0xD0000000  }
0x3: {  	_ = 	snop  }
0x4: {  	_ = 	snop  }
0x5: {  	_ = 	snop  }
0x6: {  	_ = 	snop  }
0x7: {  	_ = 	snop  }
__scs_overlays_trampoline_lowered:
0x8: {  	[smem:$0x3FA5] =	sst s0  }
0x9: {  	[smem:$0x3FA6] =	sst s1  }
0xa: {  	[smem:$0x3FA7] =	sst s2  }
0xb: {  	[smem:$0x3FA8] =	sst s3  }
0xc: {  	[smem:$0x3FA9] =	sst s4  }
0xd: {  	[smem:$0x3FAA] =	sst s5  }
0xe: {  	[smem:$0x3FAB] =	sst s6  }
0xf: {  	[smem:$0x3FAC] =	sst s7  }
0x10: {  	[smem:$0x3FAD] =	sst s8  }
0x11: {  	[smem:$0x3FAE] =	sst s9;
	s0 =	simm.s32 @!p0 $0x0  }
0x12: {  	s1 =	sld [smem:$0x3F94];
	s0 =	simm.s32 @p0 $0x1  }
0x13: {  	[smem:$0x3FAF] =	sst s0;
	s0 =	simm.s32 @!p1 $0x0  }
0x14: {  	s2 =	sld [smem:$0x3F93];
	s0 =	simm.s32 @p1 $0x1  }
0x15: {  	[smem:$0x3FB0] =	sst s0;
	s0 =	simm.s32 @!p2 $0x0  }
0x16: {  	s3 =	sld [smem:$0x3FDB];
	s0 =	simm.s32 @p2 $0x1  }
0x17: {  	s4 =	simm.s32 $0x1BF5;
	[smem:$0x3FB2] =	sst s0  }
0x18: {  	s0 =	sld [smem:$0x3F95];
	_ =	swait.ge [sflag:s4], $0x0  }
0x19: {  	s7 =	sld [smem:$0x3F96]  }
0x1a: {  	s8 =	sadd.s32 $0xFFFFE003, lr  }
0x1b: {  	s9 =	sadd.s32 $0xFFFFFEF7, lr;
	s5 =	simm.s32 $0xFFFFFFFF;
	p2 =	slt.u32 s8, $0xFFFFF086  }
0x1c: {  	p1 =	slt.u32 s9, $0xF7A;
	s5 =	simm.s32 @!p2 $0x0  }
0x1d: {  	s5 =	simm.s32 @p1 $0x1;
	p0 =	seq.s32 s7, s2  }
0x1e: {  	s7 =	smul.u32 @!p0 $0xF7A, s2;
	p2 =	seq.s32 @!p0 s5, $0x0  }
0x1f: {  	s9 =	smul.u32 $0xF7A, s1;
	s8 =	simm.s32 @!p0 $0x1BF5;
	p2 =	por !p2, p0  }
0x20: {  	[sflag:s8] =	ssyncset.s32 @!p0 $0xFFFFF086;
	s6 =	sadd.s32 @!p0 s3, s7;
	s7 =	simm.s32 @!p0 $0x108  }
0x21: {  	s3 =	sadd.s32 s3, s9;
	s6 =	sadd.s32 @!p0 $0x88, s6;
	s7 =	simm.s32 @p2 $0x1082  }
0x22: {  	[simem:s7], [sflag:s8] =	dma.local @!p0 [hbm:s6], $0xF7A  }
0x23: {  	s9 =	sor.u32 $0xD0000000, s2;
	s6 =	simm.s32 $0x108;
	_ =	swait.ge @!p0 [sflag:s8], $0x0  }
0x24: {  	s3 =	sadd.s32 $0x88, s3;
	s6 =	simm.s32 @!p1 $0x1082;
	[sflag:s4] =	ssyncset.s32 $0xFFFFF086  }
0x25: {  	[simem:s6], [sflag:s4] =	dma.local [hbm:s3], $0xF7A  }
0x26: {  	[smem:$0x3F96] =	sst s1;
	(tag) =	ssettag s2;
	_ =	strace s9  }
0x27: {  	s1 =	sld [smem:$0x3FA6]  }
0x28: {  	s2 =	sld [smem:$0x3FA7]  }
0x29: {  	s4 =	sld [smem:$0x3FA9]  }
0x2a: {  	p0 =	seq.s32 s5, $0x0;
	s5 =	sld [smem:$0x3FAA]  }
0x2b: {  	s6 =	sld [smem:$0x3FAB]  }
0x2c: {  	s7 =	sld [smem:$0x3FAC]  }
0x2d: {  	s3 =	simm.s32 $0x108;
	s8 =	sld [smem:$0x3FAD]  }
0x2e: {  	s3 =	simm.s32 @!p0 $0x1082;
	s9 =	sld [smem:$0x3FAE]  }
0x2f: {  	lr =	sadd.s32 s0, s3;
	s0 =	sld [smem:$0x3FA5]  }
0x30: {  	s3 =	sld [smem:$0x3FA8]  }
0x31: {  	[smem:$0x3FB1] =	sst s10  }
0x32: {  	s10 =	sld [smem:$0x3FAF];
	_ =	sdelay $0x3  }
0x33: {  	p0 =	seq.s32 s10, $0x1;
	s10 =	sld [smem:$0x3FB1];
	_ =	sdelay $0x3  }
0x34: {  	[smem:$0x3FB1] =	sst s10  }
0x35: {  	s10 =	sld [smem:$0x3FB0];
	_ =	sdelay $0x3  }
0x36: {  	p1 =	seq.s32 s10, $0x1;
	s10 =	sld [smem:$0x3FB1];
	_ =	sdelay $0x3  }
0x37: {  	[smem:$0x3FB1] =	sst s10  }
0x38: {  	s10 =	sld [smem:$0x3FB2]  }
0x39: {  	_ = 	snop;
	(pc) =	sbr.ind lr, $3  }
0x3a: {  	_ = 	snop  }
0x3b: {  	_ = 	snop  }
0x3c: {  	p2 =	seq.s32 s10, $0x1;
	s10 =	sld [smem:$0x3FB1]  }
0x3d: {  	_ =	shalt  }
0x3e: {  	_ =	shalt  }
0x3f: {  	_ =	shalt  }
0x40: {  	_ =	shalt  }
0x41: {  	_ =	shalt  }
0x42: {  	_ =	shalt  }
0x43: {  	_ =	shalt  }
0x44: {  	_ =	shalt  }
0x45: {  	_ =	shalt  }
0x46: {  	_ =	shalt  }
0x47: {  	_ =	shalt  }
0x48: {  	_ =	shalt  }
0x49: {  	_ =	shalt  }
0x4a: {  	_ =	shalt  }
0x4b: {  	_ =	shalt  }
0x4c: {  	_ =	shalt  }
0x4d: {  	_ =	shalt  }
0x4e: {  	_ =	shalt  }
0x4f: {  	_ =	shalt  }
0x50: {  	_ =	shalt  }
0x51: {  	_ =	shalt  }
0x52: {  	_ =	shalt  }
0x53: {  	_ =	shalt  }
0x54: {  	_ =	shalt  }
0x55: {  	_ =	shalt  }
0x56: {  	_ =	shalt  }
0x57: {  	_ =	shalt  }
0x58: {  	_ =	shalt  }
0x59: {  	_ =	shalt  }
0x5a: {  	_ =	shalt  }
0x5b: {  	_ =	shalt  }
0x5c: {  	_ =	shalt  }
0x5d: {  	_ =	shalt  }
0x5e: {  	_ =	shalt  }
0x5f: {  	_ =	shalt  }
0x60: {  	_ =	shalt  }
0x61: {  	_ =	shalt  }
0x62: {  	_ =	shalt  }
0x63: {  	_ =	shalt  }
0x64: {  	_ =	shalt  }
0x65: {  	_ =	shalt  }
0x66: {  	_ =	shalt  }
0x67: {  	_ =	shalt  }
0x68: {  	_ =	shalt  }
0x69: {  	_ =	shalt  }
0x6a: {  	_ =	shalt  }
0x6b: {  	_ =	shalt  }
0x6c: {  	_ =	shalt  }
0x6d: {  	_ =	shalt  }
0x6e: {  	_ =	shalt  }
0x6f: {  	_ =	shalt  }
0x70: {  	_ =	shalt  }
0x71: {  	_ =	shalt  }
0x72: {  	_ =	shalt  }
0x73: {  	_ =	shalt  }
0x74: {  	_ =	shalt  }
0x75: {  	_ =	shalt  }
0x76: {  	_ =	shalt  }
0x77: {  	_ =	shalt  }
0x78: {  	_ =	shalt  }
0x79: {  	_ =	shalt  }
0x7a: {  	_ =	shalt  }
0x7b: {  	_ =	shalt  }
0x7c: {  	_ =	shalt  }
0x7d: {  	_ =	shalt  }
0x7e: {  	_ =	shalt  }
0x7f: {  	_ =	shalt  }
0x80: {  	_ =	shalt  }
0x81: {  	_ =	shalt  }
0x82: {  	_ =	shalt  }
0x83: {  	_ =	shalt  }
0x84: {  	_ =	shalt  }
0x85: {  	_ =	shalt  }
0x86: {  	_ =	shalt  }
0x87: {  	_ =	shalt  }
.Lfunc_end0:
.L_simem_size_0:
called_computation.1_lowered:
.L_overlay_start_0:
0x88: {  	s2 =	sld [smem:$0x3FD9]  }
0x89: {  	s3 =	sld [smem:$0x3FFE];
	_ =	sdelay $0x1  }
0x8a: {  	s1 =	srdreg.scid  }
0x8b: {  	s0 =	sand.u32 $0x1, s1  }
0x8c: {  	s16 =	sshll.u32 s0, $0xA;
	s2 =	sadd.s32 s3, s2  }
0x8d: {  	s2 =	sadd.s32 s2, s16  }
0x8e: {  	[smem:$0x3FBD] =	sst s2  }
0x8f: {  	_ = 	snop  }
0x90: {  	(tm) =	ssettm $0x1  }
0x91: {  	s17 =	sld [smem:$0x3FFB];
	_ =	sdelay $0x3  }
0x92: {  	_ =	strace s17  }
0x93: {  	s2 =	sld [smem:$0x3FFC];
	_ =	sdelay $0x3  }
0x94: {  	_ =	strace s2  }
0x95: {  	s2 =	sld [smem:$0x3FFD];
	_ =	sdelay $0x3  }
0x96: {  	_ =	strace s2  }
0x97: {  	_ =	strace $0x8FFFFFFF  }
0x98: {  	s18 =	sld [smem:$0x3FDB];
	_ =	sdelay $0x1  }
0x99: {  	s19 =	simm.s32 $_scs_section_size  }
0x9a: {  	s4 =	simm.s32 $_size__tile_overlayer_lowered;
	s5 =	simm.s32 $_tile_overlayer_lowered  }
0x9b: {  	s22 =	simm.s32 $0x1BFF;
	s21 =	sshll.u32 s5, $0x1;
	s2 =	sadd.s32 s19, s18  }
0x9c: {  	s6 =	simm.s32 $0x0;
	s20 =	sshll.u32 s4, $0x1;
	s4 =	sadd.s32 s21, s2  }
0x9d: {  	[timem:s6], [sflag:s22] =	dma.local [hbm:s4], s20  }
0x9e: {  	_ =	swait.ge [sflag:s22], s20  }
0x9f: {  	s3 =	ssub.s32 $0x0, s20;
	[sflag:s22] =	ssyncset.done $0x0  }
0xa0: {  	[sflag:s22] =	ssyncadd.s32 s3;
	_ =	sdelay $0x1  }
0xa1: {  	s23 =	simm.s32 $0x1B8B  }
0xa2: {  	_ =	swait.ge [sflag:s23], $0x1  }
0xa3: {  	[sflag:s23] =	ssyncset.done $0x0  }
0xa4: {  	s25 =	simm.s32 $0x1B8E;
	s24 =	sld [smem:$0x3FFE];
	[sflag:s23] =	ssyncadd.s32 $0xFFFFFFFF  }
0xa5: {  	s26 =	simm.s32 $execute0_lowered;
	[smem:$0x3FD2] =	sst s25  }
0xa6: {  	s4 =	sshll.u32 s26, $0x1;
	_ =	strace $0x80000046;
	[dreg:$0x1] =	wrdreg $0xFFFFFFFF  }
0xa7: {  	s28 =	simm.s32 $_size_execute0_lowered;
	s2 =	sadd.s32 s2, s4;
	[dreg:$0x0] =	wrdreg $0x0  }
0xa8: {  	s4 =	sshll.u32 s28, $0x1;
	[dreg:$0x2] =	wrdreg s2  }
0xa9: {  	[dreg:$0x3] =	wrdreg s4  }
0xaa: {  	[dreg:$0x4] =	wrdreg $0xC0  }
0xab: {  	_ =	task [dreg:s6], $0x5FFFF  }
0xac: {  	[dreg:$0x1] =	wrdreg $0xFFFFFFFF  }
0xad: {  	[dreg:$0x0] =	wrdreg $0x60  }
0xae: {  	[dreg:$0x2] =	wrdreg s24  }
0xaf: {  	[dreg:$0x3] =	wrdreg $0x8B000  }
0xb0: {  	[dreg:$0x4] =	wrdreg $0xA  }
0xb1: {  	_ =	task.clear_ibuf [dreg:s6], $0x5FFFF;
	_ =	strace $0x90000046  }
0xb2: {  	s29 =	simm.s32 $0xA;
	_ =	strace $0x80000048  }
0xb3: {  	_ =	swait.ge [sflag:s29], $0x1  }
0xb4: {  	[sflag:s29] =	ssyncadd.s32 $0xFFFFFFFF  }
0xb5: {  	_ =	strace $0x90000048  }
0xb6: {  	_ =	sfence  }
0xb7: {  	s30 =	sld [smem:$0x0];
	_ =	sdelay $0x2  }
0xb8: {  	s31 =	sshll.u32 s1, $0xD;
	s1 =	sshrl.u32 s1, $0x2  }
0xb9: {  	s3 =	sand.u32 $0x4000, s31;
	s1 =	sadd.s32 s1, s30  }
0xba: {  	s0 =	sor.u32 s3, s0;
	s1 =	sshll.u32 s1, $0x11  }
0xbb: {  	s0 =	sor.u32 s1, s0  }
0xbc: {  	s0 =	sadd.s32 $0x8F2B, s0  }
0xbd: {  	[sflag:s0] =	ssyncadd.remote.s32 $0x1  }
0xbe: {  	_ =	sfence.sel $0xFFFF  }
0xbf: {  	[dreg:$0x0] =	wrdreg $0xFFFFFFFF;
	(pc) =	sbr.abs _section_cstart, $3  }
0xc0: {  	[dreg:$0x1] =	wrdreg $0xFFFFFFFF  }
0xc1: {  	_ =	task.clear_ibuf [dreg:s6], $0x2FFFF;
	_ =	strace $0x9FFFFFFF  }
0xc2: {  	(tm) =	ssettm $0x7FFFFFFF  }
0xc3: {  	_ =	shalt  }
tec
execute0_lowered:
.L_overlay_start_1:
0x0: {  	(tag) =	ssettag $0x1  }
0x1: {  	s0 =	rddreg [dreg:$0x0]  }
0x2: {  	s1 =	rddreg [dreg:$0x1]  }
0x3: {  	s2 =	srdreg.scid;
	s3 =	simm.s32 $0x0;
	s11 =	stileid.u32  }
0x4: {  	s28 =	simm.s32 $0x3;
	s29 =	simm.s32 $0x4;
	s30 =	simm.s32 $0x1  }
0x5: {  	s31 =	simm.s32 $0x2;
	s2 =	sand.u32 $0x1, s2;
	s8 =	smul.u32 $0x14000, s11  }
0x6: {  	[smem:$0x7FF] =	sst s3;
	s4 =	sadd.s32 $0x17400, s0;
	s21 =	smul.u32 $0x50000, s11  }
0x7: {  	s5 =	sadd.s32 $0xD600, s0;
	s6 =	sadd.s32 $0x3800, s0;
	s12 =	smul.u32 $0x2710, s11  }
0x8: {  	s9 =	sadd.s32 $0x3F400, s0;
	s23 =	sshll.u32 s11, $0x6;
	s7 =	smul.u32 $0x140000, s2  }
0x9: {  	_ =	strace $0x80000047;
	[dreg:$0x3] =	wrdreg s9;
	s22 =	ssub.s32 $0x2, s2  }
0xa: {  	s20 =	sshll.u32 s2, $0x4;
	s2 =	smul.u32 $0x27100, s2;
	s10 =	sshrl.u32 s22, $0x1  }
0xb: {  	s9 =	sshrl.u32 s21, $0x2;
	s21 =	simm.s32 $0x5;
	s7 =	sadd.s32 s8, s7  }
0xc: {  	s8 =	sor.u32 s11, s20;
	s13 =	sadd.s32 s9, s1;
	s2 =	sadd.s32 s12, s2  }
0xd: {  	s7 =	sshrl.u32 s7, $0x3;
	s8 =	smul.u32 $0x2710, s8;
	s24 =	sadd.s32 $0x180, s2  }
0xe: {  	s19 =	sadd.s32 $0x100, s2;
	s20 =	sshrl.u32 s13, $0x3;
	s13 =	simm.s32 $0x8300  }
0xf: {  	s0 =	sadd.s32 s7, s0;
	s7 =	ssub.s32 s22, s10;
	s25 =	sshrl.u32 s24, $0x3  }
0x10: {  	s22 =	simm.s32 $0x100;
	s24 =	simm.s32 $0x200;
	s14 =	sshrl.u32 s8, $0x3  }
0x11: {  	s8 =	sor.u32 $0x1C05, s23;
	s0 =	sadd.s32 $0x41C00, s0;
	s26 =	smax.u32 s7, $0x1  }
0x12: {  	s17 =	sadd.s32 s25, s6;
	s18 =	sadd.s32 s25, s5;
	s23 =	simm.s32 $0x80  }
0x13: {  	s25 =	simm.s32 $0x180;
	s9 =	sadd.s32 s5, s14;
	s15 =	sadd.s32 $0x10, s14  }
0x14: {  	s10 =	sadd.s32 s6, s14;
	s14 =	sadd.s32 $0x4E0, s14;
	[dreg:$0x6] =	wrdreg s0  }
0x15: {  	[dreg:$0x7] =	wrdreg s26;
	s26 =	simm.s32 $0x4200;
	s16 =	sadd.s32 s5, s14  }
0x16: {  	s11 =	sadd.s32 s5, s15;
	s14 =	sadd.s32 s6, s14;
	[dreg:$0x4] =	wrdreg s16  }
0x17: {  	s12 =	sadd.s32 s6, s15;
	[dreg:$0x5] =	wrdreg s14;
	s14 =	simm.s32 $0x0  }
.LBB2_1:
0x18: {  	s0 =	rddreg [dreg:$0x3]  }
0x19: {  	[spmem:s20], [sflag:s8] =	dma.local [hbm:s0], $0x2800  }
0x1a: {  	_ =	swait.ge [sflag:s21], $0x2800  }
0x1b: {  	[sflag:s21] =	ssyncset.done $0x0  }
0x1c: {  	[sflag:s21] =	ssyncadd.s32 $0xFFFFD800  }
0x1d: {  	[bflag:$0x0] =	sbarrier.arrive $0xFFFF  }
0x1e: {  	[tilespmem:s3], [sflag:$0x5] =	stream.linear.gather [hbm4b:s9+s3], $0x80, $0x38;
	[tilespmem:$0x1CB00] =	vst v63  }
0x1f: {  	_ =	swait.ge [sflag:s21], $0x80  }
0x20: {  	[sflag:s21] =	ssyncset.done $0x0  }
0x21: {  	[sflag:s21] =	ssyncadd.s32 $0xFFFFFF80  }
0x22: {  	[tilespmem:s22], [sflag:$0x5] =	stream.linear.gather [hbm4b:s10+s3], $0x80, $0x38;
	[tilespmem:$0x1CB00] =	vst v63  }
0x23: {  	_ =	swait.ge [sflag:s21], $0x80  }
0x24: {  	[sflag:s21] =	ssyncset.done $0x0  }
0x25: {  	[sflag:s21] =	ssyncadd.s32 $0xFFFFFF80  }
0x26: {  	[tilespmem:s24], [sflag:$0x3] =	stream.indirect.gather [hbm4b:s4+s23], $0x80, s3, s23, $0xb8;
	[tilespmem:$0x1CB00] =	vst v63  }
0x27: {  	_ = 	snop  }
0x28: {  	[tilespmem:s23], [sflag:$0x5] =	stream.linear.gather [hbm4b:s11+s3], $0x80, $0x38;
	[tilespmem:$0x1CB00] =	vst v63  }
0x29: {  	_ =	swait.ge [sflag:s21], $0x80  }
0x2a: {  	[sflag:s21] =	ssyncset.done $0x0  }
0x2b: {  	[sflag:s21] =	ssyncadd.s32 $0xFFFFFF80  }
0x2c: {  	[tilespmem:s25], [sflag:$0x5] =	stream.linear.gather [hbm4b:s12+s3], $0x80, $0x38;
	[tilespmem:$0x1CB00] =	vst v63  }
0x2d: {  	_ =	swait.ge [sflag:s21], $0x80  }
0x2e: {  	[sflag:s21] =	ssyncset.done $0x0  }
0x2f: {  	[sflag:s21] =	ssyncadd.s32 $0xFFFFFF80  }
0x30: {  	[tilespmem:s26], [sflag:$0x4] =	stream.indirect.gather [hbm4b:s4+s23], $0x80, s23, s23, $0xb8;
	[tilespmem:$0x1CB00] =	vst v63  }
0x31: {  	_ =	swait.ge [sflag:s28], $0x4000  }
0x32: {  	[sflag:s28] =	ssyncset.done $0x0  }
0x33: {  	[sflag:s28] =	ssyncadd.s32 $0xFFFFC000  }
0x34: {  	[spmem:s1] =	stream.indirect.scatter.add.f32 [tilespmem:s24], [sflag:$0x5], $0x80, s22, s23, $0xb8;
	[tilespmem:$0x1CB00] =	vst v63  }
0x35: {  	_ =	swait.ge [sflag:s21], $0x4000  }
0x36: {  	s15 =	sshrl.u32 s19, $0x3;
	[sflag:s21] =	ssyncset.done $0x0  }
0x37: {  	s16 =	sadd.s32 s5, s15;
	[sflag:s21] =	ssyncadd.s32 $0xFFFFC000  }
0x38: {  	[tilespmem:s3], [sflag:$0x1] =	stream.linear.gather [hbm4b:s16+s3], $0x80, $0x38;
	[tilespmem:$0x1CB00] =	vst v63  }
0x39: {  	s15 =	sadd.s32 s6, s15  }
0x3a: {  	[tilespmem:s22], [sflag:$0x1] =	stream.linear.gather [hbm4b:s15+s3], $0x80, $0x38;
	[tilespmem:$0x1CB00] =	vst v63  }
0x3b: {  	_ =	swait.ge [sflag:s29], $0x4000  }
0x3c: {  	[sflag:s29] =	ssyncset.done $0x0  }
0x3d: {  	[sflag:s29] =	ssyncadd.s32 $0xFFFFC000  }
0x3e: {  	[spmem:s1] =	stream.indirect.scatter.add.f32 [tilespmem:s26], [sflag:$0x5], $0x80, s25, s23, $0xb8;
	[tilespmem:$0x1CB00] =	vst v63  }
0x3f: {  	_ =	swait.ge [sflag:s21], $0x4000  }
0x40: {  	[sflag:s21] =	ssyncset.done $0x0  }
0x41: {  	s7 =	sadd.s32 $0x0, s18;
	[sflag:s21] =	ssyncadd.s32 $0xFFFFC000  }
0x42: {  	[tilespmem:s23], [sflag:$0x2] =	stream.linear.gather [hbm4b:s7+s3], $0x80, $0x38;
	[tilespmem:$0x1CB00] =	vst v63  }
0x43: {  	s16 =	sadd.s32 $0x0, s17  }
0x44: {  	[tilespmem:s25], [sflag:$0x2] =	stream.linear.gather [hbm4b:s16+s3], $0x80, $0x38;
	[tilespmem:$0x1CB00] =	vst v63  }
0x45: {  	_ =	swait.ge [sflag:s30], $0x100  }
0x46: {  	[sflag:s30] =	ssyncset.done $0x0  }
0x47: {  	[sflag:s30] =	ssyncadd.s32 $0xFFFFFF00  }
0x48: {  	[tilespmem:s24], [sflag:$0x3] =	stream.indirect.gather [hbm4b:s4+s23], $0x80, s3, s23, $0xb8;
	[tilespmem:$0x1CB00] =	vst v63  }
0x49: {  	_ =	swait.ge [sflag:s31], $0x100  }
0x4a: {  	[sflag:s31] =	ssyncset.done $0x0  }
0x4b: {  	s15 =	simm.s32 $0x20;
	s16 =	sadd.s32 $0x100, s19;
	[sflag:s31] =	ssyncadd.s32 $0xFFFFFF00  }
.LBB2_2:
0x4c: {  	[tilespmem:s26], [sflag:$0x4] =	stream.indirect.gather [hbm4b:s4+s23], $0x80, s23, s23, $0xb8;
	[tilespmem:$0x1CB00] =	vst v63  }
0x4d: {  	s0 =	smov.u32 s15  }
0x4e: {  	p0 =	sne.s32 s15, $0x4A0;
	s15 =	sadd.s32 $0x20, s15;
	_ =	swait.ge [sflag:s28], $0x4000  }
0x4f: {  	[sflag:s28] =	ssyncset.done $0x0  }
0x50: {  	[sflag:s28] =	ssyncadd.s32 $0xFFFFC000  }
0x51: {  	[spmem:s1] =	stream.indirect.scatter.add.f32 [tilespmem:s24], [sflag:$0x5], $0x80, s22, s23, $0xb8;
	[tilespmem:$0x1CB00] =	vst v63  }
0x52: {  	_ =	swait.ge [sflag:s21], $0x4000  }
0x53: {  	s2 =	sshrl.u32 s16, $0x3;
	[sflag:s21] =	ssyncset.done $0x0  }
0x54: {  	s7 =	sadd.s32 s5, s2;
	[sflag:s21] =	ssyncadd.s32 $0xFFFFC000  }
0x55: {  	[tilespmem:s3], [sflag:$0x1] =	stream.linear.gather [hbm4b:s7+s3], $0x80, $0x38;
	[tilespmem:$0x1CB00] =	vst v63  }
0x56: {  	s2 =	sadd.s32 s6, s2  }
0x57: {  	[tilespmem:s22], [sflag:$0x1] =	stream.linear.gather [hbm4b:s2+s3], $0x80, $0x38;
	[tilespmem:$0x1CB00] =	vst v63  }
0x58: {  	_ =	swait.ge [sflag:s29], $0x4000  }
0x59: {  	[sflag:s29] =	ssyncset.done $0x0  }
0x5a: {  	[sflag:s29] =	ssyncadd.s32 $0xFFFFC000  }
0x5b: {  	[spmem:s1] =	stream.indirect.scatter.add.f32 [tilespmem:s26], [sflag:$0x5], $0x80, s25, s23, $0xb8;
	[tilespmem:$0x1CB00] =	vst v63  }
0x5c: {  	_ =	swait.ge [sflag:s21], $0x4000  }
0x5d: {  	[sflag:s21] =	ssyncset.done $0x0  }
0x5e: {  	s2 =	sadd.s32 s0, s18;
	[sflag:s21] =	ssyncadd.s32 $0xFFFFC000  }
0x5f: {  	[tilespmem:s23], [sflag:$0x2] =	stream.linear.gather [hbm4b:s2+s3], $0x80, $0x38;
	[tilespmem:$0x1CB00] =	vst v63  }
0x60: {  	s0 =	sadd.s32 s0, s17  }
0x61: {  	[tilespmem:s25], [sflag:$0x2] =	stream.linear.gather [hbm4b:s0+s3], $0x80, $0x38;
	[tilespmem:$0x1CB00] =	vst v63  }
0x62: {  	_ =	swait.ge [sflag:s30], $0x100  }
0x63: {  	[sflag:s30] =	ssyncset.done $0x0  }
.Ltmp0:
0x64: {  	[sflag:s30] =	ssyncadd.s32 $0xFFFFFF00;
	(pc) =	sbr.rel @p0 .LBB2_2-.Ltmp0, $4  }
0x65: {  	[tilespmem:s24], [sflag:$0x3] =	stream.indirect.gather [hbm4b:s4+s23], $0x80, s3, s23, $0xb8;
	[tilespmem:$0x1CB00] =	vst v63  }
0x66: {  	_ =	swait.ge [sflag:s31], $0x100  }
0x67: {  	[sflag:s31] =	ssyncset.done $0x0  }
0x68: {  	s16 =	sadd.s32 $0x100, s16;
	[sflag:s31] =	ssyncadd.s32 $0xFFFFFF00  }
0x69: {  	[tilespmem:s26], [sflag:$0x4] =	stream.indirect.gather [hbm4b:s4+s23], $0x80, s23, s23, $0xb8;
	[tilespmem:$0x1CB00] =	vst v63  }
0x6a: {  	_ =	swait.ge [sflag:s28], $0x4000  }
0x6b: {  	[sflag:s28] =	ssyncset.done $0x0  }
0x6c: {  	[sflag:s28] =	ssyncadd.s32 $0xFFFFC000  }
0x6d: {  	[spmem:s1] =	stream.indirect.scatter.add.f32 [tilespmem:s24], [sflag:$0x5], $0x80, s22, s23, $0xb8;
	[tilespmem:$0x1CB00] =	vst v63  }
0x6e: {  	_ =	swait.ge [sflag:s21], $0x4000  }
0x6f: {  	[sflag:s21] =	ssyncset.done $0x0  }
0x70: {  	[sflag:s21] =	ssyncadd.s32 $0xFFFFC000  }
0x71: {  	[tilespmem:s3], [sflag:$0x1] =	stream.linear.gather [hbm4b:s9+s3], $0x80, $0x38;
	[tilespmem:$0x1CB00] =	vst v63  }
0x72: {  	_ = 	snop  }
0x73: {  	[tilespmem:s22], [sflag:$0x1] =	stream.linear.gather [hbm4b:s10+s3], $0x80, $0x38;
	[tilespmem:$0x1CB00] =	vst v63  }
0x74: {  	_ =	swait.ge [sflag:s29], $0x4000  }
0x75: {  	[sflag:s29] =	ssyncset.done $0x0  }
0x76: {  	[sflag:s29] =	ssyncadd.s32 $0xFFFFC000  }
0x77: {  	[spmem:s1] =	stream.indirect.scatter.add.f32 [tilespmem:s26], [sflag:$0x5], $0x80, s25, s23, $0xb8;
	[tilespmem:$0x1CB00] =	vst v63  }
0x78: {  	_ =	swait.ge [sflag:s21], $0x4000  }
0x79: {  	[sflag:s21] =	ssyncset.done $0x0  }
0x7a: {  	[sflag:s21] =	ssyncadd.s32 $0xFFFFC000  }
0x7b: {  	[tilespmem:s23], [sflag:$0x2] =	stream.linear.gather [hbm4b:s11+s3], $0x80, $0x38;
	[tilespmem:$0x1CB00] =	vst v63  }
0x7c: {  	_ = 	snop  }
0x7d: {  	[tilespmem:s25], [sflag:$0x2] =	stream.linear.gather [hbm4b:s12+s3], $0x80, $0x38;
	[tilespmem:$0x1CB00] =	vst v63  }
0x7e: {  	_ =	swait.ge [sflag:s30], $0x100  }
0x7f: {  	[sflag:s30] =	ssyncset.done $0x0  }
0x80: {  	[sflag:s30] =	ssyncadd.s32 $0xFFFFFF00  }
0x81: {  	[tilespmem:s24], [sflag:$0x3] =	stream.indirect.gather [hbm4b:s4+s23], $0x80, s3, s23, $0xb8;
	[tilespmem:$0x1CB00] =	vst v63  }
0x82: {  	_ =	swait.ge [sflag:s31], $0x100  }
0x83: {  	[sflag:s31] =	ssyncset.done $0x0  }
0x84: {  	[sflag:s31] =	ssyncadd.s32 $0xFFFFFF00  }
0x85: {  	[tilespmem:s26], [sflag:$0x4] =	stream.indirect.gather [hbm4b:s4+s23], $0x80, s23, s23, $0xb8;
	[tilespmem:$0x1CB00] =	vst v63  }
0x86: {  	_ =	swait.ge [sflag:s28], $0x4000  }
0x87: {  	[sflag:s28] =	ssyncset.done $0x0  }
0x88: {  	[sflag:s28] =	ssyncadd.s32 $0xFFFFC000  }
0x89: {  	_ =	swait.ge [sflag:s29], $0x4000  }
0x8a: {  	[sflag:s29] =	ssyncset.done $0x0  }
0x8b: {  	s2 =	simm.s32 $0x8200;
	s0 =	rddreg [dreg:$0x4];
	[sflag:s29] =	ssyncadd.s32 $0xFFFFC000  }
0x8c: {  	[tilespmem:s2], [sflag:$0x5] =	stream.linear.gather [hbm4b:s0+s3], $0x10, $0x38;
	[tilespmem:$0x1CB00] =	vst v63  }
0x8d: {  	_ =	swait.ge [sflag:s21], $0x10  }
0x8e: {  	[sflag:s21] =	ssyncset.done $0x0  }
0x8f: {  	s7 =	simm.s32 $0x8280;
	s15 =	rddreg [dreg:$0x5];
	[sflag:s21] =	ssyncadd.s32 $0xFFFFFFF0  }
0x90: {  	[tilespmem:s7], [sflag:$0x5] =	stream.linear.gather [hbm4b:s15+s3], $0x10, $0x38;
	[tilespmem:$0x1CB00] =	vst v63  }
0x91: {  	_ =	swait.ge [sflag:s21], $0x10  }
0x92: {  	[sflag:s21] =	ssyncset.done $0x0  }
0x93: {  	s16 =	simm.s32 $0x10;
	[sflag:s21] =	ssyncadd.s32 $0xFFFFFFF0  }
0x94: {  	[tilespmem:s13], [sflag:$0x3] =	stream.indirect.gather [hbm4b:s4+s16], $0x80, s2, s16, $0xb8;
	[tilespmem:$0x1CB00] =	vst v63  }
0x95: {  	_ =	swait.ge [sflag:s28], $0x800  }
0x96: {  	[sflag:s28] =	ssyncset.done $0x0  }
0x97: {  	[sflag:s28] =	ssyncadd.s32 $0xFFFFF800  }
0x98: {  	[spmem:s1] =	stream.indirect.scatter.add.f32 [tilespmem:s13], [sflag:$0x5], $0x80, s7, s16, $0xb8;
	[tilespmem:$0x1CB00] =	vst v63  }
0x99: {  	_ =	swait.ge [sflag:s21], $0x800  }
0x9a: {  	[sflag:s21] =	ssyncset.done $0x0  }
0x9b: {  	[sflag:s21] =	ssyncadd.s32 $0xFFFFF800  }
0x9c: {  	[bflag:$0x0] =	sbarrier.arrive $0xFFFF  }
0x9d: {  	s15 =	rddreg [dreg:$0x6]  }
0x9e: {  	[hbm:s15], [sflag:s8] =	dma.local [spmem:s20], $0x2800  }
0x9f: {  	_ =	swait.ge [sflag:s21], $0x2800  }
0xa0: {  	s14 =	sadd.s32 $0x1, s14;
	s16 =	rddreg [dreg:$0x7]  }
0xa1: {  	p0 =	sne.s32 s14, s16  }
.Ltmp1:
0xa2: {  	_ = 	snop;
	(pc) =	sbr.rel @p0 .LBB2_1-.Ltmp1, $3  }
0xa3: {  	_ =	sdelay $0x1  }
0xa4: {  	[sflag:s21] =	ssyncset.done $0x0  }
0xa5: {  	[sflag:s21] =	ssyncadd.s32 $0xFFFFD800  }
0xa6: {  	_ =	sfence.sel $0x180000  }
0xa7: {  	[bflag:$0x0] =	sbarrier.arrive $0xFFFF  }
0xa8: {  	_ =	strace $0x90000047  }
0xa9: {  	s0 =	stileid.u32;
	[bflag:$0x2] =	sbarrier.arrive $0xFFFF  }
0xaa: {  	p0 =	sne.s32 s0, $0x0;
	s0 =	rddreg [dreg:$0x2]  }
0xab: {  	s0 =	sadd.s32 @!p0 $0x100000, s0  }
0xac: {  	[sflag:s0] =	ssyncadd.tile.s32 @!p0 $0x1;
	_ =	shalt  }
.Lfunc_end2:
_tile_overlayer_lowered:
.L_overlay_start_2:
0xad: {  	(tag) =	ssettag $0x2  }
0xae: {  	s0 =	rddreg [dreg:$0x0];
	s2 =	stileid.u32  }
0xaf: {  	s1 =	rddreg [dreg:$0x1];
	p0 =	sne.s32 s2, $0x0  }
0xb0: {  	s3 =	rddreg [dreg:$0x2];
	[bflag:$0x3] =	sbarrier.arrive $0xFFFF;
	s2 =	simm.s32 @!p0 $0x1C05  }
0xb1: {  	[timem:s3], [sflag:s2] =	dma.local @!p0 [hbm:s0], s1  }
0xb2: {  	s0 =	simm.s32 @!p0 $0x5  }
0xb3: {  	_ =	swait.ge @!p0 [sflag:s0], s1  }
0xb4: {  	s1 =	ssub.s32 @!p0 $0x0, s1;
	[sflag:s0] =	ssyncset.done @!p0 $0x0  }
0xb5: {  	[sflag:s0] =	ssyncadd.s32 @!p0 s1  }
0xb6: {  	[bflag:$0x3] =	sbarrier.arrive $0xFFFF  }
0xb7: {  	_ =	shalt  }

// kernel: sc_sage_agg.8.cloned.1.call-start
scs
__scs_entry_jumppad:
0x0: {  	(pc) =	sbr.rel $0x88, $3  }
0x1: {  	(tag) =	ssettag $0x0;
	lr =	simm.s32 $0x1  }
0x2: {  	[smem:$0x3F96] =	sst lr;
	_ =	strace $0xD0000000  }
0x3: {  	_ = 	snop  }
0x4: {  	_ = 	snop  }
0x5: {  	_ = 	snop  }
0x6: {  	_ = 	snop  }
0x7: {  	_ = 	snop  }
__scs_overlays_trampoline_lowered:
0x8: {  	[smem:$0x3FA5] =	sst s0  }
0x9: {  	[smem:$0x3FA6] =	sst s1  }
0xa: {  	[smem:$0x3FA7] =	sst s2  }
0xb: {  	[smem:$0x3FA8] =	sst s3  }
0xc: {  	[smem:$0x3FA9] =	sst s4  }
0xd: {  	[smem:$0x3FAA] =	sst s5  }
0xe: {  	[smem:$0x3FAB] =	sst s6  }
0xf: {  	[smem:$0x3FAC] =	sst s7  }
0x10: {  	[smem:$0x3FAD] =	sst s8  }
0x11: {  	[smem:$0x3FAE] =	sst s9;
	s0 =	simm.s32 @!p0 $0x0  }
0x12: {  	s1 =	sld [smem:$0x3F94];
	s0 =	simm.s32 @p0 $0x1  }
0x13: {  	[smem:$0x3FAF] =	sst s0;
	s0 =	simm.s32 @!p1 $0x0  }
0x14: {  	s2 =	sld [smem:$0x3F93];
	s0 =	simm.s32 @p1 $0x1  }
0x15: {  	[smem:$0x3FB0] =	sst s0;
	s0 =	simm.s32 @!p2 $0x0  }
0x16: {  	s3 =	sld [smem:$0x3FDB];
	s0 =	simm.s32 @p2 $0x1  }
0x17: {  	s4 =	simm.s32 $0x1BF5;
	[smem:$0x3FB2] =	sst s0  }
0x18: {  	s0 =	sld [smem:$0x3F95];
	_ =	swait.ge [sflag:s4], $0x0  }
0x19: {  	s7 =	sld [smem:$0x3F96]  }
0x1a: {  	s8 =	sadd.s32 $0xFFFFE003, lr  }
0x1b: {  	s9 =	sadd.s32 $0xFFFFFEF7, lr;
	s5 =	simm.s32 $0xFFFFFFFF;
	p2 =	slt.u32 s8, $0xFFFFF086  }
0x1c: {  	p1 =	slt.u32 s9, $0xF7A;
	s5 =	simm.s32 @!p2 $0x0  }
0x1d: {  	s5 =	simm.s32 @p1 $0x1;
	p0 =	seq.s32 s7, s2  }
0x1e: {  	s7 =	smul.u32 @!p0 $0xF7A, s2;
	p2 =	seq.s32 @!p0 s5, $0x0  }
0x1f: {  	s9 =	smul.u32 $0xF7A, s1;
	s8 =	simm.s32 @!p0 $0x1BF5;
	p2 =	por !p2, p0  }
0x20: {  	[sflag:s8] =	ssyncset.s32 @!p0 $0xFFFFF086;
	s6 =	sadd.s32 @!p0 s3, s7;
	s7 =	simm.s32 @!p0 $0x108  }
0x21: {  	s3 =	sadd.s32 s3, s9;
	s6 =	sadd.s32 @!p0 $0x88, s6;
	s7 =	simm.s32 @p2 $0x1082  }
0x22: {  	[simem:s7], [sflag:s8] =	dma.local @!p0 [hbm:s6], $0xF7A  }
0x23: {  	s9 =	sor.u32 $0xD0000000, s2;
	s6 =	simm.s32 $0x108;
	_ =	swait.ge @!p0 [sflag:s8], $0x0  }
0x24: {  	s3 =	sadd.s32 $0x88, s3;
	s6 =	simm.s32 @!p1 $0x1082;
	[sflag:s4] =	ssyncset.s32 $0xFFFFF086  }
0x25: {  	[simem:s6], [sflag:s4] =	dma.local [hbm:s3], $0xF7A  }
0x26: {  	[smem:$0x3F96] =	sst s1;
	(tag) =	ssettag s2;
	_ =	strace s9  }
0x27: {  	s1 =	sld [smem:$0x3FA6]  }
0x28: {  	s2 =	sld [smem:$0x3FA7]  }
0x29: {  	s4 =	sld [smem:$0x3FA9]  }
0x2a: {  	p0 =	seq.s32 s5, $0x0;
	s5 =	sld [smem:$0x3FAA]  }
0x2b: {  	s6 =	sld [smem:$0x3FAB]  }
0x2c: {  	s7 =	sld [smem:$0x3FAC]  }
0x2d: {  	s3 =	simm.s32 $0x108;
	s8 =	sld [smem:$0x3FAD]  }
0x2e: {  	s3 =	simm.s32 @!p0 $0x1082;
	s9 =	sld [smem:$0x3FAE]  }
0x2f: {  	lr =	sadd.s32 s0, s3;
	s0 =	sld [smem:$0x3FA5]  }
0x30: {  	s3 =	sld [smem:$0x3FA8]  }
0x31: {  	[smem:$0x3FB1] =	sst s10  }
0x32: {  	s10 =	sld [smem:$0x3FAF];
	_ =	sdelay $0x3  }
0x33: {  	p0 =	seq.s32 s10, $0x1;
	s10 =	sld [smem:$0x3FB1];
	_ =	sdelay $0x3  }
0x34: {  	[smem:$0x3FB1] =	sst s10  }
0x35: {  	s10 =	sld [smem:$0x3FB0];
	_ =	sdelay $0x3  }
0x36: {  	p1 =	seq.s32 s10, $0x1;
	s10 =	sld [smem:$0x3FB1];
	_ =	sdelay $0x3  }
0x37: {  	[smem:$0x3FB1] =	sst s10  }
0x38: {  	s10 =	sld [smem:$0x3FB2]  }
0x39: {  	_ = 	snop;
	(pc) =	sbr.ind lr, $3  }
0x3a: {  	_ = 	snop  }
0x3b: {  	_ = 	snop  }
0x3c: {  	p2 =	seq.s32 s10, $0x1;
	s10 =	sld [smem:$0x3FB1]  }
0x3d: {  	_ =	shalt  }
0x3e: {  	_ =	shalt  }
0x3f: {  	_ =	shalt  }
0x40: {  	_ =	shalt  }
0x41: {  	_ =	shalt  }
0x42: {  	_ =	shalt  }
0x43: {  	_ =	shalt  }
0x44: {  	_ =	shalt  }
0x45: {  	_ =	shalt  }
0x46: {  	_ =	shalt  }
0x47: {  	_ =	shalt  }
0x48: {  	_ =	shalt  }
0x49: {  	_ =	shalt  }
0x4a: {  	_ =	shalt  }
0x4b: {  	_ =	shalt  }
0x4c: {  	_ =	shalt  }
0x4d: {  	_ =	shalt  }
0x4e: {  	_ =	shalt  }
0x4f: {  	_ =	shalt  }
0x50: {  	_ =	shalt  }
0x51: {  	_ =	shalt  }
0x52: {  	_ =	shalt  }
0x53: {  	_ =	shalt  }
0x54: {  	_ =	shalt  }
0x55: {  	_ =	shalt  }
0x56: {  	_ =	shalt  }
0x57: {  	_ =	shalt  }
0x58: {  	_ =	shalt  }
0x59: {  	_ =	shalt  }
0x5a: {  	_ =	shalt  }
0x5b: {  	_ =	shalt  }
0x5c: {  	_ =	shalt  }
0x5d: {  	_ =	shalt  }
0x5e: {  	_ =	shalt  }
0x5f: {  	_ =	shalt  }
0x60: {  	_ =	shalt  }
0x61: {  	_ =	shalt  }
0x62: {  	_ =	shalt  }
0x63: {  	_ =	shalt  }
0x64: {  	_ =	shalt  }
0x65: {  	_ =	shalt  }
0x66: {  	_ =	shalt  }
0x67: {  	_ =	shalt  }
0x68: {  	_ =	shalt  }
0x69: {  	_ =	shalt  }
0x6a: {  	_ =	shalt  }
0x6b: {  	_ =	shalt  }
0x6c: {  	_ =	shalt  }
0x6d: {  	_ =	shalt  }
0x6e: {  	_ =	shalt  }
0x6f: {  	_ =	shalt  }
0x70: {  	_ =	shalt  }
0x71: {  	_ =	shalt  }
0x72: {  	_ =	shalt  }
0x73: {  	_ =	shalt  }
0x74: {  	_ =	shalt  }
0x75: {  	_ =	shalt  }
0x76: {  	_ =	shalt  }
0x77: {  	_ =	shalt  }
0x78: {  	_ =	shalt  }
0x79: {  	_ =	shalt  }
0x7a: {  	_ =	shalt  }
0x7b: {  	_ =	shalt  }
0x7c: {  	_ =	shalt  }
0x7d: {  	_ =	shalt  }
0x7e: {  	_ =	shalt  }
0x7f: {  	_ =	shalt  }
0x80: {  	_ =	shalt  }
0x81: {  	_ =	shalt  }
0x82: {  	_ =	shalt  }
0x83: {  	_ =	shalt  }
0x84: {  	_ =	shalt  }
0x85: {  	_ =	shalt  }
0x86: {  	_ =	shalt  }
0x87: {  	_ =	shalt  }
.Lfunc_end0:
.L_simem_size_0:
called_computation.2_lowered:
.L_overlay_start_0:
0x88: {  	s2 =	sld [smem:$0x3FD9]  }
0x89: {  	s3 =	sld [smem:$0x3FFE];
	_ =	sdelay $0x1  }
0x8a: {  	s1 =	srdreg.scid  }
0x8b: {  	s0 =	sand.u32 $0x1, s1  }
0x8c: {  	s16 =	sshll.u32 s0, $0xA;
	s2 =	sadd.s32 s3, s2  }
0x8d: {  	s2 =	sadd.s32 s2, s16  }
0x8e: {  	[smem:$0x3FBD] =	sst s2  }
0x8f: {  	_ = 	snop  }
0x90: {  	(tm) =	ssettm $0x1  }
0x91: {  	s17 =	sld [smem:$0x3FFB];
	_ =	sdelay $0x3  }
0x92: {  	_ =	strace s17  }
0x93: {  	s2 =	sld [smem:$0x3FFC];
	_ =	sdelay $0x3  }
0x94: {  	_ =	strace s2  }
0x95: {  	s2 =	sld [smem:$0x3FFD];
	_ =	sdelay $0x3  }
0x96: {  	_ =	strace s2  }
0x97: {  	_ =	strace $0x8FFFFFFF  }
0x98: {  	s18 =	sld [smem:$0x3FDB];
	_ =	sdelay $0x1  }
0x99: {  	s19 =	simm.s32 $_scs_section_size  }
0x9a: {  	s4 =	simm.s32 $_size__tile_overlayer_lowered;
	s5 =	simm.s32 $_tile_overlayer_lowered  }
0x9b: {  	s22 =	simm.s32 $0x1BFF;
	s21 =	sshll.u32 s5, $0x1;
	s2 =	sadd.s32 s19, s18  }
0x9c: {  	s6 =	simm.s32 $0x0;
	s20 =	sshll.u32 s4, $0x1;
	s4 =	sadd.s32 s21, s2  }
0x9d: {  	[timem:s6], [sflag:s22] =	dma.local [hbm:s4], s20  }
0x9e: {  	_ =	swait.ge [sflag:s22], s20  }
0x9f: {  	s3 =	ssub.s32 $0x0, s20;
	[sflag:s22] =	ssyncset.done $0x0  }
0xa0: {  	[sflag:s22] =	ssyncadd.s32 s3;
	_ =	sdelay $0x1  }
0xa1: {  	s23 =	simm.s32 $0x1B8B  }
0xa2: {  	_ =	swait.ge [sflag:s23], $0x1  }
0xa3: {  	[sflag:s23] =	ssyncset.done $0x0  }
0xa4: {  	s25 =	simm.s32 $0x1B8E;
	s24 =	sld [smem:$0x3FFE];
	[sflag:s23] =	ssyncadd.s32 $0xFFFFFFFF  }
0xa5: {  	s26 =	simm.s32 $execute0_lowered;
	[smem:$0x3FD2] =	sst s25  }
0xa6: {  	s4 =	sshll.u32 s26, $0x1;
	_ =	strace $0x8000004C;
	[dreg:$0x1] =	wrdreg $0xFFFFFFFF  }
0xa7: {  	s28 =	simm.s32 $_size_execute0_lowered;
	s2 =	sadd.s32 s2, s4;
	[dreg:$0x0] =	wrdreg $0x0  }
0xa8: {  	s4 =	sshll.u32 s28, $0x1;
	[dreg:$0x2] =	wrdreg s2  }
0xa9: {  	[dreg:$0x3] =	wrdreg s4  }
0xaa: {  	[dreg:$0x4] =	wrdreg $0xC0  }
0xab: {  	_ =	task [dreg:s6], $0x5FFFF  }
0xac: {  	[dreg:$0x1] =	wrdreg $0xFFFFFFFF  }
0xad: {  	[dreg:$0x0] =	wrdreg $0x60  }
0xae: {  	[dreg:$0x2] =	wrdreg s24  }
0xaf: {  	[dreg:$0x3] =	wrdreg $0x8B000  }
0xb0: {  	[dreg:$0x4] =	wrdreg $0x9  }
0xb1: {  	_ =	task.clear_ibuf [dreg:s6], $0x5FFFF;
	_ =	strace $0x9000004C  }
0xb2: {  	s29 =	simm.s32 $0x9;
	_ =	strace $0x8000004E  }
0xb3: {  	_ =	swait.ge [sflag:s29], $0x1  }
0xb4: {  	[sflag:s29] =	ssyncadd.s32 $0xFFFFFFFF  }
0xb5: {  	_ =	strace $0x9000004E  }
0xb6: {  	_ =	sfence  }
0xb7: {  	s30 =	sld [smem:$0x0];
	_ =	sdelay $0x2  }
0xb8: {  	s31 =	sshll.u32 s1, $0xD;
	s1 =	sshrl.u32 s1, $0x2  }
0xb9: {  	s3 =	sand.u32 $0x4000, s31;
	s1 =	sadd.s32 s1, s30  }
0xba: {  	s0 =	sor.u32 s3, s0;
	s1 =	sshll.u32 s1, $0x11  }
0xbb: {  	s0 =	sor.u32 s1, s0  }
0xbc: {  	s0 =	sadd.s32 $0x8F2B, s0  }
0xbd: {  	[sflag:s0] =	ssyncadd.remote.s32 $0x1  }
0xbe: {  	_ =	sfence.sel $0xFFFF  }
0xbf: {  	[dreg:$0x0] =	wrdreg $0xFFFFFFFF;
	(pc) =	sbr.abs _section_cstart, $3  }
0xc0: {  	[dreg:$0x1] =	wrdreg $0xFFFFFFFF  }
0xc1: {  	_ =	task.clear_ibuf [dreg:s6], $0x2FFFF;
	_ =	strace $0x9FFFFFFF  }
0xc2: {  	(tm) =	ssettm $0x7FFFFFFF  }
0xc3: {  	_ =	shalt  }
tec
execute0_lowered:
.L_overlay_start_1:
0x0: {  	(tag) =	ssettag $0x1  }
0x1: {  	s0 =	rddreg [dreg:$0x0]  }
0x2: {  	s1 =	rddreg [dreg:$0x1]  }
0x3: {  	s2 =	srdreg.scid;
	s3 =	simm.s32 $0x0;
	s11 =	stileid.u32  }
0x4: {  	s28 =	simm.s32 $0x3;
	s29 =	simm.s32 $0x4;
	s30 =	simm.s32 $0x1  }
0x5: {  	s31 =	simm.s32 $0x2;
	s2 =	sand.u32 $0x1, s2;
	s8 =	smul.u32 $0x14000, s11  }
0x6: {  	[smem:$0x7FF] =	sst s3;
	s4 =	sadd.s32 $0x17400, s0;
	s21 =	smul.u32 $0x50000, s11  }
0x7: {  	s5 =	sadd.s32 $0xD600, s0;
	s6 =	sadd.s32 $0x3800, s0;
	s12 =	smul.u32 $0x2710, s11  }
0x8: {  	s9 =	sadd.s32 $0x3F400, s0;
	s23 =	sshll.u32 s11, $0x6;
	s7 =	smul.u32 $0x140000, s2  }
0x9: {  	_ =	strace $0x8000004D;
	[dreg:$0x3] =	wrdreg s9;
	s22 =	ssub.s32 $0x2, s2  }
0xa: {  	s20 =	sshll.u32 s2, $0x4;
	s2 =	smul.u32 $0x27100, s2;
	s10 =	sshrl.u32 s22, $0x1  }
0xb: {  	s9 =	sshrl.u32 s21, $0x2;
	s21 =	simm.s32 $0x5;
	s7 =	sadd.s32 s8, s7  }
0xc: {  	s8 =	sor.u32 s11, s20;
	s13 =	sadd.s32 s9, s1;
	s2 =	sadd.s32 s12, s2  }
0xd: {  	s7 =	sshrl.u32 s7, $0x3;
	s8 =	smul.u32 $0x2710, s8;
	s24 =	sadd.s32 $0x180, s2  }
0xe: {  	s19 =	sadd.s32 $0x100, s2;
	s20 =	sshrl.u32 s13, $0x3;
	s13 =	simm.s32 $0x8300  }
0xf: {  	s0 =	sadd.s32 s7, s0;
	s7 =	ssub.s32 s22, s10;
	s25 =	sshrl.u32 s24, $0x3  }
0x10: {  	s22 =	simm.s32 $0x100;
	s24 =	simm.s32 $0x200;
	s14 =	sshrl.u32 s8, $0x3  }
0x11: {  	s8 =	sor.u32 $0x1C05, s23;
	s0 =	sadd.s32 $0x41C00, s0;
	s26 =	smax.u32 s7, $0x1  }
0x12: {  	s17 =	sadd.s32 s25, s6;
	s18 =	sadd.s32 s25, s5;
	s23 =	simm.s32 $0x80  }
0x13: {  	s25 =	simm.s32 $0x180;
	s9 =	sadd.s32 s5, s14;
	s15 =	sadd.s32 $0x10, s14  }
0x14: {  	s10 =	sadd.s32 s6, s14;
	s14 =	sadd.s32 $0x4E0, s14;
	[dreg:$0x6] =	wrdreg s0  }
0x15: {  	[dreg:$0x7] =	wrdreg s26;
	s26 =	simm.s32 $0x4200;
	s16 =	sadd.s32 s5, s14  }
0x16: {  	s11 =	sadd.s32 s5, s15;
	s14 =	sadd.s32 s6, s14;
	[dreg:$0x4] =	wrdreg s16  }
0x17: {  	s12 =	sadd.s32 s6, s15;
	[dreg:$0x5] =	wrdreg s14;
	s14 =	simm.s32 $0x0  }
.LBB2_1:
0x18: {  	s0 =	rddreg [dreg:$0x3]  }
0x19: {  	[spmem:s20], [sflag:s8] =	dma.local [hbm:s0], $0x2800  }
0x1a: {  	_ =	swait.ge [sflag:s21], $0x2800  }
0x1b: {  	[sflag:s21] =	ssyncset.done $0x0  }
0x1c: {  	[sflag:s21] =	ssyncadd.s32 $0xFFFFD800  }
0x1d: {  	[bflag:$0x0] =	sbarrier.arrive $0xFFFF  }
0x1e: {  	[tilespmem:s3], [sflag:$0x5] =	stream.linear.gather [hbm4b:s9+s3], $0x80, $0x38;
	[tilespmem:$0x1CB00] =	vst v63  }
0x1f: {  	_ =	swait.ge [sflag:s21], $0x80  }
0x20: {  	[sflag:s21] =	ssyncset.done $0x0  }
0x21: {  	[sflag:s21] =	ssyncadd.s32 $0xFFFFFF80  }
0x22: {  	[tilespmem:s22], [sflag:$0x5] =	stream.linear.gather [hbm4b:s10+s3], $0x80, $0x38;
	[tilespmem:$0x1CB00] =	vst v63  }
0x23: {  	_ =	swait.ge [sflag:s21], $0x80  }
0x24: {  	[sflag:s21] =	ssyncset.done $0x0  }
0x25: {  	[sflag:s21] =	ssyncadd.s32 $0xFFFFFF80  }
0x26: {  	[tilespmem:s24], [sflag:$0x3] =	stream.indirect.gather [hbm4b:s4+s23], $0x80, s3, s23, $0xb8;
	[tilespmem:$0x1CB00] =	vst v63  }
0x27: {  	_ = 	snop  }
0x28: {  	[tilespmem:s23], [sflag:$0x5] =	stream.linear.gather [hbm4b:s11+s3], $0x80, $0x38;
	[tilespmem:$0x1CB00] =	vst v63  }
0x29: {  	_ =	swait.ge [sflag:s21], $0x80  }
0x2a: {  	[sflag:s21] =	ssyncset.done $0x0  }
0x2b: {  	[sflag:s21] =	ssyncadd.s32 $0xFFFFFF80  }
0x2c: {  	[tilespmem:s25], [sflag:$0x5] =	stream.linear.gather [hbm4b:s12+s3], $0x80, $0x38;
	[tilespmem:$0x1CB00] =	vst v63  }
0x2d: {  	_ =	swait.ge [sflag:s21], $0x80  }
0x2e: {  	[sflag:s21] =	ssyncset.done $0x0  }
0x2f: {  	[sflag:s21] =	ssyncadd.s32 $0xFFFFFF80  }
0x30: {  	[tilespmem:s26], [sflag:$0x4] =	stream.indirect.gather [hbm4b:s4+s23], $0x80, s23, s23, $0xb8;
	[tilespmem:$0x1CB00] =	vst v63  }
0x31: {  	_ =	swait.ge [sflag:s28], $0x4000  }
0x32: {  	[sflag:s28] =	ssyncset.done $0x0  }
0x33: {  	[sflag:s28] =	ssyncadd.s32 $0xFFFFC000  }
0x34: {  	[spmem:s1] =	stream.indirect.scatter.add.f32 [tilespmem:s24], [sflag:$0x5], $0x80, s22, s23, $0xb8;
	[tilespmem:$0x1CB00] =	vst v63  }
0x35: {  	_ =	swait.ge [sflag:s21], $0x4000  }
0x36: {  	s15 =	sshrl.u32 s19, $0x3;
	[sflag:s21] =	ssyncset.done $0x0  }
0x37: {  	s16 =	sadd.s32 s5, s15;
	[sflag:s21] =	ssyncadd.s32 $0xFFFFC000  }
0x38: {  	[tilespmem:s3], [sflag:$0x1] =	stream.linear.gather [hbm4b:s16+s3], $0x80, $0x38;
	[tilespmem:$0x1CB00] =	vst v63  }
0x39: {  	s15 =	sadd.s32 s6, s15  }
0x3a: {  	[tilespmem:s22], [sflag:$0x1] =	stream.linear.gather [hbm4b:s15+s3], $0x80, $0x38;
	[tilespmem:$0x1CB00] =	vst v63  }
0x3b: {  	_ =	swait.ge [sflag:s29], $0x4000  }
0x3c: {  	[sflag:s29] =	ssyncset.done $0x0  }
0x3d: {  	[sflag:s29] =	ssyncadd.s32 $0xFFFFC000  }
0x3e: {  	[spmem:s1] =	stream.indirect.scatter.add.f32 [tilespmem:s26], [sflag:$0x5], $0x80, s25, s23, $0xb8;
	[tilespmem:$0x1CB00] =	vst v63  }
0x3f: {  	_ =	swait.ge [sflag:s21], $0x4000  }
0x40: {  	[sflag:s21] =	ssyncset.done $0x0  }
0x41: {  	s7 =	sadd.s32 $0x0, s18;
	[sflag:s21] =	ssyncadd.s32 $0xFFFFC000  }
0x42: {  	[tilespmem:s23], [sflag:$0x2] =	stream.linear.gather [hbm4b:s7+s3], $0x80, $0x38;
	[tilespmem:$0x1CB00] =	vst v63  }
0x43: {  	s16 =	sadd.s32 $0x0, s17  }
0x44: {  	[tilespmem:s25], [sflag:$0x2] =	stream.linear.gather [hbm4b:s16+s3], $0x80, $0x38;
	[tilespmem:$0x1CB00] =	vst v63  }
0x45: {  	_ =	swait.ge [sflag:s30], $0x100  }
0x46: {  	[sflag:s30] =	ssyncset.done $0x0  }
0x47: {  	[sflag:s30] =	ssyncadd.s32 $0xFFFFFF00  }
0x48: {  	[tilespmem:s24], [sflag:$0x3] =	stream.indirect.gather [hbm4b:s4+s23], $0x80, s3, s23, $0xb8;
	[tilespmem:$0x1CB00] =	vst v63  }
0x49: {  	_ =	swait.ge [sflag:s31], $0x100  }
0x4a: {  	[sflag:s31] =	ssyncset.done $0x0  }
0x4b: {  	s15 =	simm.s32 $0x20;
	s16 =	sadd.s32 $0x100, s19;
	[sflag:s31] =	ssyncadd.s32 $0xFFFFFF00  }
.LBB2_2:
0x4c: {  	[tilespmem:s26], [sflag:$0x4] =	stream.indirect.gather [hbm4b:s4+s23], $0x80, s23, s23, $0xb8;
	[tilespmem:$0x1CB00] =	vst v63  }
0x4d: {  	s0 =	smov.u32 s15  }
0x4e: {  	p0 =	sne.s32 s15, $0x4A0;
	s15 =	sadd.s32 $0x20, s15;
	_ =	swait.ge [sflag:s28], $0x4000  }
0x4f: {  	[sflag:s28] =	ssyncset.done $0x0  }
0x50: {  	[sflag:s28] =	ssyncadd.s32 $0xFFFFC000  }
0x51: {  	[spmem:s1] =	stream.indirect.scatter.add.f32 [tilespmem:s24], [sflag:$0x5], $0x80, s22, s23, $0xb8;
	[tilespmem:$0x1CB00] =	vst v63  }
0x52: {  	_ =	swait.ge [sflag:s21], $0x4000  }
0x53: {  	s2 =	sshrl.u32 s16, $0x3;
	[sflag:s21] =	ssyncset.done $0x0  }
0x54: {  	s7 =	sadd.s32 s5, s2;
	[sflag:s21] =	ssyncadd.s32 $0xFFFFC000  }
0x55: {  	[tilespmem:s3], [sflag:$0x1] =	stream.linear.gather [hbm4b:s7+s3], $0x80, $0x38;
	[tilespmem:$0x1CB00] =	vst v63  }
0x56: {  	s2 =	sadd.s32 s6, s2  }
0x57: {  	[tilespmem:s22], [sflag:$0x1] =	stream.linear.gather [hbm4b:s2+s3], $0x80, $0x38;
	[tilespmem:$0x1CB00] =	vst v63  }
0x58: {  	_ =	swait.ge [sflag:s29], $0x4000  }
0x59: {  	[sflag:s29] =	ssyncset.done $0x0  }
0x5a: {  	[sflag:s29] =	ssyncadd.s32 $0xFFFFC000  }
0x5b: {  	[spmem:s1] =	stream.indirect.scatter.add.f32 [tilespmem:s26], [sflag:$0x5], $0x80, s25, s23, $0xb8;
	[tilespmem:$0x1CB00] =	vst v63  }
0x5c: {  	_ =	swait.ge [sflag:s21], $0x4000  }
0x5d: {  	[sflag:s21] =	ssyncset.done $0x0  }
0x5e: {  	s2 =	sadd.s32 s0, s18;
	[sflag:s21] =	ssyncadd.s32 $0xFFFFC000  }
0x5f: {  	[tilespmem:s23], [sflag:$0x2] =	stream.linear.gather [hbm4b:s2+s3], $0x80, $0x38;
	[tilespmem:$0x1CB00] =	vst v63  }
0x60: {  	s0 =	sadd.s32 s0, s17  }
0x61: {  	[tilespmem:s25], [sflag:$0x2] =	stream.linear.gather [hbm4b:s0+s3], $0x80, $0x38;
	[tilespmem:$0x1CB00] =	vst v63  }
0x62: {  	_ =	swait.ge [sflag:s30], $0x100  }
0x63: {  	[sflag:s30] =	ssyncset.done $0x0  }
.Ltmp0:
0x64: {  	[sflag:s30] =	ssyncadd.s32 $0xFFFFFF00;
	(pc) =	sbr.rel @p0 .LBB2_2-.Ltmp0, $4  }
0x65: {  	[tilespmem:s24], [sflag:$0x3] =	stream.indirect.gather [hbm4b:s4+s23], $0x80, s3, s23, $0xb8;
	[tilespmem:$0x1CB00] =	vst v63  }
0x66: {  	_ =	swait.ge [sflag:s31], $0x100  }
0x67: {  	[sflag:s31] =	ssyncset.done $0x0  }
0x68: {  	s16 =	sadd.s32 $0x100, s16;
	[sflag:s31] =	ssyncadd.s32 $0xFFFFFF00  }
0x69: {  	[tilespmem:s26], [sflag:$0x4] =	stream.indirect.gather [hbm4b:s4+s23], $0x80, s23, s23, $0xb8;
	[tilespmem:$0x1CB00] =	vst v63  }
0x6a: {  	_ =	swait.ge [sflag:s28], $0x4000  }
0x6b: {  	[sflag:s28] =	ssyncset.done $0x0  }
0x6c: {  	[sflag:s28] =	ssyncadd.s32 $0xFFFFC000  }
0x6d: {  	[spmem:s1] =	stream.indirect.scatter.add.f32 [tilespmem:s24], [sflag:$0x5], $0x80, s22, s23, $0xb8;
	[tilespmem:$0x1CB00] =	vst v63  }
0x6e: {  	_ =	swait.ge [sflag:s21], $0x4000  }
0x6f: {  	[sflag:s21] =	ssyncset.done $0x0  }
0x70: {  	[sflag:s21] =	ssyncadd.s32 $0xFFFFC000  }
0x71: {  	[tilespmem:s3], [sflag:$0x1] =	stream.linear.gather [hbm4b:s9+s3], $0x80, $0x38;
	[tilespmem:$0x1CB00] =	vst v63  }
0x72: {  	_ = 	snop  }
0x73: {  	[tilespmem:s22], [sflag:$0x1] =	stream.linear.gather [hbm4b:s10+s3], $0x80, $0x38;
	[tilespmem:$0x1CB00] =	vst v63  }
0x74: {  	_ =	swait.ge [sflag:s29], $0x4000  }
0x75: {  	[sflag:s29] =	ssyncset.done $0x0  }
0x76: {  	[sflag:s29] =	ssyncadd.s32 $0xFFFFC000  }
0x77: {  	[spmem:s1] =	stream.indirect.scatter.add.f32 [tilespmem:s26], [sflag:$0x5], $0x80, s25, s23, $0xb8;
	[tilespmem:$0x1CB00] =	vst v63  }
0x78: {  	_ =	swait.ge [sflag:s21], $0x4000  }
0x79: {  	[sflag:s21] =	ssyncset.done $0x0  }
0x7a: {  	[sflag:s21] =	ssyncadd.s32 $0xFFFFC000  }
0x7b: {  	[tilespmem:s23], [sflag:$0x2] =	stream.linear.gather [hbm4b:s11+s3], $0x80, $0x38;
	[tilespmem:$0x1CB00] =	vst v63  }
0x7c: {  	_ = 	snop  }
0x7d: {  	[tilespmem:s25], [sflag:$0x2] =	stream.linear.gather [hbm4b:s12+s3], $0x80, $0x38;
	[tilespmem:$0x1CB00] =	vst v63  }
0x7e: {  	_ =	swait.ge [sflag:s30], $0x100  }
0x7f: {  	[sflag:s30] =	ssyncset.done $0x0  }
0x80: {  	[sflag:s30] =	ssyncadd.s32 $0xFFFFFF00  }
0x81: {  	[tilespmem:s24], [sflag:$0x3] =	stream.indirect.gather [hbm4b:s4+s23], $0x80, s3, s23, $0xb8;
	[tilespmem:$0x1CB00] =	vst v63  }
0x82: {  	_ =	swait.ge [sflag:s31], $0x100  }
0x83: {  	[sflag:s31] =	ssyncset.done $0x0  }
0x84: {  	[sflag:s31] =	ssyncadd.s32 $0xFFFFFF00  }
0x85: {  	[tilespmem:s26], [sflag:$0x4] =	stream.indirect.gather [hbm4b:s4+s23], $0x80, s23, s23, $0xb8;
	[tilespmem:$0x1CB00] =	vst v63  }
0x86: {  	_ =	swait.ge [sflag:s28], $0x4000  }
0x87: {  	[sflag:s28] =	ssyncset.done $0x0  }
0x88: {  	[sflag:s28] =	ssyncadd.s32 $0xFFFFC000  }
0x89: {  	_ =	swait.ge [sflag:s29], $0x4000  }
0x8a: {  	[sflag:s29] =	ssyncset.done $0x0  }
0x8b: {  	s2 =	simm.s32 $0x8200;
	s0 =	rddreg [dreg:$0x4];
	[sflag:s29] =	ssyncadd.s32 $0xFFFFC000  }
0x8c: {  	[tilespmem:s2], [sflag:$0x5] =	stream.linear.gather [hbm4b:s0+s3], $0x10, $0x38;
	[tilespmem:$0x1CB00] =	vst v63  }
0x8d: {  	_ =	swait.ge [sflag:s21], $0x10  }
0x8e: {  	[sflag:s21] =	ssyncset.done $0x0  }
0x8f: {  	s7 =	simm.s32 $0x8280;
	s15 =	rddreg [dreg:$0x5];
	[sflag:s21] =	ssyncadd.s32 $0xFFFFFFF0  }
0x90: {  	[tilespmem:s7], [sflag:$0x5] =	stream.linear.gather [hbm4b:s15+s3], $0x10, $0x38;
	[tilespmem:$0x1CB00] =	vst v63  }
0x91: {  	_ =	swait.ge [sflag:s21], $0x10  }
0x92: {  	[sflag:s21] =	ssyncset.done $0x0  }
0x93: {  	s16 =	simm.s32 $0x10;
	[sflag:s21] =	ssyncadd.s32 $0xFFFFFFF0  }
0x94: {  	[tilespmem:s13], [sflag:$0x3] =	stream.indirect.gather [hbm4b:s4+s16], $0x80, s2, s16, $0xb8;
	[tilespmem:$0x1CB00] =	vst v63  }
0x95: {  	_ =	swait.ge [sflag:s28], $0x800  }
0x96: {  	[sflag:s28] =	ssyncset.done $0x0  }
0x97: {  	[sflag:s28] =	ssyncadd.s32 $0xFFFFF800  }
0x98: {  	[spmem:s1] =	stream.indirect.scatter.add.f32 [tilespmem:s13], [sflag:$0x5], $0x80, s7, s16, $0xb8;
	[tilespmem:$0x1CB00] =	vst v63  }
0x99: {  	_ =	swait.ge [sflag:s21], $0x800  }
0x9a: {  	[sflag:s21] =	ssyncset.done $0x0  }
0x9b: {  	[sflag:s21] =	ssyncadd.s32 $0xFFFFF800  }
0x9c: {  	[bflag:$0x0] =	sbarrier.arrive $0xFFFF  }
0x9d: {  	s15 =	rddreg [dreg:$0x6]  }
0x9e: {  	[hbm:s15], [sflag:s8] =	dma.local [spmem:s20], $0x2800  }
0x9f: {  	_ =	swait.ge [sflag:s21], $0x2800  }
0xa0: {  	s14 =	sadd.s32 $0x1, s14;
	s16 =	rddreg [dreg:$0x7]  }
0xa1: {  	p0 =	sne.s32 s14, s16  }
.Ltmp1:
0xa2: {  	_ = 	snop;
	(pc) =	sbr.rel @p0 .LBB2_1-.Ltmp1, $3  }
0xa3: {  	_ =	sdelay $0x1  }
0xa4: {  	[sflag:s21] =	ssyncset.done $0x0  }
0xa5: {  	[sflag:s21] =	ssyncadd.s32 $0xFFFFD800  }
0xa6: {  	_ =	sfence.sel $0x180000  }
0xa7: {  	[bflag:$0x0] =	sbarrier.arrive $0xFFFF  }
0xa8: {  	_ =	strace $0x9000004D  }
0xa9: {  	s0 =	stileid.u32;
	[bflag:$0x2] =	sbarrier.arrive $0xFFFF  }
0xaa: {  	p0 =	sne.s32 s0, $0x0;
	s0 =	rddreg [dreg:$0x2]  }
0xab: {  	s0 =	sadd.s32 @!p0 $0x100000, s0  }
0xac: {  	[sflag:s0] =	ssyncadd.tile.s32 @!p0 $0x1;
	_ =	shalt  }
.Lfunc_end2:
_tile_overlayer_lowered:
.L_overlay_start_2:
0xad: {  	(tag) =	ssettag $0x2  }
0xae: {  	s0 =	rddreg [dreg:$0x0];
	s2 =	stileid.u32  }
0xaf: {  	s1 =	rddreg [dreg:$0x1];
	p0 =	sne.s32 s2, $0x0  }
0xb0: {  	s3 =	rddreg [dreg:$0x2];
	[bflag:$0x3] =	sbarrier.arrive $0xFFFF;
	s2 =	simm.s32 @!p0 $0x1C05  }
0xb1: {  	[timem:s3], [sflag:s2] =	dma.local @!p0 [hbm:s0], s1  }
0xb2: {  	s0 =	simm.s32 @!p0 $0x5  }
0xb3: {  	_ =	swait.ge @!p0 [sflag:s0], s1  }
0xb4: {  	s1 =	ssub.s32 @!p0 $0x0, s1;
	[sflag:s0] =	ssyncset.done @!p0 $0x0  }
0xb5: {  	[sflag:s0] =	ssyncadd.s32 @!p0 s1  }
0xb6: {  	[bflag:$0x3] =	sbarrier.arrive $0xFFFF  }
0xb7: {  	_ =	shalt  }

// kernel: sc_sage_deg.3.cloned.1.call-start
scs
__scs_entry_jumppad:
0x0: {  	(pc) =	sbr.rel $0x88, $3  }
0x1: {  	(tag) =	ssettag $0x0;
	lr =	simm.s32 $0x1  }
0x2: {  	[smem:$0x3F96] =	sst lr;
	_ =	strace $0xD0000000  }
0x3: {  	_ = 	snop  }
0x4: {  	_ = 	snop  }
0x5: {  	_ = 	snop  }
0x6: {  	_ = 	snop  }
0x7: {  	_ = 	snop  }
__scs_overlays_trampoline_lowered:
0x8: {  	[smem:$0x3FA5] =	sst s0  }
0x9: {  	[smem:$0x3FA6] =	sst s1  }
0xa: {  	[smem:$0x3FA7] =	sst s2  }
0xb: {  	[smem:$0x3FA8] =	sst s3  }
0xc: {  	[smem:$0x3FA9] =	sst s4  }
0xd: {  	[smem:$0x3FAA] =	sst s5  }
0xe: {  	[smem:$0x3FAB] =	sst s6  }
0xf: {  	[smem:$0x3FAC] =	sst s7  }
0x10: {  	[smem:$0x3FAD] =	sst s8  }
0x11: {  	[smem:$0x3FAE] =	sst s9;
	s0 =	simm.s32 @!p0 $0x0  }
0x12: {  	s1 =	sld [smem:$0x3F94];
	s0 =	simm.s32 @p0 $0x1  }
0x13: {  	[smem:$0x3FAF] =	sst s0;
	s0 =	simm.s32 @!p1 $0x0  }
0x14: {  	s2 =	sld [smem:$0x3F93];
	s0 =	simm.s32 @p1 $0x1  }
0x15: {  	[smem:$0x3FB0] =	sst s0;
	s0 =	simm.s32 @!p2 $0x0  }
0x16: {  	s3 =	sld [smem:$0x3FDB];
	s0 =	simm.s32 @p2 $0x1  }
0x17: {  	s4 =	simm.s32 $0x1BF5;
	[smem:$0x3FB2] =	sst s0  }
0x18: {  	s0 =	sld [smem:$0x3F95];
	_ =	swait.ge [sflag:s4], $0x0  }
0x19: {  	s7 =	sld [smem:$0x3F96]  }
0x1a: {  	s8 =	sadd.s32 $0xFFFFE003, lr  }
0x1b: {  	s9 =	sadd.s32 $0xFFFFFEF7, lr;
	s5 =	simm.s32 $0xFFFFFFFF;
	p2 =	slt.u32 s8, $0xFFFFF086  }
0x1c: {  	p1 =	slt.u32 s9, $0xF7A;
	s5 =	simm.s32 @!p2 $0x0  }
0x1d: {  	s5 =	simm.s32 @p1 $0x1;
	p0 =	seq.s32 s7, s2  }
0x1e: {  	s7 =	smul.u32 @!p0 $0xF7A, s2;
	p2 =	seq.s32 @!p0 s5, $0x0  }
0x1f: {  	s9 =	smul.u32 $0xF7A, s1;
	s8 =	simm.s32 @!p0 $0x1BF5;
	p2 =	por !p2, p0  }
0x20: {  	[sflag:s8] =	ssyncset.s32 @!p0 $0xFFFFF086;
	s6 =	sadd.s32 @!p0 s3, s7;
	s7 =	simm.s32 @!p0 $0x108  }
0x21: {  	s3 =	sadd.s32 s3, s9;
	s6 =	sadd.s32 @!p0 $0x88, s6;
	s7 =	simm.s32 @p2 $0x1082  }
0x22: {  	[simem:s7], [sflag:s8] =	dma.local @!p0 [hbm:s6], $0xF7A  }
0x23: {  	s9 =	sor.u32 $0xD0000000, s2;
	s6 =	simm.s32 $0x108;
	_ =	swait.ge @!p0 [sflag:s8], $0x0  }
0x24: {  	s3 =	sadd.s32 $0x88, s3;
	s6 =	simm.s32 @!p1 $0x1082;
	[sflag:s4] =	ssyncset.s32 $0xFFFFF086  }
0x25: {  	[simem:s6], [sflag:s4] =	dma.local [hbm:s3], $0xF7A  }
0x26: {  	[smem:$0x3F96] =	sst s1;
	(tag) =	ssettag s2;
	_ =	strace s9  }
0x27: {  	s1 =	sld [smem:$0x3FA6]  }
0x28: {  	s2 =	sld [smem:$0x3FA7]  }
0x29: {  	s4 =	sld [smem:$0x3FA9]  }
0x2a: {  	p0 =	seq.s32 s5, $0x0;
	s5 =	sld [smem:$0x3FAA]  }
0x2b: {  	s6 =	sld [smem:$0x3FAB]  }
0x2c: {  	s7 =	sld [smem:$0x3FAC]  }
0x2d: {  	s3 =	simm.s32 $0x108;
	s8 =	sld [smem:$0x3FAD]  }
0x2e: {  	s3 =	simm.s32 @!p0 $0x1082;
	s9 =	sld [smem:$0x3FAE]  }
0x2f: {  	lr =	sadd.s32 s0, s3;
	s0 =	sld [smem:$0x3FA5]  }
0x30: {  	s3 =	sld [smem:$0x3FA8]  }
0x31: {  	[smem:$0x3FB1] =	sst s10  }
0x32: {  	s10 =	sld [smem:$0x3FAF];
	_ =	sdelay $0x3  }
0x33: {  	p0 =	seq.s32 s10, $0x1;
	s10 =	sld [smem:$0x3FB1];
	_ =	sdelay $0x3  }
0x34: {  	[smem:$0x3FB1] =	sst s10  }
0x35: {  	s10 =	sld [smem:$0x3FB0];
	_ =	sdelay $0x3  }
0x36: {  	p1 =	seq.s32 s10, $0x1;
	s10 =	sld [smem:$0x3FB1];
	_ =	sdelay $0x3  }
0x37: {  	[smem:$0x3FB1] =	sst s10  }
0x38: {  	s10 =	sld [smem:$0x3FB2]  }
0x39: {  	_ = 	snop;
	(pc) =	sbr.ind lr, $3  }
0x3a: {  	_ = 	snop  }
0x3b: {  	_ = 	snop  }
0x3c: {  	p2 =	seq.s32 s10, $0x1;
	s10 =	sld [smem:$0x3FB1]  }
0x3d: {  	_ =	shalt  }
0x3e: {  	_ =	shalt  }
0x3f: {  	_ =	shalt  }
0x40: {  	_ =	shalt  }
0x41: {  	_ =	shalt  }
0x42: {  	_ =	shalt  }
0x43: {  	_ =	shalt  }
0x44: {  	_ =	shalt  }
0x45: {  	_ =	shalt  }
0x46: {  	_ =	shalt  }
0x47: {  	_ =	shalt  }
0x48: {  	_ =	shalt  }
0x49: {  	_ =	shalt  }
0x4a: {  	_ =	shalt  }
0x4b: {  	_ =	shalt  }
0x4c: {  	_ =	shalt  }
0x4d: {  	_ =	shalt  }
0x4e: {  	_ =	shalt  }
0x4f: {  	_ =	shalt  }
0x50: {  	_ =	shalt  }
0x51: {  	_ =	shalt  }
0x52: {  	_ =	shalt  }
0x53: {  	_ =	shalt  }
0x54: {  	_ =	shalt  }
0x55: {  	_ =	shalt  }
0x56: {  	_ =	shalt  }
0x57: {  	_ =	shalt  }
0x58: {  	_ =	shalt  }
0x59: {  	_ =	shalt  }
0x5a: {  	_ =	shalt  }
0x5b: {  	_ =	shalt  }
0x5c: {  	_ =	shalt  }
0x5d: {  	_ =	shalt  }
0x5e: {  	_ =	shalt  }
0x5f: {  	_ =	shalt  }
0x60: {  	_ =	shalt  }
0x61: {  	_ =	shalt  }
0x62: {  	_ =	shalt  }
0x63: {  	_ =	shalt  }
0x64: {  	_ =	shalt  }
0x65: {  	_ =	shalt  }
0x66: {  	_ =	shalt  }
0x67: {  	_ =	shalt  }
0x68: {  	_ =	shalt  }
0x69: {  	_ =	shalt  }
0x6a: {  	_ =	shalt  }
0x6b: {  	_ =	shalt  }
0x6c: {  	_ =	shalt  }
0x6d: {  	_ =	shalt  }
0x6e: {  	_ =	shalt  }
0x6f: {  	_ =	shalt  }
0x70: {  	_ =	shalt  }
0x71: {  	_ =	shalt  }
0x72: {  	_ =	shalt  }
0x73: {  	_ =	shalt  }
0x74: {  	_ =	shalt  }
0x75: {  	_ =	shalt  }
0x76: {  	_ =	shalt  }
0x77: {  	_ =	shalt  }
0x78: {  	_ =	shalt  }
0x79: {  	_ =	shalt  }
0x7a: {  	_ =	shalt  }
0x7b: {  	_ =	shalt  }
0x7c: {  	_ =	shalt  }
0x7d: {  	_ =	shalt  }
0x7e: {  	_ =	shalt  }
0x7f: {  	_ =	shalt  }
0x80: {  	_ =	shalt  }
0x81: {  	_ =	shalt  }
0x82: {  	_ =	shalt  }
0x83: {  	_ =	shalt  }
0x84: {  	_ =	shalt  }
0x85: {  	_ =	shalt  }
0x86: {  	_ =	shalt  }
0x87: {  	_ =	shalt  }
.Lfunc_end0:
.L_simem_size_0:
called_computation_lowered:
.L_overlay_start_0:
0x88: {  	s2 =	sld [smem:$0x3FD9]  }
0x89: {  	s3 =	sld [smem:$0x3FFE];
	_ =	sdelay $0x1  }
0x8a: {  	s1 =	srdreg.scid  }
0x8b: {  	s0 =	sand.u32 $0x1, s1  }
0x8c: {  	s17 =	sshll.u32 s0, $0xA;
	s2 =	sadd.s32 s3, s2  }
0x8d: {  	s2 =	sadd.s32 s2, s17  }
0x8e: {  	[smem:$0x3FBD] =	sst s2  }
0x8f: {  	_ = 	snop  }
0x90: {  	s18 =	sld [smem:$0x3FD0];
	(tm) =	ssettm $0x1  }
0x91: {  	s19 =	sld [smem:$0x3FFB];
	_ =	sdelay $0x3  }
0x92: {  	_ =	strace s19  }
0x93: {  	s2 =	sld [smem:$0x3FFC];
	_ =	sdelay $0x3  }
0x94: {  	_ =	strace s2  }
0x95: {  	s2 =	sld [smem:$0x3FFD];
	_ =	sdelay $0x3  }
0x96: {  	_ =	strace s2  }
0x97: {  	_ =	strace $0x8FFFFFFF  }
0x98: {  	s20 =	sld [smem:$0x3FDB];
	_ =	sdelay $0x1  }
0x99: {  	s4 =	simm.s32 $_scs_section_size  }
0x9a: {  	s5 =	simm.s32 $_size__tile_overlayer_lowered;
	s6 =	simm.s32 $_tile_overlayer_lowered  }
0x9b: {  	s7 =	simm.s32 $0x1BFF;
	s21 =	sshll.u32 s6, $0x1;
	s4 =	sadd.s32 s4, s20  }
0x9c: {  	s22 =	simm.s32 $0x0;
	s5 =	sshll.u32 s5, $0x1;
	s6 =	sadd.s32 s21, s4  }
0x9d: {  	[timem:s22], [sflag:s7] =	dma.local [hbm:s6], s5  }
0x9e: {  	_ =	swait.ge [sflag:s7], s5  }
0x9f: {  	s5 =	ssub.s32 $0x0, s5;
	[sflag:s7] =	ssyncset.done $0x0  }
0xa0: {  	[sflag:s7] =	ssyncadd.s32 s5;
	_ =	sdelay $0x1  }
0xa1: {  	s23 =	simm.s32 $0x1B8B  }
0xa2: {  	_ =	swait.ge [sflag:s23], $0x1  }
0xa3: {  	[sflag:s23] =	ssyncset.done $0x0  }
0xa4: {  	[sflag:s23] =	ssyncadd.s32 $0xFFFFFFFF  }
0xa5: {  	s5 =	sld [smem:$0x0]  }
0xa6: {  	s6 =	sand.u32 $0xFFFFFFFE, s1  }
0xa7: {  	p0 =	sne.s32 s1, s6  }
0xa8: {  	s6 =	sshll.u32 @p0 s6, $0xE  }
0xa9: {  	s6 =	sadd.s32 @p0 $0x11B8D, s6;
	s7 =	sshll.u32 @p0 s5, $0x11  }
0xaa: {  	s6 =	sor.u32 @p0 s7, s6  }
0xab: {  	[sflag:s6] =	ssyncadd.remote.s32 @p0 $0x1;
	_ =	sdelay $0x1  }
0xac: {  	s6 =	simm.s32 @p0 $0x1B8D  }
0xad: {  	_ =	swait.eq @p0 [sflag:s6], $0x1  }
0xae: {  	[sflag:s6] =	ssyncadd.s32 @p0 $0xFFFFFFFF  }
0xaf: {  	s7 =	sshll.u32 @!p0 s1, $0xE  }
0xb0: {  	s7 =	sor.u32 @!p0 $0x4000, s7;
	s6 =	simm.s32 @!p0 $0x1B8D  }
0xb1: {  	s5 =	sshll.u32 @!p0 s5, $0x11;
	s7 =	sadd.s32 @!p0 $0x11B8D, s7;
	_ =	swait.eq @!p0 [sflag:s6], $0x1  }
0xb2: {  	s5 =	sor.u32 @!p0 s5, s7;
	[sflag:s6] =	ssyncadd.s32 @!p0 $0xFFFFFFFF  }
0xb3: {  	s25 =	simm.s32 $0x1B8E;
	s24 =	sld [smem:$0x3FFE];
	[sflag:s5] =	ssyncadd.remote.s32 @!p0 $0x1  }
0xb4: {  	s26 =	simm.s32 $execute0_lowered;
	[smem:$0x3FD2] =	sst s25  }
0xb5: {  	s6 =	sshll.u32 s26, $0x1;
	_ =	strace $0x80000049;
	[dreg:$0x1] =	wrdreg $0xFFFFFFFF  }
0xb6: {  	s28 =	simm.s32 $_size_execute0_lowered;
	s4 =	sadd.s32 s4, s6;
	[dreg:$0x0] =	wrdreg $0x0  }
0xb7: {  	s6 =	sshll.u32 s28, $0x1;
	[dreg:$0x2] =	wrdreg s4  }
0xb8: {  	[dreg:$0x3] =	wrdreg s6  }
0xb9: {  	[dreg:$0x4] =	wrdreg $0xC0  }
0xba: {  	_ =	task [dreg:s22], $0x5FFFF  }
0xbb: {  	[dreg:$0x1] =	wrdreg $0xFFFFFFFF  }
0xbc: {  	[dreg:$0x0] =	wrdreg $0x60  }
0xbd: {  	[dreg:$0x2] =	wrdreg s24  }
0xbe: {  	[dreg:$0x3] =	wrdreg s18  }
0xbf: {  	[dreg:$0x4] =	wrdreg $0x9  }
0xc0: {  	_ =	task.clear_ibuf [dreg:s22], $0x5FFFF;
	_ =	strace $0x90000049  }
0xc1: {  	s29 =	simm.s32 $0x9;
	_ =	strace $0x8000004B  }
0xc2: {  	_ =	swait.ge [sflag:s29], $0x1  }
0xc3: {  	[sflag:s29] =	ssyncadd.s32 $0xFFFFFFFF  }
0xc4: {  	_ =	strace $0x9000004B  }
0xc5: {  	_ =	sfence  }
0xc6: {  	s30 =	sld [smem:$0x0];
	_ =	sdelay $0x2  }
0xc7: {  	s31 =	sshll.u32 s1, $0xD;
	s1 =	sshrl.u32 s1, $0x2  }
0xc8: {  	s4 =	sand.u32 $0x4000, s31;
	s1 =	sadd.s32 s1, s30  }
0xc9: {  	s0 =	sor.u32 s4, s0;
	s1 =	sshll.u32 s1, $0x11  }
0xca: {  	s0 =	sor.u32 s1, s0  }
0xcb: {  	s0 =	sadd.s32 $0x8F2B, s0  }
0xcc: {  	[sflag:s0] =	ssyncadd.remote.s32 $0x1  }
0xcd: {  	_ =	sfence.sel $0xFFFF  }
0xce: {  	[dreg:$0x0] =	wrdreg $0xFFFFFFFF;
	(pc) =	sbr.abs _section_cstart, $3  }
0xcf: {  	[dreg:$0x1] =	wrdreg $0xFFFFFFFF  }
0xd0: {  	_ =	task.clear_ibuf [dreg:s22], $0x2FFFF;
	_ =	strace $0x9FFFFFFF  }
0xd1: {  	(tm) =	ssettm $0x7FFFFFFF  }
tec
execute0_lowered:
.L_overlay_start_1:
0x0: {  	(tag) =	ssettag $0x1  }
0x1: {  	s0 =	srdreg.scid  }
0x2: {  	s4 =	rddreg [dreg:$0x0];
	s3 =	sand.u32 $0x1, s0  }
0x3: {  	s6 =	rddreg [dreg:$0x1];
	s0 =	stileid.u32;
	s1 =	sshll.u32 s3, $0x4  }
0x4: {  	s2 =	simm.s32 $0x0;
	s10 =	simm.s32 $0x400;
	s1 =	sor.u32 s0, s1  }
0x5: {  	v0 =	vimm.s32 $0x1400F;
	vm0 =	vcmask $0x2320;
	s11 =	simm.s32 $0x0;
	[smem:$0x7FF] =	sst s2;
	s5 =	sshrl.u32 s1, $0x3  }
0x6: {  	v0 =	vsel vm0, $0x14008, v0;
	vm0 =	vcmask $0x2724;
	s7 =	sshll.u32 s0, $0x7;
	s9 =	ssub.s32 $0x2, s3;
	s8 =	smul.u32 $0x13C00, s5  }
0x7: {  	v0 =	vsel vm0, $0x14009, v0;
	vm0 =	vcmask $0x2B28;
	s3 =	sadd.s32 $0x9BA00, s4;
	s7 =	sand.u32 $0x380, s7;
	s5 =	smul.u32 $0x14000, s5  }
0x8: {  	v3 =	vlaneseq.u32;
	v0 =	vsel vm0, $0x1400A, v0;
	vm0 =	vcmask $0x2F2C;
	s30 =	sshrl.u32 s9, $0x1;
	s1 =	rddreg [dreg:$0x2];
	_ =	strace $0x8000004A  }
0x9: {  	v1 =	vand.u32 $0x7, v3;
	v0 =	vsel vm0, $0x1400B, v0;
	vm0 =	vcmask $0x3330;
	s31 =	ssub.s32 s9, s30;
	s8 =	sor.u32 s7, s8;
	s5 =	sor.u32 s7, s5  }
0xa: {  	v3 =	vor.u32 $0x14000, v3;
	s9 =	simm.s32 $0x80;
	v0 =	vsel vm0, $0x1400C, v0;
	vm0 =	vcmask $0x3734;
	s8 =	sshrl.u32 s8, $0x3;
	s5 =	sshrl.u32 s5, $0x3  }
0xb: {  	v2 =	vsel vm0, $0x1400D, v0;
	vm0 =	vcmask $0x3B38;
	v0 =	vmul.u32 $0x2800, v1;
	s7 =	simm.s32 $0x2780;
	s8 =	sadd.s32 s8, s4;
	s5 =	sadd.s32 s6, s5  }
0xc: {  	v1 =	vsel vm0, $0x1400E, v2;
	vm0 =	vmmov $0xff;
	v2 =	vimm.f32 $1.000000000e+00;
	s6 =	smax.u32 s31, $0x1;
	s4 =	sadd.s32 $0x91C00, s8;
	s8 =	simm.s32 $0x1  }
.LBB2_1:
0xd: {  	[tilespmem:s7], [sflag:$0x1] =	stream.linear.gather [hbm4b:s3+s2], $0x14000, $0x38;
	[tilespmem:$0x16800] =	vst v63  }
0xe: {  	_ =	swait.ge [sflag:s8], $0x14000  }
0xf: {  	[sflag:s8] =	ssyncset.done $0x0  }
0x10: {  	[sflag:s8] =	ssyncadd.s32 $0xFFFEC000  }
0x11: {  	[tilespmem:s2], [sflag:$0x1] =	stream.strided.gather [hbm4b:s4+s9], $0x2780, s10, s9, $0x38;
	[tilespmem:$0x16800] =	vst v63  }
0x12: {  	_ =	swait.ge [sflag:s8], $0x2780  }
0x13: {  	[sflag:s8] =	ssyncset.done $0x0  }
0x14: {  	s13 =	simm.s32 $0x0;
	[sflag:s8] =	ssyncadd.s32 $0xFFFFD880  }
.LBB2_2:
0x15: {  	s12 =	sshra.s32 s13, $0x2  }
0x16: {  	v4 =	vld [tilespmem:s12+$0x0];
	_ =	sdelay $0x4  }
0x17: {  	v4 =	vadd.s32 v0, v4  }
0x18: {  	v5 =	vsel vm0, v4, v1  }
0x19: {  	p0 =	sne.s32 s13, $0x9C00;
	v4 =	vsel vm0, v3, v4  }
.Ltmp0:
0x1a: {  	_ = 	snop;
	(pc) =	sbr.rel @p0 .LBB2_2-.Ltmp0, $4  }
0x1b: {  	_ = 	snop  }
0x1c: {  	s12 =	simm.s32 $0x2780  }
0x1d: {  	[tilespmem:v5+s12+$0x0] =	vst.idx.add.f32.msk $0xffff, v2  }
0x1e: {  	s13 =	sadd.s32 $0x40, s13;
	[tilespmem:v4+s12+$0x0] =	vst.idx.add.f32.msk $0xffff, v2  }
0x1f: {  	s13 =	simm.s32 $0x0  }
0x20: {  	s13 =	sand.u32 $0x3FF0, s13  }
0x21: {  	s14 =	simm.s32 $0x10;
	v4 =	vld [tilespmem:s13+$0x4F80]  }
.LBB2_4:
0x22: {  	p0 =	sne.s32 s14, $0x27F0;
	v5 =	vld [tilespmem:s12+$0x0];
	_ =	sdelay $0x1  }
0x23: {  	v6 =	vld [tilespmem:s13+$0x7780];
	_ =	sdelay $0x1  }
0x24: {  	v7 =	vld [tilespmem:s13+$0x9F80]  }
0x25: {  	v4 =	vadd.f32 v4, v5  }
0x26: {  	v5 =	vld [tilespmem:s13+$0xC780]  }
0x27: {  	v4 =	vadd.f32 v6, v4  }
0x28: {  	v6 =	vld [tilespmem:s13+$0xEF80]  }
0x29: {  	v4 =	vadd.f32 v7, v4  }
0x2a: {  	v7 =	vld [tilespmem:s13+$0x11780]  }
0x2b: {  	v4 =	vadd.f32 v5, v4  }
0x2c: {  	v5 =	vld [tilespmem:s13+$0x13F80]  }
0x2d: {  	v4 =	vadd.f32 v6, v4;
	_ =	sdelay $0x1  }
0x2e: {  	v4 =	vadd.f32 v7, v4  }
.Ltmp1:
0x2f: {  	(pc) =	sbr.rel @p0 .LBB2_4-.Ltmp1, $3  }
0x30: {  	v4 =	vadd.f32 v5, v4;
	_ =	sdelay $0x1  }
0x31: {  	s13 =	sand.u32 $0x3FF0, s14;
	[tilespmem:s12+$0x0] =	vst v4  }
0x32: {  	s14 =	sadd.s32 $0x10, s14;
	s12 =	sadd.s32 $0x10, s12;
	v4 =	vld [tilespmem:s13+$0x4F80]  }
0x33: {  	v5 =	vld [tilespmem:s12+$0x0];
	_ =	sdelay $0x1  }
0x34: {  	v6 =	vld [tilespmem:s13+$0x7780];
	_ =	sdelay $0x1  }
0x35: {  	v7 =	vld [tilespmem:s13+$0x9F80]  }
0x36: {  	v4 =	vadd.f32 v4, v5  }
0x37: {  	v5 =	vld [tilespmem:s13+$0xC780]  }
0x38: {  	v4 =	vadd.f32 v6, v4  }
0x39: {  	v62 =	vld [tilespmem:s13+$0xEF80]  }
0x3a: {  	v4 =	vadd.f32 v7, v4  }
0x3b: {  	v63 =	vld [tilespmem:s13+$0x11780]  }
0x3c: {  	v4 =	vadd.f32 v5, v4  }
0x3d: {  	v5 =	vld [tilespmem:s13+$0x13F80]  }
0x3e: {  	v4 =	vadd.f32 v62, v4;
	_ =	sdelay $0x1  }
0x3f: {  	v4 =	vadd.f32 v63, v4;
	_ =	sdelay $0x1  }
0x40: {  	s11 =	sadd.s32 $0x1, s11;
	v4 =	vadd.f32 v5, v4  }
0x41: {  	p0 =	sne.s32 s11, s6  }
.Ltmp2:
0x42: {  	[tilespmem:s12+$0x0] =	vst v4;
	(pc) =	sbr.rel @p0 .LBB2_1-.Ltmp2, $4  }
0x43: {  	[hbm4b:s5+s9] =	stream.strided.scatter [tilespmem:s7], [sflag:$0x1], $0x2800, s10, s9, $0x38;
	[tilespmem:$0x16800] =	vst v63  }
0x44: {  	_ =	swait.ge [sflag:s8], $0x2800  }
0x45: {  	[sflag:s8] =	ssyncset.done $0x0  }
0x46: {  	[sflag:s8] =	ssyncadd.s32 $0xFFFFD800  }
0x47: {  	_ =	sfence.sel $0x180000  }
0x48: {  	[bflag:$0x0] =	sbarrier.arrive $0xFFFF  }
0x49: {  	p0 =	sne.s32 s0, $0x0;
	_ =	strace $0x9000004A  }
0x4a: {  	s0 =	sadd.s32 @!p0 $0x100000, s1;
	[bflag:$0x2] =	sbarrier.arrive $0xFFFF  }
0x4b: {  	[sflag:s0] =	ssyncadd.tile.s32 @!p0 $0x1;
	_ =	shalt  }
.Lfunc_end2:
_tile_overlayer_lowered:
.L_overlay_start_2:
0x4c: {  	(tag) =	ssettag $0x2  }
0x4d: {  	s0 =	rddreg [dreg:$0x0];
	s2 =	stileid.u32  }
0x4e: {  	s1 =	rddreg [dreg:$0x1];
	p0 =	sne.s32 s2, $0x0  }
0x4f: {  	s3 =	rddreg [dreg:$0x2];
	[bflag:$0x3] =	sbarrier.arrive $0xFFFF;
	s2 =	simm.s32 @!p0 $0x1C01  }
0x50: {  	[timem:s3], [sflag:s2] =	dma.local @!p0 [hbm:s0], s1  }
0x51: {  	s0 =	simm.s32 @!p0 $0x1  }
0x52: {  	_ =	swait.ge @!p0 [sflag:s0], s1  }
0x53: {  	s1 =	ssub.s32 @!p0 $0x0, s1;
	[sflag:s0] =	ssyncset.done @!p0 $0x0  }
0x54: {  	[sflag:s0] =	ssyncadd.s32 @!p0 s1  }
0x55: {  	[bflag:$0x3] =	sbarrier.arrive $0xFFFF  }
0x56: {  	_ =	shalt  }

</sc_bundles>
